<compile_context>
chip_gen: v7x
topology: tpu7x:2x2x1
jax: 0.10.2.dev20260603
libtpu: 0.0.44.dev20260713+nightly
codegen_flags: <defaults>
</compile_context>

<pallas_src>
import functools

import jax
import jax.numpy as jnp
from jax import lax
from jax.experimental import pallas as pl
from jax.experimental.pallas import tpu as pltpu
from jax.experimental.pallas import tpu_sc as plsc

_NC = 2
_NS = 16
_L = 16
_NW = _NC * _NS


def _softplus(t):
    e = jnp.exp(-jnp.abs(t))
    z = e / (e + 2.0)
    u = z * z
    p = 1.0 / 11.0
    p = p * u + 1.0 / 9.0
    p = p * u + 1.0 / 7.0
    p = p * u + 1.0 / 5.0
    p = p * u + 1.0 / 3.0
    p = p * u + 1.0
    return jnp.maximum(t, 0.0) + 2.0 * z * p


@functools.lru_cache(maxsize=None)
def _build(B, P, N, H):
    BW = B // _NW
    NG = BW // _L
    assert BW % _L == 0

    mesh = plsc.VectorSubcoreMesh(core_axis_name="c", subcore_axis_name="s")

    @functools.partial(
        pl.kernel,
        out_type=jax.ShapeDtypeStruct((B,), jnp.float32),
        mesh=mesh,
        compiler_params=pltpu.CompilerParams(
            needs_layout_passes=False, use_tc_tiling_on_sc=False),
        scratch_types=[
            pltpu.VMEM((BW,), jnp.int32),
            pltpu.VMEM((P, BW), jnp.int32),
            pltpu.VMEM((N, BW), jnp.int32),
            pltpu.VMEM((BW, H), jnp.float32),
            pltpu.VMEM((P * BW, H), jnp.float32),
            pltpu.VMEM((N * BW, H), jnp.float32),
            pltpu.VMEM((BW,), jnp.float32),
            pltpu.SemaphoreType.DMA,
        ],
    )
    def sc_kernel(center_hbm, pos_t_hbm, neg_t_hbm, in_emb_hbm, out_emb_hbm,
                  res_hbm, cw_idx, pos_idx, neg_idx, cw_rows, pos_rows,
                  neg_rows, res_v, sem):
        wid = lax.axis_index("s") * _NC + lax.axis_index("c")
        b0 = wid * BW

        pltpu.sync_copy(center_hbm.at[pl.ds(b0, BW)], cw_idx)
        for j in range(P):
            pltpu.sync_copy(pos_t_hbm.at[j, pl.ds(b0, BW)], pos_idx.at[j])
        for j in range(N):
            pltpu.sync_copy(neg_t_hbm.at[j, pl.ds(b0, BW)], neg_idx.at[j])

        copies = [pltpu.async_copy(in_emb_hbm.at[cw_idx], cw_rows, sem)]
        for j in range(P):
            copies.append(pltpu.async_copy(
                out_emb_hbm.at[pos_idx.at[j]],
                pos_rows.at[pl.ds(j * BW, BW)], sem))
        for j in range(N):
            copies.append(pltpu.async_copy(
                out_emb_hbm.at[neg_idx.at[j]],
                neg_rows.at[pl.ds(j * BW, BW)], sem))
        for cp in copies:
            cp.wait()

        iota = lax.iota(jnp.int32, _L)
        cols = [jnp.full((_L,), h, jnp.int32) for h in range(H)]

        def group(g, _):
            lane = g * _L + iota
            cwv = [plsc.load_gather(cw_rows, [lane, cols[h]])
                   for h in range(H)]

            def pos_body(j, tot):
                r = j * BW + lane
                s = plsc.load_gather(pos_rows, [r, cols[0]]) * cwv[0]
                for h in range(1, H):
                    s = s + plsc.load_gather(pos_rows, [r, cols[h]]) * cwv[h]
                return tot + _softplus(-s)

            def neg_body(j, tot):
                r = j * BW + lane
                s = plsc.load_gather(neg_rows, [r, cols[0]]) * cwv[0]
                for h in range(1, H):
                    s = s + plsc.load_gather(neg_rows, [r, cols[h]]) * cwv[h]
                return tot + _softplus(s)

            tot = lax.fori_loop(0, P, pos_body, jnp.zeros((_L,), jnp.float32))
            tot = lax.fori_loop(0, N, neg_body, tot)
            res_v[pl.ds(pl.multiple_of(g * _L, _L), _L)] = tot
            return 0

        lax.fori_loop(0, NG, group, 0)
        pltpu.sync_copy(res_v, res_hbm.at[pl.ds(b0, BW)])

    return sc_kernel


def kernel(center_word_idx, pos_words_idx, neg_words_idx, in_emb, out_emb):
    B, = center_word_idx.shape
    P = pos_words_idx.shape[1]
    N = neg_words_idx.shape[1]
    H = in_emb.shape[1]
    fn = _build(B, P, N, H)
    return fn(center_word_idx.astype(jnp.int32),
              pos_words_idx.T.astype(jnp.int32),
              neg_words_idx.T.astype(jnp.int32),
              in_emb, out_emb)

# --- scband reference (transcript-rebuilt; emitter-appended) ---
"""Pipeline reference for scband-skip-gram-model-52510270161069 (READ-ONLY COPY).

The authoritative reference and input builder live on the scoring server;
editing this copy changes nothing except your own understanding.
"""

import jax, jax.numpy as jnp
import numpy as np

V = 1000000
H = 32
B = 4096
P = 5
N = 20

def setup_inputs(seed: int = 0) -> dict:
    key = jax.random.key(seed)
    k1, k2, k3, k4, k5 = jax.random.split(key, 5)
    center_word_idx = jax.random.randint(k1, (B,), 0, V)
    pos_words_idx = jax.random.randint(k2, (B, P), 0, V)
    neg_words_idx = jax.random.randint(k3, (B, N), 0, V)
    in_emb = jax.random.normal(k4, (V, H), dtype=jnp.float32) * 0.02
    out_emb = jax.random.normal(k5, (V, H), dtype=jnp.float32) * 0.02
    return {
        'center_word_idx': center_word_idx,
        'pos_words_idx': pos_words_idx,
        'neg_words_idx': neg_words_idx,
        'in_emb': in_emb,
        'out_emb': out_emb,
    }

def reference(center_word_idx, pos_words_idx, neg_words_idx, in_emb, out_emb):
    # center_word_idx.squeeze() is a no-op for 1-D input
    cw_emb = jnp.take(in_emb, center_word_idx, axis=0)           # [B, H]
    pos_emb = jnp.take(out_emb, pos_words_idx, axis=0)           # [B, P, H]
    neg_emb = jnp.take(out_emb, neg_words_idx, axis=0)           # [B, N, H]
    # bmm(pos_emb, cw_emb.unsqueeze(2)).squeeze(2) == einsum
    pos_score = jnp.einsum('bph,bh->bp', pos_emb, cw_emb)
    pos_score = -jnp.sum(jax.nn.log_sigmoid(pos_score), axis=1)
    neg_score = jnp.einsum('bnh,bh->bn', neg_emb, -cw_emb)
    neg_score = -jnp.sum(jax.nn.log_sigmoid(neg_score), axis=1)
    return pos_score + neg_score

if __name__ == "__main__":
    import jax
    _d = setup_inputs()
    print(jax.jit(kernel)(*tuple(_d.values())))

</pallas_src>

<mosaic_0001>
#map = affine_map<(d0, d1) -> (0)>
#map1 = affine_map<(d0, d1) -> (0, 0)>
module attributes {stable_mosaic.version = 14 : i64} {
  func.func @sc_kernel(%arg0: i32, %arg1: i32, %arg2: memref<4096xi32, #tpu.memory_space<hbm>>, %arg3: memref<5x4096xi32, #tpu.memory_space<hbm>>, %arg4: memref<20x4096xi32, #tpu.memory_space<hbm>>, %arg5: memref<1000000x32xf32, #tpu.memory_space<hbm>>, %arg6: memref<1000000x32xf32, #tpu.memory_space<hbm>>, %arg7: memref<4096xf32, #tpu.memory_space<hbm>>, %arg8: memref<128xi32, #tpu.memory_space<vmem>>, %arg9: memref<5x128xi32, #tpu.memory_space<vmem>>, %arg10: memref<20x128xi32, #tpu.memory_space<vmem>>, %arg11: memref<128x32xf32, #tpu.memory_space<vmem>>, %arg12: memref<640x32xf32, #tpu.memory_space<vmem>>, %arg13: memref<2560x32xf32, #tpu.memory_space<vmem>>, %arg14: memref<128xf32, #tpu.memory_space<vmem>>, %arg15: memref<!tpu.dma_semaphore, #tpu.memory_space<semaphore_mem>>) attributes {dimension_semantics = [#tpu.dimension_semantics<core_parallel>, #tpu.dimension_semantics<subcore_parallel>], iteration_bounds = array<i64: 2, 16>, scalar_prefetch = 0 : i64, scratch_operands = 8 : i64, tpu.core_type = #tpu.core_type<sc_vector_subcore>, window_params = [{transform_indices = #map}, {transform_indices = #map1}, {transform_indices = #map1}, {transform_indices = #map1}, {transform_indices = #map1}, {transform_indices = #map}]} {
    %mul3A = arith.constant 2 : i32
    %mul3A_0 = arith.muli %arg1, %mul3A : i32
    %add3A = arith.addi %mul3A_0, %arg0 : i32
    %mul3A_1 = arith.constant 128 : i32
    %mul3A_2 = arith.muli %add3A, %mul3A_1 : i32
    "tpu.region"() ({
      %run_scoped3A_625 = tpu.sem_alloc : memref<!tpu.dma_semaphore, #tpu.memory_space<semaphore_mem>>
      %dma_start3A_626 = tpu.memref_slice %arg2[%mul3A_2] : memref<4096xi32, #tpu.memory_space<hbm>> -> memref<128xi32, #tpu.memory_space<hbm>>
      %dma_start3A_627 = tpu.memref_slice %arg2[%mul3A_2] : memref<4096xi32, #tpu.memory_space<hbm>> -> memref<128xi32, #tpu.memory_space<hbm>>
      tpu.enqueue_dma source(%dma_start3A_627 : memref<128xi32, #tpu.memory_space<hbm>>) target(%arg8 : memref<128xi32, #tpu.memory_space<vmem>>) target_semaphore(%run_scoped3A_625 : memref<!tpu.dma_semaphore, #tpu.memory_space<semaphore_mem>>)
      %dma_wait3A_628 = tpu.memref_slice %arg2[%mul3A_2] : memref<4096xi32, #tpu.memory_space<hbm>> -> memref<128xi32, #tpu.memory_space<hbm>>
      %dma_wait3A_629 = tpu.memref_slice %arg2[%mul3A_2] : memref<4096xi32, #tpu.memory_space<hbm>> -> memref<128xi32, #tpu.memory_space<hbm>>
      tpu.wait_dma2 semaphore(%run_scoped3A_625 : memref<!tpu.dma_semaphore, #tpu.memory_space<semaphore_mem>>) src(%dma_wait3A_629 : memref<128xi32, #tpu.memory_space<hbm>>) dst(%arg8 : memref<128xi32, #tpu.memory_space<vmem>>)
      tpu.yield
    }) : () -> ()
    %run_scoped3A = arith.constant 0 : i32
    %run_scoped3A_3 = arith.constant 0 : i32
    "tpu.region"() ({
      %run_scoped3A_625 = tpu.sem_alloc : memref<!tpu.dma_semaphore, #tpu.memory_space<semaphore_mem>>
      %dma_start3A_626 = arith.constant 0 : i32
      %dma_start3A_627 = tpu.memref_slice %arg9[%run_scoped3A_3, %dma_start3A_626] : memref<5x128xi32, #tpu.memory_space<vmem>> -> memref<1x128xi32, #tpu.memory_space<vmem>>
      %dma_start3A_628 = tpu.memref_squeeze %dma_start3A_627 : memref<1x128xi32, #tpu.memory_space<vmem>> -> memref<128xi32, #tpu.memory_space<vmem>>
      %dma_start3A_629 = tpu.memref_slice %arg3[%run_scoped3A, %mul3A_2] : memref<5x4096xi32, #tpu.memory_space<hbm>> -> memref<1x128xi32, #tpu.memory_space<hbm>>
      %dma_start3A_630 = tpu.memref_squeeze %dma_start3A_629 : memref<1x128xi32, #tpu.memory_space<hbm>> -> memref<128xi32, #tpu.memory_space<hbm>>
      %dma_start3A_631 = arith.constant 0 : i32
      %dma_start3A_632 = tpu.memref_slice %arg9[%run_scoped3A_3, %dma_start3A_631] : memref<5x128xi32, #tpu.memory_space<vmem>> -> memref<1x128xi32, #tpu.memory_space<vmem>>
      %dma_start3A_633 = tpu.memref_squeeze %dma_start3A_632 : memref<1x128xi32, #tpu.memory_space<vmem>> -> memref<128xi32, #tpu.memory_space<vmem>>
      %dma_start3A_634 = tpu.memref_slice %arg3[%run_scoped3A, %mul3A_2] : memref<5x4096xi32, #tpu.memory_space<hbm>> -> memref<1x128xi32, #tpu.memory_space<hbm>>
      %dma_start3A_635 = tpu.memref_squeeze %dma_start3A_634 : memref<1x128xi32, #tpu.memory_space<hbm>> -> memref<128xi32, #tpu.memory_space<hbm>>
      tpu.enqueue_dma source(%dma_start3A_635 : memref<128xi32, #tpu.memory_space<hbm>>) target(%dma_start3A_633 : memref<128xi32, #tpu.memory_space<vmem>>) target_semaphore(%run_scoped3A_625 : memref<!tpu.dma_semaphore, #tpu.memory_space<semaphore_mem>>)
      %dma_wait3A_636 = arith.constant 0 : i32
      %dma_wait3A_637 = tpu.memref_slice %arg9[%run_scoped3A_3, %dma_wait3A_636] : memref<5x128xi32, #tpu.memory_space<vmem>> -> memref<1x128xi32, #tpu.memory_space<vmem>>
      %dma_wait3A_638 = tpu.memref_squeeze %dma_wait3A_637 : memref<1x128xi32, #tpu.memory_space<vmem>> -> memref<128xi32, #tpu.memory_space<vmem>>
      %dma_wait3A_639 = tpu.memref_slice %arg3[%run_scoped3A, %mul3A_2] : memref<5x4096xi32, #tpu.memory_space<hbm>> -> memref<1x128xi32, #tpu.memory_space<hbm>>
      %dma_wait3A_640 = tpu.memref_squeeze %dma_wait3A_639 : memref<1x128xi32, #tpu.memory_space<hbm>> -> memref<128xi32, #tpu.memory_space<hbm>>
      %dma_wait3A_641 = arith.constant 0 : i32
      %dma_wait3A_642 = tpu.memref_slice %arg9[%run_scoped3A_3, %dma_wait3A_641] : memref<5x128xi32, #tpu.memory_space<vmem>> -> memref<1x128xi32, #tpu.memory_space<vmem>>
      %dma_wait3A_643 = tpu.memref_squeeze %dma_wait3A_642 : memref<1x128xi32, #tpu.memory_space<vmem>> -> memref<128xi32, #tpu.memory_space<vmem>>
      %dma_wait3A_644 = tpu.memref_slice %arg3[%run_scoped3A, %mul3A_2] : memref<5x4096xi32, #tpu.memory_space<hbm>> -> memref<1x128xi32, #tpu.memory_space<hbm>>
      %dma_wait3A_645 = tpu.memref_squeeze %dma_wait3A_644 : memref<1x128xi32, #tpu.memory_space<hbm>> -> memref<128xi32, #tpu.memory_space<hbm>>
      tpu.wait_dma2 semaphore(%run_scoped3A_625 : memref<!tpu.dma_semaphore, #tpu.memory_space<semaphore_mem>>) src(%dma_wait3A_645 : memref<128xi32, #tpu.memory_space<hbm>>) dst(%dma_wait3A_643 : memref<128xi32, #tpu.memory_space<vmem>>)
      tpu.yield
    }) : () -> ()
    %run_scoped3A_4 = arith.constant 1 : i32
    %run_scoped3A_5 = arith.constant 1 : i32
    "tpu.region"() ({
      %run_scoped3A_625 = tpu.sem_alloc : memref<!tpu.dma_semaphore, #tpu.memory_space<semaphore_mem>>
      %dma_start3A_626 = arith.constant 0 : i32
      %dma_start3A_627 = tpu.memref_slice %arg9[%run_scoped3A_5, %dma_start3A_626] : memref<5x128xi32, #tpu.memory_space<vmem>> -> memref<1x128xi32, #tpu.memory_space<vmem>>
      %dma_start3A_628 = tpu.memref_squeeze %dma_start3A_627 : memref<1x128xi32, #tpu.memory_space<vmem>> -> memref<128xi32, #tpu.memory_space<vmem>>
      %dma_start3A_629 = tpu.memref_slice %arg3[%run_scoped3A_4, %mul3A_2] : memref<5x4096xi32, #tpu.memory_space<hbm>> -> memref<1x128xi32, #tpu.memory_space<hbm>>
      %dma_start3A_630 = tpu.memref_squeeze %dma_start3A_629 : memref<1x128xi32, #tpu.memory_space<hbm>> -> memref<128xi32, #tpu.memory_space<hbm>>
      %dma_start3A_631 = arith.constant 0 : i32
      %dma_start3A_632 = tpu.memref_slice %arg9[%run_scoped3A_5, %dma_start3A_631] : memref<5x128xi32, #tpu.memory_space<vmem>> -> memref<1x128xi32, #tpu.memory_space<vmem>>
      %dma_start3A_633 = tpu.memref_squeeze %dma_start3A_632 : memref<1x128xi32, #tpu.memory_space<vmem>> -> memref<128xi32, #tpu.memory_space<vmem>>
      %dma_start3A_634 = tpu.memref_slice %arg3[%run_scoped3A_4, %mul3A_2] : memref<5x4096xi32, #tpu.memory_space<hbm>> -> memref<1x128xi32, #tpu.memory_space<hbm>>
      %dma_start3A_635 = tpu.memref_squeeze %dma_start3A_634 : memref<1x128xi32, #tpu.memory_space<hbm>> -> memref<128xi32, #tpu.memory_space<hbm>>
      tpu.enqueue_dma source(%dma_start3A_635 : memref<128xi32, #tpu.memory_space<hbm>>) target(%dma_start3A_633 : memref<128xi32, #tpu.memory_space<vmem>>) target_semaphore(%run_scoped3A_625 : memref<!tpu.dma_semaphore, #tpu.memory_space<semaphore_mem>>)
      %dma_wait3A_636 = arith.constant 0 : i32
      %dma_wait3A_637 = tpu.memref_slice %arg9[%run_scoped3A_5, %dma_wait3A_636] : memref<5x128xi32, #tpu.memory_space<vmem>> -> memref<1x128xi32, #tpu.memory_space<vmem>>
      %dma_wait3A_638 = tpu.memref_squeeze %dma_wait3A_637 : memref<1x128xi32, #tpu.memory_space<vmem>> -> memref<128xi32, #tpu.memory_space<vmem>>
      %dma_wait3A_639 = tpu.memref_slice %arg3[%run_scoped3A_4, %mul3A_2] : memref<5x4096xi32, #tpu.memory_space<hbm>> -> memref<1x128xi32, #tpu.memory_space<hbm>>
      %dma_wait3A_640 = tpu.memref_squeeze %dma_wait3A_639 : memref<1x128xi32, #tpu.memory_space<hbm>> -> memref<128xi32, #tpu.memory_space<hbm>>
      %dma_wait3A_641 = arith.constant 0 : i32
      %dma_wait3A_642 = tpu.memref_slice %arg9[%run_scoped3A_5, %dma_wait3A_641] : memref<5x128xi32, #tpu.memory_space<vmem>> -> memref<1x128xi32, #tpu.memory_space<vmem>>
      %dma_wait3A_643 = tpu.memref_squeeze %dma_wait3A_642 : memref<1x128xi32, #tpu.memory_space<vmem>> -> memref<128xi32, #tpu.memory_space<vmem>>
      %dma_wait3A_644 = tpu.memref_slice %arg3[%run_scoped3A_4, %mul3A_2] : memref<5x4096xi32, #tpu.memory_space<hbm>> -> memref<1x128xi32, #tpu.memory_space<hbm>>
      %dma_wait3A_645 = tpu.memref_squeeze %dma_wait3A_644 : memref<1x128xi32, #tpu.memory_space<hbm>> -> memref<128xi32, #tpu.memory_space<hbm>>
      tpu.wait_dma2 semaphore(%run_scoped3A_625 : memref<!tpu.dma_semaphore, #tpu.memory_space<semaphore_mem>>) src(%dma_wait3A_645 : memref<128xi32, #tpu.memory_space<hbm>>) dst(%dma_wait3A_643 : memref<128xi32, #tpu.memory_space<vmem>>)
      tpu.yield
    }) : () -> ()
    %run_scoped3A_6 = arith.constant 2 : i32
    %run_scoped3A_7 = arith.constant 2 : i32
    "tpu.region"() ({
      %run_scoped3A_625 = tpu.sem_alloc : memref<!tpu.dma_semaphore, #tpu.memory_space<semaphore_mem>>
      %dma_start3A_626 = arith.constant 0 : i32
      %dma_start3A_627 = tpu.memref_slice %arg9[%run_scoped3A_7, %dma_start3A_626] : memref<5x128xi32, #tpu.memory_space<vmem>> -> memref<1x128xi32, #tpu.memory_space<vmem>>
      %dma_start3A_628 = tpu.memref_squeeze %dma_start3A_627 : memref<1x128xi32, #tpu.memory_space<vmem>> -> memref<128xi32, #tpu.memory_space<vmem>>
      %dma_start3A_629 = tpu.memref_slice %arg3[%run_scoped3A_6, %mul3A_2] : memref<5x4096xi32, #tpu.memory_space<hbm>> -> memref<1x128xi32, #tpu.memory_space<hbm>>
      %dma_start3A_630 = tpu.memref_squeeze %dma_start3A_629 : memref<1x128xi32, #tpu.memory_space<hbm>> -> memref<128xi32, #tpu.memory_space<hbm>>
      %dma_start3A_631 = arith.constant 0 : i32
      %dma_start3A_632 = tpu.memref_slice %arg9[%run_scoped3A_7, %dma_start3A_631] : memref<5x128xi32, #tpu.memory_space<vmem>> -> memref<1x128xi32, #tpu.memory_space<vmem>>
      %dma_start3A_633 = tpu.memref_squeeze %dma_start3A_632 : memref<1x128xi32, #tpu.memory_space<vmem>> -> memref<128xi32, #tpu.memory_space<vmem>>
      %dma_start3A_634 = tpu.memref_slice %arg3[%run_scoped3A_6, %mul3A_2] : memref<5x4096xi32, #tpu.memory_space<hbm>> -> memref<1x128xi32, #tpu.memory_space<hbm>>
      %dma_start3A_635 = tpu.memref_squeeze %dma_start3A_634 : memref<1x128xi32, #tpu.memory_space<hbm>> -> memref<128xi32, #tpu.memory_space<hbm>>
      tpu.enqueue_dma source(%dma_start3A_635 : memref<128xi32, #tpu.memory_space<hbm>>) target(%dma_start3A_633 : memref<128xi32, #tpu.memory_space<vmem>>) target_semaphore(%run_scoped3A_625 : memref<!tpu.dma_semaphore, #tpu.memory_space<semaphore_mem>>)
      %dma_wait3A_636 = arith.constant 0 : i32
      %dma_wait3A_637 = tpu.memref_slice %arg9[%run_scoped3A_7, %dma_wait3A_636] : memref<5x128xi32, #tpu.memory_space<vmem>> -> memref<1x128xi32, #tpu.memory_space<vmem>>
      %dma_wait3A_638 = tpu.memref_squeeze %dma_wait3A_637 : memref<1x128xi32, #tpu.memory_space<vmem>> -> memref<128xi32, #tpu.memory_space<vmem>>
      %dma_wait3A_639 = tpu.memref_slice %arg3[%run_scoped3A_6, %mul3A_2] : memref<5x4096xi32, #tpu.memory_space<hbm>> -> memref<1x128xi32, #tpu.memory_space<hbm>>
      %dma_wait3A_640 = tpu.memref_squeeze %dma_wait3A_639 : memref<1x128xi32, #tpu.memory_space<hbm>> -> memref<128xi32, #tpu.memory_space<hbm>>
      %dma_wait3A_641 = arith.constant 0 : i32
      %dma_wait3A_642 = tpu.memref_slice %arg9[%run_scoped3A_7, %dma_wait3A_641] : memref<5x128xi32, #tpu.memory_space<vmem>> -> memref<1x128xi32, #tpu.memory_space<vmem>>
      %dma_wait3A_643 = tpu.memref_squeeze %dma_wait3A_642 : memref<1x128xi32, #tpu.memory_space<vmem>> -> memref<128xi32, #tpu.memory_space<vmem>>
      %dma_wait3A_644 = tpu.memref_slice %arg3[%run_scoped3A_6, %mul3A_2] : memref<5x4096xi32, #tpu.memory_space<hbm>> -> memref<1x128xi32, #tpu.memory_space<hbm>>
      %dma_wait3A_645 = tpu.memref_squeeze %dma_wait3A_644 : memref<1x128xi32, #tpu.memory_space<hbm>> -> memref<128xi32, #tpu.memory_space<hbm>>
      tpu.wait_dma2 semaphore(%run_scoped3A_625 : memref<!tpu.dma_semaphore, #tpu.memory_space<semaphore_mem>>) src(%dma_wait3A_645 : memref<128xi32, #tpu.memory_space<hbm>>) dst(%dma_wait3A_643 : memref<128xi32, #tpu.memory_space<vmem>>)
      tpu.yield
    }) : () -> ()
    %run_scoped3A_8 = arith.constant 3 : i32
    %run_scoped3A_9 = arith.constant 3 : i32
    "tpu.region"() ({
      %run_scoped3A_625 = tpu.sem_alloc : memref<!tpu.dma_semaphore, #tpu.memory_space<semaphore_mem>>
      %dma_start3A_626 = arith.constant 0 : i32
      %dma_start3A_627 = tpu.memref_slice %arg9[%run_scoped3A_9, %dma_start3A_626] : memref<5x128xi32, #tpu.memory_space<vmem>> -> memref<1x128xi32, #tpu.memory_space<vmem>>
      %dma_start3A_628 = tpu.memref_squeeze %dma_start3A_627 : memref<1x128xi32, #tpu.memory_space<vmem>> -> memref<128xi32, #tpu.memory_space<vmem>>
      %dma_start3A_629 = tpu.memref_slice %arg3[%run_scoped3A_8, %mul3A_2] : memref<5x4096xi32, #tpu.memory_space<hbm>> -> memref<1x128xi32, #tpu.memory_space<hbm>>
      %dma_start3A_630 = tpu.memref_squeeze %dma_start3A_629 : memref<1x128xi32, #tpu.memory_space<hbm>> -> memref<128xi32, #tpu.memory_space<hbm>>
      %dma_start3A_631 = arith.constant 0 : i32
      %dma_start3A_632 = tpu.memref_slice %arg9[%run_scoped3A_9, %dma_start3A_631] : memref<5x128xi32, #tpu.memory_space<vmem>> -> memref<1x128xi32, #tpu.memory_space<vmem>>
      %dma_start3A_633 = tpu.memref_squeeze %dma_start3A_632 : memref<1x128xi32, #tpu.memory_space<vmem>> -> memref<128xi32, #tpu.memory_space<vmem>>
      %dma_start3A_634 = tpu.memref_slice %arg3[%run_scoped3A_8, %mul3A_2] : memref<5x4096xi32, #tpu.memory_space<hbm>> -> memref<1x128xi32, #tpu.memory_space<hbm>>
      %dma_start3A_635 = tpu.memref_squeeze %dma_start3A_634 : memref<1x128xi32, #tpu.memory_space<hbm>> -> memref<128xi32, #tpu.memory_space<hbm>>
      tpu.enqueue_dma source(%dma_start3A_635 : memref<128xi32, #tpu.memory_space<hbm>>) target(%dma_start3A_633 : memref<128xi32, #tpu.memory_space<vmem>>) target_semaphore(%run_scoped3A_625 : memref<!tpu.dma_semaphore, #tpu.memory_space<semaphore_mem>>)
      %dma_wait3A_636 = arith.constant 0 : i32
      %dma_wait3A_637 = tpu.memref_slice %arg9[%run_scoped3A_9, %dma_wait3A_636] : memref<5x128xi32, #tpu.memory_space<vmem>> -> memref<1x128xi32, #tpu.memory_space<vmem>>
      %dma_wait3A_638 = tpu.memref_squeeze %dma_wait3A_637 : memref<1x128xi32, #tpu.memory_space<vmem>> -> memref<128xi32, #tpu.memory_space<vmem>>
      %dma_wait3A_639 = tpu.memref_slice %arg3[%run_scoped3A_8, %mul3A_2] : memref<5x4096xi32, #tpu.memory_space<hbm>> -> memref<1x128xi32, #tpu.memory_space<hbm>>
      %dma_wait3A_640 = tpu.memref_squeeze %dma_wait3A_639 : memref<1x128xi32, #tpu.memory_space<hbm>> -> memref<128xi32, #tpu.memory_space<hbm>>
      %dma_wait3A_641 = arith.constant 0 : i32
      %dma_wait3A_642 = tpu.memref_slice %arg9[%run_scoped3A_9, %dma_wait3A_641] : memref<5x128xi32, #tpu.memory_space<vmem>> -> memref<1x128xi32, #tpu.memory_space<vmem>>
      %dma_wait3A_643 = tpu.memref_squeeze %dma_wait3A_642 : memref<1x128xi32, #tpu.memory_space<vmem>> -> memref<128xi32, #tpu.memory_space<vmem>>
      %dma_wait3A_644 = tpu.memref_slice %arg3[%run_scoped3A_8, %mul3A_2] : memref<5x4096xi32, #tpu.memory_space<hbm>> -> memref<1x128xi32, #tpu.memory_space<hbm>>
      %dma_wait3A_645 = tpu.memref_squeeze %dma_wait3A_644 : memref<1x128xi32, #tpu.memory_space<hbm>> -> memref<128xi32, #tpu.memory_space<hbm>>
      tpu.wait_dma2 semaphore(%run_scoped3A_625 : memref<!tpu.dma_semaphore, #tpu.memory_space<semaphore_mem>>) src(%dma_wait3A_645 : memref<128xi32, #tpu.memory_space<hbm>>) dst(%dma_wait3A_643 : memref<128xi32, #tpu.memory_space<vmem>>)
      tpu.yield
    }) : () -> ()
    %run_scoped3A_10 = arith.constant 4 : i32
    %run_scoped3A_11 = arith.constant 4 : i32
    "tpu.region"() ({
      %run_scoped3A_625 = tpu.sem_alloc : memref<!tpu.dma_semaphore, #tpu.memory_space<semaphore_mem>>
      %dma_start3A_626 = arith.constant 0 : i32
      %dma_start3A_627 = tpu.memref_slice %arg9[%run_scoped3A_11, %dma_start3A_626] : memref<5x128xi32, #tpu.memory_space<vmem>> -> memref<1x128xi32, #tpu.memory_space<vmem>>
      %dma_start3A_628 = tpu.memref_squeeze %dma_start3A_627 : memref<1x128xi32, #tpu.memory_space<vmem>> -> memref<128xi32, #tpu.memory_space<vmem>>
      %dma_start3A_629 = tpu.memref_slice %arg3[%run_scoped3A_10, %mul3A_2] : memref<5x4096xi32, #tpu.memory_space<hbm>> -> memref<1x128xi32, #tpu.memory_space<hbm>>
      %dma_start3A_630 = tpu.memref_squeeze %dma_start3A_629 : memref<1x128xi32, #tpu.memory_space<hbm>> -> memref<128xi32, #tpu.memory_space<hbm>>
      %dma_start3A_631 = arith.constant 0 : i32
      %dma_start3A_632 = tpu.memref_slice %arg9[%run_scoped3A_11, %dma_start3A_631] : memref<5x128xi32, #tpu.memory_space<vmem>> -> memref<1x128xi32, #tpu.memory_space<vmem>>
      %dma_start3A_633 = tpu.memref_squeeze %dma_start3A_632 : memref<1x128xi32, #tpu.memory_space<vmem>> -> memref<128xi32, #tpu.memory_space<vmem>>
      %dma_start3A_634 = tpu.memref_slice %arg3[%run_scoped3A_10, %mul3A_2] : memref<5x4096xi32, #tpu.memory_space<hbm>> -> memref<1x128xi32, #tpu.memory_space<hbm>>
      %dma_start3A_635 = tpu.memref_squeeze %dma_start3A_634 : memref<1x128xi32, #tpu.memory_space<hbm>> -> memref<128xi32, #tpu.memory_space<hbm>>
      tpu.enqueue_dma source(%dma_start3A_635 : memref<128xi32, #tpu.memory_space<hbm>>) target(%dma_start3A_633 : memref<128xi32, #tpu.memory_space<vmem>>) target_semaphore(%run_scoped3A_625 : memref<!tpu.dma_semaphore, #tpu.memory_space<semaphore_mem>>)
      %dma_wait3A_636 = arith.constant 0 : i32
      %dma_wait3A_637 = tpu.memref_slice %arg9[%run_scoped3A_11, %dma_wait3A_636] : memref<5x128xi32, #tpu.memory_space<vmem>> -> memref<1x128xi32, #tpu.memory_space<vmem>>
      %dma_wait3A_638 = tpu.memref_squeeze %dma_wait3A_637 : memref<1x128xi32, #tpu.memory_space<vmem>> -> memref<128xi32, #tpu.memory_space<vmem>>
      %dma_wait3A_639 = tpu.memref_slice %arg3[%run_scoped3A_10, %mul3A_2] : memref<5x4096xi32, #tpu.memory_space<hbm>> -> memref<1x128xi32, #tpu.memory_space<hbm>>
      %dma_wait3A_640 = tpu.memref_squeeze %dma_wait3A_639 : memref<1x128xi32, #tpu.memory_space<hbm>> -> memref<128xi32, #tpu.memory_space<hbm>>
      %dma_wait3A_641 = arith.constant 0 : i32
      %dma_wait3A_642 = tpu.memref_slice %arg9[%run_scoped3A_11, %dma_wait3A_641] : memref<5x128xi32, #tpu.memory_space<vmem>> -> memref<1x128xi32, #tpu.memory_space<vmem>>
      %dma_wait3A_643 = tpu.memref_squeeze %dma_wait3A_642 : memref<1x128xi32, #tpu.memory_space<vmem>> -> memref<128xi32, #tpu.memory_space<vmem>>
      %dma_wait3A_644 = tpu.memref_slice %arg3[%run_scoped3A_10, %mul3A_2] : memref<5x4096xi32, #tpu.memory_space<hbm>> -> memref<1x128xi32, #tpu.memory_space<hbm>>
      %dma_wait3A_645 = tpu.memref_squeeze %dma_wait3A_644 : memref<1x128xi32, #tpu.memory_space<hbm>> -> memref<128xi32, #tpu.memory_space<hbm>>
      tpu.wait_dma2 semaphore(%run_scoped3A_625 : memref<!tpu.dma_semaphore, #tpu.memory_space<semaphore_mem>>) src(%dma_wait3A_645 : memref<128xi32, #tpu.memory_space<hbm>>) dst(%dma_wait3A_643 : memref<128xi32, #tpu.memory_space<vmem>>)
      tpu.yield
    }) : () -> ()
    %run_scoped3A_12 = arith.constant 0 : i32
    %run_scoped3A_13 = arith.constant 0 : i32
    "tpu.region"() ({
      %run_scoped3A_625 = tpu.sem_alloc : memref<!tpu.dma_semaphore, #tpu.memory_space<semaphore_mem>>
      %dma_start3A_626 = arith.constant 0 : i32
      %dma_start3A_627 = tpu.memref_slice %arg10[%run_scoped3A_13, %dma_start3A_626] : memref<20x128xi32, #tpu.memory_space<vmem>> -> memref<1x128xi32, #tpu.memory_space<vmem>>
      %dma_start3A_628 = tpu.memref_squeeze %dma_start3A_627 : memref<1x128xi32, #tpu.memory_space<vmem>> -> memref<128xi32, #tpu.memory_space<vmem>>
      %dma_start3A_629 = tpu.memref_slice %arg4[%run_scoped3A_12, %mul3A_2] : memref<20x4096xi32, #tpu.memory_space<hbm>> -> memref<1x128xi32, #tpu.memory_space<hbm>>
      %dma_start3A_630 = tpu.memref_squeeze %dma_start3A_629 : memref<1x128xi32, #tpu.memory_space<hbm>> -> memref<128xi32, #tpu.memory_space<hbm>>
      %dma_start3A_631 = arith.constant 0 : i32
      %dma_start3A_632 = tpu.memref_slice %arg10[%run_scoped3A_13, %dma_start3A_631] : memref<20x128xi32, #tpu.memory_space<vmem>> -> memref<1x128xi32, #tpu.memory_space<vmem>>
      %dma_start3A_633 = tpu.memref_squeeze %dma_start3A_632 : memref<1x128xi32, #tpu.memory_space<vmem>> -> memref<128xi32, #tpu.memory_space<vmem>>
      %dma_start3A_634 = tpu.memref_slice %arg4[%run_scoped3A_12, %mul3A_2] : memref<20x4096xi32, #tpu.memory_space<hbm>> -> memref<1x128xi32, #tpu.memory_space<hbm>>
      %dma_start3A_635 = tpu.memref_squeeze %dma_start3A_634 : memref<1x128xi32, #tpu.memory_space<hbm>> -> memref<128xi32, #tpu.memory_space<hbm>>
      tpu.enqueue_dma source(%dma_start3A_635 : memref<128xi32, #tpu.memory_space<hbm>>) target(%dma_start3A_633 : memref<128xi32, #tpu.memory_space<vmem>>) target_semaphore(%run_scoped3A_625 : memref<!tpu.dma_semaphore, #tpu.memory_space<semaphore_mem>>)
      %dma_wait3A_636 = arith.constant 0 : i32
      %dma_wait3A_637 = tpu.memref_slice %arg10[%run_scoped3A_13, %dma_wait3A_636] : memref<20x128xi32, #tpu.memory_space<vmem>> -> memref<1x128xi32, #tpu.memory_space<vmem>>
      %dma_wait3A_638 = tpu.memref_squeeze %dma_wait3A_637 : memref<1x128xi32, #tpu.memory_space<vmem>> -> memref<128xi32, #tpu.memory_space<vmem>>
      %dma_wait3A_639 = tpu.memref_slice %arg4[%run_scoped3A_12, %mul3A_2] : memref<20x4096xi32, #tpu.memory_space<hbm>> -> memref<1x128xi32, #tpu.memory_space<hbm>>
      %dma_wait3A_640 = tpu.memref_squeeze %dma_wait3A_639 : memref<1x128xi32, #tpu.memory_space<hbm>> -> memref<128xi32, #tpu.memory_space<hbm>>
      %dma_wait3A_641 = arith.constant 0 : i32
      %dma_wait3A_642 = tpu.memref_slice %arg10[%run_scoped3A_13, %dma_wait3A_641] : memref<20x128xi32, #tpu.memory_space<vmem>> -> memref<1x128xi32, #tpu.memory_space<vmem>>
      %dma_wait3A_643 = tpu.memref_squeeze %dma_wait3A_642 : memref<1x128xi32, #tpu.memory_space<vmem>> -> memref<128xi32, #tpu.memory_space<vmem>>
      %dma_wait3A_644 = tpu.memref_slice %arg4[%run_scoped3A_12, %mul3A_2] : memref<20x4096xi32, #tpu.memory_space<hbm>> -> memref<1x128xi32, #tpu.memory_space<hbm>>
      %dma_wait3A_645 = tpu.memref_squeeze %dma_wait3A_644 : memref<1x128xi32, #tpu.memory_space<hbm>> -> memref<128xi32, #tpu.memory_space<hbm>>
      tpu.wait_dma2 semaphore(%run_scoped3A_625 : memref<!tpu.dma_semaphore, #tpu.memory_space<semaphore_mem>>) src(%dma_wait3A_645 : memref<128xi32, #tpu.memory_space<hbm>>) dst(%dma_wait3A_643 : memref<128xi32, #tpu.memory_space<vmem>>)
      tpu.yield
    }) : () -> ()
    %run_scoped3A_14 = arith.constant 1 : i32
    %run_scoped3A_15 = arith.constant 1 : i32
    "tpu.region"() ({
      %run_scoped3A_625 = tpu.sem_alloc : memref<!tpu.dma_semaphore, #tpu.memory_space<semaphore_mem>>
      %dma_start3A_626 = arith.constant 0 : i32
      %dma_start3A_627 = tpu.memref_slice %arg10[%run_scoped3A_15, %dma_start3A_626] : memref<20x128xi32, #tpu.memory_space<vmem>> -> memref<1x128xi32, #tpu.memory_space<vmem>>
      %dma_start3A_628 = tpu.memref_squeeze %dma_start3A_627 : memref<1x128xi32, #tpu.memory_space<vmem>> -> memref<128xi32, #tpu.memory_space<vmem>>
      %dma_start3A_629 = tpu.memref_slice %arg4[%run_scoped3A_14, %mul3A_2] : memref<20x4096xi32, #tpu.memory_space<hbm>> -> memref<1x128xi32, #tpu.memory_space<hbm>>
      %dma_start3A_630 = tpu.memref_squeeze %dma_start3A_629 : memref<1x128xi32, #tpu.memory_space<hbm>> -> memref<128xi32, #tpu.memory_space<hbm>>
      %dma_start3A_631 = arith.constant 0 : i32
      %dma_start3A_632 = tpu.memref_slice %arg10[%run_scoped3A_15, %dma_start3A_631] : memref<20x128xi32, #tpu.memory_space<vmem>> -> memref<1x128xi32, #tpu.memory_space<vmem>>
      %dma_start3A_633 = tpu.memref_squeeze %dma_start3A_632 : memref<1x128xi32, #tpu.memory_space<vmem>> -> memref<128xi32, #tpu.memory_space<vmem>>
      %dma_start3A_634 = tpu.memref_slice %arg4[%run_scoped3A_14, %mul3A_2] : memref<20x4096xi32, #tpu.memory_space<hbm>> -> memref<1x128xi32, #tpu.memory_space<hbm>>
      %dma_start3A_635 = tpu.memref_squeeze %dma_start3A_634 : memref<1x128xi32, #tpu.memory_space<hbm>> -> memref<128xi32, #tpu.memory_space<hbm>>
      tpu.enqueue_dma source(%dma_start3A_635 : memref<128xi32, #tpu.memory_space<hbm>>) target(%dma_start3A_633 : memref<128xi32, #tpu.memory_space<vmem>>) target_semaphore(%run_scoped3A_625 : memref<!tpu.dma_semaphore, #tpu.memory_space<semaphore_mem>>)
      %dma_wait3A_636 = arith.constant 0 : i32
      %dma_wait3A_637 = tpu.memref_slice %arg10[%run_scoped3A_15, %dma_wait3A_636] : memref<20x128xi32, #tpu.memory_space<vmem>> -> memref<1x128xi32, #tpu.memory_space<vmem>>
      %dma_wait3A_638 = tpu.memref_squeeze %dma_wait3A_637 : memref<1x128xi32, #tpu.memory_space<vmem>> -> memref<128xi32, #tpu.memory_space<vmem>>
      %dma_wait3A_639 = tpu.memref_slice %arg4[%run_scoped3A_14, %mul3A_2] : memref<20x4096xi32, #tpu.memory_space<hbm>> -> memref<1x128xi32, #tpu.memory_space<hbm>>
      %dma_wait3A_640 = tpu.memref_squeeze %dma_wait3A_639 : memref<1x128xi32, #tpu.memory_space<hbm>> -> memref<128xi32, #tpu.memory_space<hbm>>
      %dma_wait3A_641 = arith.constant 0 : i32
      %dma_wait3A_642 = tpu.memref_slice %arg10[%run_scoped3A_15, %dma_wait3A_641] : memref<20x128xi32, #tpu.memory_space<vmem>> -> memref<1x128xi32, #tpu.memory_space<vmem>>
      %dma_wait3A_643 = tpu.memref_squeeze %dma_wait3A_642 : memref<1x128xi32, #tpu.memory_space<vmem>> -> memref<128xi32, #tpu.memory_space<vmem>>
      %dma_wait3A_644 = tpu.memref_slice %arg4[%run_scoped3A_14, %mul3A_2] : memref<20x4096xi32, #tpu.memory_space<hbm>> -> memref<1x128xi32, #tpu.memory_space<hbm>>
      %dma_wait3A_645 = tpu.memref_squeeze %dma_wait3A_644 : memref<1x128xi32, #tpu.memory_space<hbm>> -> memref<128xi32, #tpu.memory_space<hbm>>
      tpu.wait_dma2 semaphore(%run_scoped3A_625 : memref<!tpu.dma_semaphore, #tpu.memory_space<semaphore_mem>>) src(%dma_wait3A_645 : memref<128xi32, #tpu.memory_space<hbm>>) dst(%dma_wait3A_643 : memref<128xi32, #tpu.memory_space<vmem>>)
      tpu.yield
    }) : () -> ()
    %run_scoped3A_16 = arith.constant 2 : i32
    %run_scoped3A_17 = arith.constant 2 : i32
    "tpu.region"() ({
      %run_scoped3A_625 = tpu.sem_alloc : memref<!tpu.dma_semaphore, #tpu.memory_space<semaphore_mem>>
      %dma_start3A_626 = arith.constant 0 : i32
      %dma_start3A_627 = tpu.memref_slice %arg10[%run_scoped3A_17, %dma_start3A_626] : memref<20x128xi32, #tpu.memory_space<vmem>> -> memref<1x128xi32, #tpu.memory_space<vmem>>
      %dma_start3A_628 = tpu.memref_squeeze %dma_start3A_627 : memref<1x128xi32, #tpu.memory_space<vmem>> -> memref<128xi32, #tpu.memory_space<vmem>>
      %dma_start3A_629 = tpu.memref_slice %arg4[%run_scoped3A_16, %mul3A_2] : memref<20x4096xi32, #tpu.memory_space<hbm>> -> memref<1x128xi32, #tpu.memory_space<hbm>>
      %dma_start3A_630 = tpu.memref_squeeze %dma_start3A_629 : memref<1x128xi32, #tpu.memory_space<hbm>> -> memref<128xi32, #tpu.memory_space<hbm>>
      %dma_start3A_631 = arith.constant 0 : i32
      %dma_start3A_632 = tpu.memref_slice %arg10[%run_scoped3A_17, %dma_start3A_631] : memref<20x128xi32, #tpu.memory_space<vmem>> -> memref<1x128xi32, #tpu.memory_space<vmem>>
      %dma_start3A_633 = tpu.memref_squeeze %dma_start3A_632 : memref<1x128xi32, #tpu.memory_space<vmem>> -> memref<128xi32, #tpu.memory_space<vmem>>
      %dma_start3A_634 = tpu.memref_slice %arg4[%run_scoped3A_16, %mul3A_2] : memref<20x4096xi32, #tpu.memory_space<hbm>> -> memref<1x128xi32, #tpu.memory_space<hbm>>
      %dma_start3A_635 = tpu.memref_squeeze %dma_start3A_634 : memref<1x128xi32, #tpu.memory_space<hbm>> -> memref<128xi32, #tpu.memory_space<hbm>>
      tpu.enqueue_dma source(%dma_start3A_635 : memref<128xi32, #tpu.memory_space<hbm>>) target(%dma_start3A_633 : memref<128xi32, #tpu.memory_space<vmem>>) target_semaphore(%run_scoped3A_625 : memref<!tpu.dma_semaphore, #tpu.memory_space<semaphore_mem>>)
      %dma_wait3A_636 = arith.constant 0 : i32
      %dma_wait3A_637 = tpu.memref_slice %arg10[%run_scoped3A_17, %dma_wait3A_636] : memref<20x128xi32, #tpu.memory_space<vmem>> -> memref<1x128xi32, #tpu.memory_space<vmem>>
      %dma_wait3A_638 = tpu.memref_squeeze %dma_wait3A_637 : memref<1x128xi32, #tpu.memory_space<vmem>> -> memref<128xi32, #tpu.memory_space<vmem>>
      %dma_wait3A_639 = tpu.memref_slice %arg4[%run_scoped3A_16, %mul3A_2] : memref<20x4096xi32, #tpu.memory_space<hbm>> -> memref<1x128xi32, #tpu.memory_space<hbm>>
      %dma_wait3A_640 = tpu.memref_squeeze %dma_wait3A_639 : memref<1x128xi32, #tpu.memory_space<hbm>> -> memref<128xi32, #tpu.memory_space<hbm>>
      %dma_wait3A_641 = arith.constant 0 : i32
      %dma_wait3A_642 = tpu.memref_slice %arg10[%run_scoped3A_17, %dma_wait3A_641] : memref<20x128xi32, #tpu.memory_space<vmem>> -> memref<1x128xi32, #tpu.memory_space<vmem>>
      %dma_wait3A_643 = tpu.memref_squeeze %dma_wait3A_642 : memref<1x128xi32, #tpu.memory_space<vmem>> -> memref<128xi32, #tpu.memory_space<vmem>>
      %dma_wait3A_644 = tpu.memref_slice %arg4[%run_scoped3A_16, %mul3A_2] : memref<20x4096xi32, #tpu.memory_space<hbm>> -> memref<1x128xi32, #tpu.memory_space<hbm>>
      %dma_wait3A_645 = tpu.memref_squeeze %dma_wait3A_644 : memref<1x128xi32, #tpu.memory_space<hbm>> -> memref<128xi32, #tpu.memory_space<hbm>>
      tpu.wait_dma2 semaphore(%run_scoped3A_625 : memref<!tpu.dma_semaphore, #tpu.memory_space<semaphore_mem>>) src(%dma_wait3A_645 : memref<128xi32, #tpu.memory_space<hbm>>) dst(%dma_wait3A_643 : memref<128xi32, #tpu.memory_space<vmem>>)
      tpu.yield
    }) : () -> ()
    %run_scoped3A_18 = arith.constant 3 : i32
    %run_scoped3A_19 = arith.constant 3 : i32
    "tpu.region"() ({
      %run_scoped3A_625 = tpu.sem_alloc : memref<!tpu.dma_semaphore, #tpu.memory_space<semaphore_mem>>
      %dma_start3A_626 = arith.constant 0 : i32
      %dma_start3A_627 = tpu.memref_slice %arg10[%run_scoped3A_19, %dma_start3A_626] : memref<20x128xi32, #tpu.memory_space<vmem>> -> memref<1x128xi32, #tpu.memory_space<vmem>>
      %dma_start3A_628 = tpu.memref_squeeze %dma_start3A_627 : memref<1x128xi32, #tpu.memory_space<vmem>> -> memref<128xi32, #tpu.memory_space<vmem>>
      %dma_start3A_629 = tpu.memref_slice %arg4[%run_scoped3A_18, %mul3A_2] : memref<20x4096xi32, #tpu.memory_space<hbm>> -> memref<1x128xi32, #tpu.memory_space<hbm>>
      %dma_start3A_630 = tpu.memref_squeeze %dma_start3A_629 : memref<1x128xi32, #tpu.memory_space<hbm>> -> memref<128xi32, #tpu.memory_space<hbm>>
      %dma_start3A_631 = arith.constant 0 : i32
      %dma_start3A_632 = tpu.memref_slice %arg10[%run_scoped3A_19, %dma_start3A_631] : memref<20x128xi32, #tpu.memory_space<vmem>> -> memref<1x128xi32, #tpu.memory_space<vmem>>
      %dma_start3A_633 = tpu.memref_squeeze %dma_start3A_632 : memref<1x128xi32, #tpu.memory_space<vmem>> -> memref<128xi32, #tpu.memory_space<vmem>>
      %dma_start3A_634 = tpu.memref_slice %arg4[%run_scoped3A_18, %mul3A_2] : memref<20x4096xi32, #tpu.memory_space<hbm>> -> memref<1x128xi32, #tpu.memory_space<hbm>>
      %dma_start3A_635 = tpu.memref_squeeze %dma_start3A_634 : memref<1x128xi32, #tpu.memory_space<hbm>> -> memref<128xi32, #tpu.memory_space<hbm>>
      tpu.enqueue_dma source(%dma_start3A_635 : memref<128xi32, #tpu.memory_space<hbm>>) target(%dma_start3A_633 : memref<128xi32, #tpu.memory_space<vmem>>) target_semaphore(%run_scoped3A_625 : memref<!tpu.dma_semaphore, #tpu.memory_space<semaphore_mem>>)
      %dma_wait3A_636 = arith.constant 0 : i32
      %dma_wait3A_637 = tpu.memref_slice %arg10[%run_scoped3A_19, %dma_wait3A_636] : memref<20x128xi32, #tpu.memory_space<vmem>> -> memref<1x128xi32, #tpu.memory_space<vmem>>
      %dma_wait3A_638 = tpu.memref_squeeze %dma_wait3A_637 : memref<1x128xi32, #tpu.memory_space<vmem>> -> memref<128xi32, #tpu.memory_space<vmem>>
      %dma_wait3A_639 = tpu.memref_slice %arg4[%run_scoped3A_18, %mul3A_2] : memref<20x4096xi32, #tpu.memory_space<hbm>> -> memref<1x128xi32, #tpu.memory_space<hbm>>
      %dma_wait3A_640 = tpu.memref_squeeze %dma_wait3A_639 : memref<1x128xi32, #tpu.memory_space<hbm>> -> memref<128xi32, #tpu.memory_space<hbm>>
      %dma_wait3A_641 = arith.constant 0 : i32
      %dma_wait3A_642 = tpu.memref_slice %arg10[%run_scoped3A_19, %dma_wait3A_641] : memref<20x128xi32, #tpu.memory_space<vmem>> -> memref<1x128xi32, #tpu.memory_space<vmem>>
      %dma_wait3A_643 = tpu.memref_squeeze %dma_wait3A_642 : memref<1x128xi32, #tpu.memory_space<vmem>> -> memref<128xi32, #tpu.memory_space<vmem>>
      %dma_wait3A_644 = tpu.memref_slice %arg4[%run_scoped3A_18, %mul3A_2] : memref<20x4096xi32, #tpu.memory_space<hbm>> -> memref<1x128xi32, #tpu.memory_space<hbm>>
      %dma_wait3A_645 = tpu.memref_squeeze %dma_wait3A_644 : memref<1x128xi32, #tpu.memory_space<hbm>> -> memref<128xi32, #tpu.memory_space<hbm>>
      tpu.wait_dma2 semaphore(%run_scoped3A_625 : memref<!tpu.dma_semaphore, #tpu.memory_space<semaphore_mem>>) src(%dma_wait3A_645 : memref<128xi32, #tpu.memory_space<hbm>>) dst(%dma_wait3A_643 : memref<128xi32, #tpu.memory_space<vmem>>)
      tpu.yield
    }) : () -> ()
    %run_scoped3A_20 = arith.constant 4 : i32
    %run_scoped3A_21 = arith.constant 4 : i32
    "tpu.region"() ({
      %run_scoped3A_625 = tpu.sem_alloc : memref<!tpu.dma_semaphore, #tpu.memory_space<semaphore_mem>>
      %dma_start3A_626 = arith.constant 0 : i32
      %dma_start3A_627 = tpu.memref_slice %arg10[%run_scoped3A_21, %dma_start3A_626] : memref<20x128xi32, #tpu.memory_space<vmem>> -> memref<1x128xi32, #tpu.memory_space<vmem>>
      %dma_start3A_628 = tpu.memref_squeeze %dma_start3A_627 : memref<1x128xi32, #tpu.memory_space<vmem>> -> memref<128xi32, #tpu.memory_space<vmem>>
      %dma_start3A_629 = tpu.memref_slice %arg4[%run_scoped3A_20, %mul3A_2] : memref<20x4096xi32, #tpu.memory_space<hbm>> -> memref<1x128xi32, #tpu.memory_space<hbm>>
      %dma_start3A_630 = tpu.memref_squeeze %dma_start3A_629 : memref<1x128xi32, #tpu.memory_space<hbm>> -> memref<128xi32, #tpu.memory_space<hbm>>
      %dma_start3A_631 = arith.constant 0 : i32
      %dma_start3A_632 = tpu.memref_slice %arg10[%run_scoped3A_21, %dma_start3A_631] : memref<20x128xi32, #tpu.memory_space<vmem>> -> memref<1x128xi32, #tpu.memory_space<vmem>>
      %dma_start3A_633 = tpu.memref_squeeze %dma_start3A_632 : memref<1x128xi32, #tpu.memory_space<vmem>> -> memref<128xi32, #tpu.memory_space<vmem>>
      %dma_start3A_634 = tpu.memref_slice %arg4[%run_scoped3A_20, %mul3A_2] : memref<20x4096xi32, #tpu.memory_space<hbm>> -> memref<1x128xi32, #tpu.memory_space<hbm>>
      %dma_start3A_635 = tpu.memref_squeeze %dma_start3A_634 : memref<1x128xi32, #tpu.memory_space<hbm>> -> memref<128xi32, #tpu.memory_space<hbm>>
      tpu.enqueue_dma source(%dma_start3A_635 : memref<128xi32, #tpu.memory_space<hbm>>) target(%dma_start3A_633 : memref<128xi32, #tpu.memory_space<vmem>>) target_semaphore(%run_scoped3A_625 : memref<!tpu.dma_semaphore, #tpu.memory_space<semaphore_mem>>)
      %dma_wait3A_636 = arith.constant 0 : i32
      %dma_wait3A_637 = tpu.memref_slice %arg10[%run_scoped3A_21, %dma_wait3A_636] : memref<20x128xi32, #tpu.memory_space<vmem>> -> memref<1x128xi32, #tpu.memory_space<vmem>>
      %dma_wait3A_638 = tpu.memref_squeeze %dma_wait3A_637 : memref<1x128xi32, #tpu.memory_space<vmem>> -> memref<128xi32, #tpu.memory_space<vmem>>
      %dma_wait3A_639 = tpu.memref_slice %arg4[%run_scoped3A_20, %mul3A_2] : memref<20x4096xi32, #tpu.memory_space<hbm>> -> memref<1x128xi32, #tpu.memory_space<hbm>>
      %dma_wait3A_640 = tpu.memref_squeeze %dma_wait3A_639 : memref<1x128xi32, #tpu.memory_space<hbm>> -> memref<128xi32, #tpu.memory_space<hbm>>
      %dma_wait3A_641 = arith.constant 0 : i32
      %dma_wait3A_642 = tpu.memref_slice %arg10[%run_scoped3A_21, %dma_wait3A_641] : memref<20x128xi32, #tpu.memory_space<vmem>> -> memref<1x128xi32, #tpu.memory_space<vmem>>
      %dma_wait3A_643 = tpu.memref_squeeze %dma_wait3A_642 : memref<1x128xi32, #tpu.memory_space<vmem>> -> memref<128xi32, #tpu.memory_space<vmem>>
      %dma_wait3A_644 = tpu.memref_slice %arg4[%run_scoped3A_20, %mul3A_2] : memref<20x4096xi32, #tpu.memory_space<hbm>> -> memref<1x128xi32, #tpu.memory_space<hbm>>
      %dma_wait3A_645 = tpu.memref_squeeze %dma_wait3A_644 : memref<1x128xi32, #tpu.memory_space<hbm>> -> memref<128xi32, #tpu.memory_space<hbm>>
      tpu.wait_dma2 semaphore(%run_scoped3A_625 : memref<!tpu.dma_semaphore, #tpu.memory_space<semaphore_mem>>) src(%dma_wait3A_645 : memref<128xi32, #tpu.memory_space<hbm>>) dst(%dma_wait3A_643 : memref<128xi32, #tpu.memory_space<vmem>>)
      tpu.yield
    }) : () -> ()
    %run_scoped3A_22 = arith.constant 5 : i32
    %run_scoped3A_23 = arith.constant 5 : i32
    "tpu.region"() ({
      %run_scoped3A_625 = tpu.sem_alloc : memref<!tpu.dma_semaphore, #tpu.memory_space<semaphore_mem>>
      %dma_start3A_626 = arith.constant 0 : i32
      %dma_start3A_627 = tpu.memref_slice %arg10[%run_scoped3A_23, %dma_start3A_626] : memref<20x128xi32, #tpu.memory_space<vmem>> -> memref<1x128xi32, #tpu.memory_space<vmem>>
      %dma_start3A_628 = tpu.memref_squeeze %dma_start3A_627 : memref<1x128xi32, #tpu.memory_space<vmem>> -> memref<128xi32, #tpu.memory_space<vmem>>
      %dma_start3A_629 = tpu.memref_slice %arg4[%run_scoped3A_22, %mul3A_2] : memref<20x4096xi32, #tpu.memory_space<hbm>> -> memref<1x128xi32, #tpu.memory_space<hbm>>
      %dma_start3A_630 = tpu.memref_squeeze %dma_start3A_629 : memref<1x128xi32, #tpu.memory_space<hbm>> -> memref<128xi32, #tpu.memory_space<hbm>>
      %dma_start3A_631 = arith.constant 0 : i32
      %dma_start3A_632 = tpu.memref_slice %arg10[%run_scoped3A_23, %dma_start3A_631] : memref<20x128xi32, #tpu.memory_space<vmem>> -> memref<1x128xi32, #tpu.memory_space<vmem>>
      %dma_start3A_633 = tpu.memref_squeeze %dma_start3A_632 : memref<1x128xi32, #tpu.memory_space<vmem>> -> memref<128xi32, #tpu.memory_space<vmem>>
      %dma_start3A_634 = tpu.memref_slice %arg4[%run_scoped3A_22, %mul3A_2] : memref<20x4096xi32, #tpu.memory_space<hbm>> -> memref<1x128xi32, #tpu.memory_space<hbm>>
      %dma_start3A_635 = tpu.memref_squeeze %dma_start3A_634 : memref<1x128xi32, #tpu.memory_space<hbm>> -> memref<128xi32, #tpu.memory_space<hbm>>
      tpu.enqueue_dma source(%dma_start3A_635 : memref<128xi32, #tpu.memory_space<hbm>>) target(%dma_start3A_633 : memref<128xi32, #tpu.memory_space<vmem>>) target_semaphore(%run_scoped3A_625 : memref<!tpu.dma_semaphore, #tpu.memory_space<semaphore_mem>>)
      %dma_wait3A_636 = arith.constant 0 : i32
      %dma_wait3A_637 = tpu.memref_slice %arg10[%run_scoped3A_23, %dma_wait3A_636] : memref<20x128xi32, #tpu.memory_space<vmem>> -> memref<1x128xi32, #tpu.memory_space<vmem>>
      %dma_wait3A_638 = tpu.memref_squeeze %dma_wait3A_637 : memref<1x128xi32, #tpu.memory_space<vmem>> -> memref<128xi32, #tpu.memory_space<vmem>>
      %dma_wait3A_639 = tpu.memref_slice %arg4[%run_scoped3A_22, %mul3A_2] : memref<20x4096xi32, #tpu.memory_space<hbm>> -> memref<1x128xi32, #tpu.memory_space<hbm>>
      %dma_wait3A_640 = tpu.memref_squeeze %dma_wait3A_639 : memref<1x128xi32, #tpu.memory_space<hbm>> -> memref<128xi32, #tpu.memory_space<hbm>>
      %dma_wait3A_641 = arith.constant 0 : i32
      %dma_wait3A_642 = tpu.memref_slice %arg10[%run_scoped3A_23, %dma_wait3A_641] : memref<20x128xi32, #tpu.memory_space<vmem>> -> memref<1x128xi32, #tpu.memory_space<vmem>>
      %dma_wait3A_643 = tpu.memref_squeeze %dma_wait3A_642 : memref<1x128xi32, #tpu.memory_space<vmem>> -> memref<128xi32, #tpu.memory_space<vmem>>
      %dma_wait3A_644 = tpu.memref_slice %arg4[%run_scoped3A_22, %mul3A_2] : memref<20x4096xi32, #tpu.memory_space<hbm>> -> memref<1x128xi32, #tpu.memory_space<hbm>>
      %dma_wait3A_645 = tpu.memref_squeeze %dma_wait3A_644 : memref<1x128xi32, #tpu.memory_space<hbm>> -> memref<128xi32, #tpu.memory_space<hbm>>
      tpu.wait_dma2 semaphore(%run_scoped3A_625 : memref<!tpu.dma_semaphore, #tpu.memory_space<semaphore_mem>>) src(%dma_wait3A_645 : memref<128xi32, #tpu.memory_space<hbm>>) dst(%dma_wait3A_643 : memref<128xi32, #tpu.memory_space<vmem>>)
      tpu.yield
    }) : () -> ()
    %run_scoped3A_24 = arith.constant 6 : i32
    %run_scoped3A_25 = arith.constant 6 : i32
    "tpu.region"() ({
      %run_scoped3A_625 = tpu.sem_alloc : memref<!tpu.dma_semaphore, #tpu.memory_space<semaphore_mem>>
      %dma_start3A_626 = arith.constant 0 : i32
      %dma_start3A_627 = tpu.memref_slice %arg10[%run_scoped3A_25, %dma_start3A_626] : memref<20x128xi32, #tpu.memory_space<vmem>> -> memref<1x128xi32, #tpu.memory_space<vmem>>
      %dma_start3A_628 = tpu.memref_squeeze %dma_start3A_627 : memref<1x128xi32, #tpu.memory_space<vmem>> -> memref<128xi32, #tpu.memory_space<vmem>>
      %dma_start3A_629 = tpu.memref_slice %arg4[%run_scoped3A_24, %mul3A_2] : memref<20x4096xi32, #tpu.memory_space<hbm>> -> memref<1x128xi32, #tpu.memory_space<hbm>>
      %dma_start3A_630 = tpu.memref_squeeze %dma_start3A_629 : memref<1x128xi32, #tpu.memory_space<hbm>> -> memref<128xi32, #tpu.memory_space<hbm>>
      %dma_start3A_631 = arith.constant 0 : i32
      %dma_start3A_632 = tpu.memref_slice %arg10[%run_scoped3A_25, %dma_start3A_631] : memref<20x128xi32, #tpu.memory_space<vmem>> -> memref<1x128xi32, #tpu.memory_space<vmem>>
      %dma_start3A_633 = tpu.memref_squeeze %dma_start3A_632 : memref<1x128xi32, #tpu.memory_space<vmem>> -> memref<128xi32, #tpu.memory_space<vmem>>
      %dma_start3A_634 = tpu.memref_slice %arg4[%run_scoped3A_24, %mul3A_2] : memref<20x4096xi32, #tpu.memory_space<hbm>> -> memref<1x128xi32, #tpu.memory_space<hbm>>
      %dma_start3A_635 = tpu.memref_squeeze %dma_start3A_634 : memref<1x128xi32, #tpu.memory_space<hbm>> -> memref<128xi32, #tpu.memory_space<hbm>>
      tpu.enqueue_dma source(%dma_start3A_635 : memref<128xi32, #tpu.memory_space<hbm>>) target(%dma_start3A_633 : memref<128xi32, #tpu.memory_space<vmem>>) target_semaphore(%run_scoped3A_625 : memref<!tpu.dma_semaphore, #tpu.memory_space<semaphore_mem>>)
      %dma_wait3A_636 = arith.constant 0 : i32
      %dma_wait3A_637 = tpu.memref_slice %arg10[%run_scoped3A_25, %dma_wait3A_636] : memref<20x128xi32, #tpu.memory_space<vmem>> -> memref<1x128xi32, #tpu.memory_space<vmem>>
      %dma_wait3A_638 = tpu.memref_squeeze %dma_wait3A_637 : memref<1x128xi32, #tpu.memory_space<vmem>> -> memref<128xi32, #tpu.memory_space<vmem>>
      %dma_wait3A_639 = tpu.memref_slice %arg4[%run_scoped3A_24, %mul3A_2] : memref<20x4096xi32, #tpu.memory_space<hbm>> -> memref<1x128xi32, #tpu.memory_space<hbm>>
      %dma_wait3A_640 = tpu.memref_squeeze %dma_wait3A_639 : memref<1x128xi32, #tpu.memory_space<hbm>> -> memref<128xi32, #tpu.memory_space<hbm>>
      %dma_wait3A_641 = arith.constant 0 : i32
      %dma_wait3A_642 = tpu.memref_slice %arg10[%run_scoped3A_25, %dma_wait3A_641] : memref<20x128xi32, #tpu.memory_space<vmem>> -> memref<1x128xi32, #tpu.memory_space<vmem>>
      %dma_wait3A_643 = tpu.memref_squeeze %dma_wait3A_642 : memref<1x128xi32, #tpu.memory_space<vmem>> -> memref<128xi32, #tpu.memory_space<vmem>>
      %dma_wait3A_644 = tpu.memref_slice %arg4[%run_scoped3A_24, %mul3A_2] : memref<20x4096xi32, #tpu.memory_space<hbm>> -> memref<1x128xi32, #tpu.memory_space<hbm>>
      %dma_wait3A_645 = tpu.memref_squeeze %dma_wait3A_644 : memref<1x128xi32, #tpu.memory_space<hbm>> -> memref<128xi32, #tpu.memory_space<hbm>>
      tpu.wait_dma2 semaphore(%run_scoped3A_625 : memref<!tpu.dma_semaphore, #tpu.memory_space<semaphore_mem>>) src(%dma_wait3A_645 : memref<128xi32, #tpu.memory_space<hbm>>) dst(%dma_wait3A_643 : memref<128xi32, #tpu.memory_space<vmem>>)
      tpu.yield
    }) : () -> ()
    %run_scoped3A_26 = arith.constant 7 : i32
    %run_scoped3A_27 = arith.constant 7 : i32
    "tpu.region"() ({
      %run_scoped3A_625 = tpu.sem_alloc : memref<!tpu.dma_semaphore, #tpu.memory_space<semaphore_mem>>
      %dma_start3A_626 = arith.constant 0 : i32
      %dma_start3A_627 = tpu.memref_slice %arg10[%run_scoped3A_27, %dma_start3A_626] : memref<20x128xi32, #tpu.memory_space<vmem>> -> memref<1x128xi32, #tpu.memory_space<vmem>>
      %dma_start3A_628 = tpu.memref_squeeze %dma_start3A_627 : memref<1x128xi32, #tpu.memory_space<vmem>> -> memref<128xi32, #tpu.memory_space<vmem>>
      %dma_start3A_629 = tpu.memref_slice %arg4[%run_scoped3A_26, %mul3A_2] : memref<20x4096xi32, #tpu.memory_space<hbm>> -> memref<1x128xi32, #tpu.memory_space<hbm>>
      %dma_start3A_630 = tpu.memref_squeeze %dma_start3A_629 : memref<1x128xi32, #tpu.memory_space<hbm>> -> memref<128xi32, #tpu.memory_space<hbm>>
      %dma_start3A_631 = arith.constant 0 : i32
      %dma_start3A_632 = tpu.memref_slice %arg10[%run_scoped3A_27, %dma_start3A_631] : memref<20x128xi32, #tpu.memory_space<vmem>> -> memref<1x128xi32, #tpu.memory_space<vmem>>
      %dma_start3A_633 = tpu.memref_squeeze %dma_start3A_632 : memref<1x128xi32, #tpu.memory_space<vmem>> -> memref<128xi32, #tpu.memory_space<vmem>>
      %dma_start3A_634 = tpu.memref_slice %arg4[%run_scoped3A_26, %mul3A_2] : memref<20x4096xi32, #tpu.memory_space<hbm>> -> memref<1x128xi32, #tpu.memory_space<hbm>>
      %dma_start3A_635 = tpu.memref_squeeze %dma_start3A_634 : memref<1x128xi32, #tpu.memory_space<hbm>> -> memref<128xi32, #tpu.memory_space<hbm>>
      tpu.enqueue_dma source(%dma_start3A_635 : memref<128xi32, #tpu.memory_space<hbm>>) target(%dma_start3A_633 : memref<128xi32, #tpu.memory_space<vmem>>) target_semaphore(%run_scoped3A_625 : memref<!tpu.dma_semaphore, #tpu.memory_space<semaphore_mem>>)
      %dma_wait3A_636 = arith.constant 0 : i32
      %dma_wait3A_637 = tpu.memref_slice %arg10[%run_scoped3A_27, %dma_wait3A_636] : memref<20x128xi32, #tpu.memory_space<vmem>> -> memref<1x128xi32, #tpu.memory_space<vmem>>
      %dma_wait3A_638 = tpu.memref_squeeze %dma_wait3A_637 : memref<1x128xi32, #tpu.memory_space<vmem>> -> memref<128xi32, #tpu.memory_space<vmem>>
      %dma_wait3A_639 = tpu.memref_slice %arg4[%run_scoped3A_26, %mul3A_2] : memref<20x4096xi32, #tpu.memory_space<hbm>> -> memref<1x128xi32, #tpu.memory_space<hbm>>
      %dma_wait3A_640 = tpu.memref_squeeze %dma_wait3A_639 : memref<1x128xi32, #tpu.memory_space<hbm>> -> memref<128xi32, #tpu.memory_space<hbm>>
      %dma_wait3A_641 = arith.constant 0 : i32
      %dma_wait3A_642 = tpu.memref_slice %arg10[%run_scoped3A_27, %dma_wait3A_641] : memref<20x128xi32, #tpu.memory_space<vmem>> -> memref<1x128xi32, #tpu.memory_space<vmem>>
      %dma_wait3A_643 = tpu.memref_squeeze %dma_wait3A_642 : memref<1x128xi32, #tpu.memory_space<vmem>> -> memref<128xi32, #tpu.memory_space<vmem>>
      %dma_wait3A_644 = tpu.memref_slice %arg4[%run_scoped3A_26, %mul3A_2] : memref<20x4096xi32, #tpu.memory_space<hbm>> -> memref<1x128xi32, #tpu.memory_space<hbm>>
      %dma_wait3A_645 = tpu.memref_squeeze %dma_wait3A_644 : memref<1x128xi32, #tpu.memory_space<hbm>> -> memref<128xi32, #tpu.memory_space<hbm>>
      tpu.wait_dma2 semaphore(%run_scoped3A_625 : memref<!tpu.dma_semaphore, #tpu.memory_space<semaphore_mem>>) src(%dma_wait3A_645 : memref<128xi32, #tpu.memory_space<hbm>>) dst(%dma_wait3A_643 : memref<128xi32, #tpu.memory_space<vmem>>)
      tpu.yield
    }) : () -> ()
    %run_scoped3A_28 = arith.constant 8 : i32
    %run_scoped3A_29 = arith.constant 8 : i32
    "tpu.region"() ({
      %run_scoped3A_625 = tpu.sem_alloc : memref<!tpu.dma_semaphore, #tpu.memory_space<semaphore_mem>>
      %dma_start3A_626 = arith.constant 0 : i32
      %dma_start3A_627 = tpu.memref_slice %arg10[%run_scoped3A_29, %dma_start3A_626] : memref<20x128xi32, #tpu.memory_space<vmem>> -> memref<1x128xi32, #tpu.memory_space<vmem>>
      %dma_start3A_628 = tpu.memref_squeeze %dma_start3A_627 : memref<1x128xi32, #tpu.memory_space<vmem>> -> memref<128xi32, #tpu.memory_space<vmem>>
      %dma_start3A_629 = tpu.memref_slice %arg4[%run_scoped3A_28, %mul3A_2] : memref<20x4096xi32, #tpu.memory_space<hbm>> -> memref<1x128xi32, #tpu.memory_space<hbm>>
      %dma_start3A_630 = tpu.memref_squeeze %dma_start3A_629 : memref<1x128xi32, #tpu.memory_space<hbm>> -> memref<128xi32, #tpu.memory_space<hbm>>
      %dma_start3A_631 = arith.constant 0 : i32
      %dma_start3A_632 = tpu.memref_slice %arg10[%run_scoped3A_29, %dma_start3A_631] : memref<20x128xi32, #tpu.memory_space<vmem>> -> memref<1x128xi32, #tpu.memory_space<vmem>>
      %dma_start3A_633 = tpu.memref_squeeze %dma_start3A_632 : memref<1x128xi32, #tpu.memory_space<vmem>> -> memref<128xi32, #tpu.memory_space<vmem>>
      %dma_start3A_634 = tpu.memref_slice %arg4[%run_scoped3A_28, %mul3A_2] : memref<20x4096xi32, #tpu.memory_space<hbm>> -> memref<1x128xi32, #tpu.memory_space<hbm>>
      %dma_start3A_635 = tpu.memref_squeeze %dma_start3A_634 : memref<1x128xi32, #tpu.memory_space<hbm>> -> memref<128xi32, #tpu.memory_space<hbm>>
      tpu.enqueue_dma source(%dma_start3A_635 : memref<128xi32, #tpu.memory_space<hbm>>) target(%dma_start3A_633 : memref<128xi32, #tpu.memory_space<vmem>>) target_semaphore(%run_scoped3A_625 : memref<!tpu.dma_semaphore, #tpu.memory_space<semaphore_mem>>)
      %dma_wait3A_636 = arith.constant 0 : i32
      %dma_wait3A_637 = tpu.memref_slice %arg10[%run_scoped3A_29, %dma_wait3A_636] : memref<20x128xi32, #tpu.memory_space<vmem>> -> memref<1x128xi32, #tpu.memory_space<vmem>>
      %dma_wait3A_638 = tpu.memref_squeeze %dma_wait3A_637 : memref<1x128xi32, #tpu.memory_space<vmem>> -> memref<128xi32, #tpu.memory_space<vmem>>
      %dma_wait3A_639 = tpu.memref_slice %arg4[%run_scoped3A_28, %mul3A_2] : memref<20x4096xi32, #tpu.memory_space<hbm>> -> memref<1x128xi32, #tpu.memory_space<hbm>>
      %dma_wait3A_640 = tpu.memref_squeeze %dma_wait3A_639 : memref<1x128xi32, #tpu.memory_space<hbm>> -> memref<128xi32, #tpu.memory_space<hbm>>
      %dma_wait3A_641 = arith.constant 0 : i32
      %dma_wait3A_642 = tpu.memref_slice %arg10[%run_scoped3A_29, %dma_wait3A_641] : memref<20x128xi32, #tpu.memory_space<vmem>> -> memref<1x128xi32, #tpu.memory_space<vmem>>
      %dma_wait3A_643 = tpu.memref_squeeze %dma_wait3A_642 : memref<1x128xi32, #tpu.memory_space<vmem>> -> memref<128xi32, #tpu.memory_space<vmem>>
      %dma_wait3A_644 = tpu.memref_slice %arg4[%run_scoped3A_28, %mul3A_2] : memref<20x4096xi32, #tpu.memory_space<hbm>> -> memref<1x128xi32, #tpu.memory_space<hbm>>
      %dma_wait3A_645 = tpu.memref_squeeze %dma_wait3A_644 : memref<1x128xi32, #tpu.memory_space<hbm>> -> memref<128xi32, #tpu.memory_space<hbm>>
      tpu.wait_dma2 semaphore(%run_scoped3A_625 : memref<!tpu.dma_semaphore, #tpu.memory_space<semaphore_mem>>) src(%dma_wait3A_645 : memref<128xi32, #tpu.memory_space<hbm>>) dst(%dma_wait3A_643 : memref<128xi32, #tpu.memory_space<vmem>>)
      tpu.yield
    }) : () -> ()
    %run_scoped3A_30 = arith.constant 9 : i32
    %run_scoped3A_31 = arith.constant 9 : i32
    "tpu.region"() ({
      %run_scoped3A_625 = tpu.sem_alloc : memref<!tpu.dma_semaphore, #tpu.memory_space<semaphore_mem>>
      %dma_start3A_626 = arith.constant 0 : i32
      %dma_start3A_627 = tpu.memref_slice %arg10[%run_scoped3A_31, %dma_start3A_626] : memref<20x128xi32, #tpu.memory_space<vmem>> -> memref<1x128xi32, #tpu.memory_space<vmem>>
      %dma_start3A_628 = tpu.memref_squeeze %dma_start3A_627 : memref<1x128xi32, #tpu.memory_space<vmem>> -> memref<128xi32, #tpu.memory_space<vmem>>
      %dma_start3A_629 = tpu.memref_slice %arg4[%run_scoped3A_30, %mul3A_2] : memref<20x4096xi32, #tpu.memory_space<hbm>> -> memref<1x128xi32, #tpu.memory_space<hbm>>
      %dma_start3A_630 = tpu.memref_squeeze %dma_start3A_629 : memref<1x128xi32, #tpu.memory_space<hbm>> -> memref<128xi32, #tpu.memory_space<hbm>>
      %dma_start3A_631 = arith.constant 0 : i32
      %dma_start3A_632 = tpu.memref_slice %arg10[%run_scoped3A_31, %dma_start3A_631] : memref<20x128xi32, #tpu.memory_space<vmem>> -> memref<1x128xi32, #tpu.memory_space<vmem>>
      %dma_start3A_633 = tpu.memref_squeeze %dma_start3A_632 : memref<1x128xi32, #tpu.memory_space<vmem>> -> memref<128xi32, #tpu.memory_space<vmem>>
      %dma_start3A_634 = tpu.memref_slice %arg4[%run_scoped3A_30, %mul3A_2] : memref<20x4096xi32, #tpu.memory_space<hbm>> -> memref<1x128xi32, #tpu.memory_space<hbm>>
      %dma_start3A_635 = tpu.memref_squeeze %dma_start3A_634 : memref<1x128xi32, #tpu.memory_space<hbm>> -> memref<128xi32, #tpu.memory_space<hbm>>
      tpu.enqueue_dma source(%dma_start3A_635 : memref<128xi32, #tpu.memory_space<hbm>>) target(%dma_start3A_633 : memref<128xi32, #tpu.memory_space<vmem>>) target_semaphore(%run_scoped3A_625 : memref<!tpu.dma_semaphore, #tpu.memory_space<semaphore_mem>>)
      %dma_wait3A_636 = arith.constant 0 : i32
      %dma_wait3A_637 = tpu.memref_slice %arg10[%run_scoped3A_31, %dma_wait3A_636] : memref<20x128xi32, #tpu.memory_space<vmem>> -> memref<1x128xi32, #tpu.memory_space<vmem>>
      %dma_wait3A_638 = tpu.memref_squeeze %dma_wait3A_637 : memref<1x128xi32, #tpu.memory_space<vmem>> -> memref<128xi32, #tpu.memory_space<vmem>>
      %dma_wait3A_639 = tpu.memref_slice %arg4[%run_scoped3A_30, %mul3A_2] : memref<20x4096xi32, #tpu.memory_space<hbm>> -> memref<1x128xi32, #tpu.memory_space<hbm>>
      %dma_wait3A_640 = tpu.memref_squeeze %dma_wait3A_639 : memref<1x128xi32, #tpu.memory_space<hbm>> -> memref<128xi32, #tpu.memory_space<hbm>>
      %dma_wait3A_641 = arith.constant 0 : i32
      %dma_wait3A_642 = tpu.memref_slice %arg10[%run_scoped3A_31, %dma_wait3A_641] : memref<20x128xi32, #tpu.memory_space<vmem>> -> memref<1x128xi32, #tpu.memory_space<vmem>>
      %dma_wait3A_643 = tpu.memref_squeeze %dma_wait3A_642 : memref<1x128xi32, #tpu.memory_space<vmem>> -> memref<128xi32, #tpu.memory_space<vmem>>
      %dma_wait3A_644 = tpu.memref_slice %arg4[%run_scoped3A_30, %mul3A_2] : memref<20x4096xi32, #tpu.memory_space<hbm>> -> memref<1x128xi32, #tpu.memory_space<hbm>>
      %dma_wait3A_645 = tpu.memref_squeeze %dma_wait3A_644 : memref<1x128xi32, #tpu.memory_space<hbm>> -> memref<128xi32, #tpu.memory_space<hbm>>
      tpu.wait_dma2 semaphore(%run_scoped3A_625 : memref<!tpu.dma_semaphore, #tpu.memory_space<semaphore_mem>>) src(%dma_wait3A_645 : memref<128xi32, #tpu.memory_space<hbm>>) dst(%dma_wait3A_643 : memref<128xi32, #tpu.memory_space<vmem>>)
      tpu.yield
    }) : () -> ()
    %run_scoped3A_32 = arith.constant 10 : i32
    %run_scoped3A_33 = arith.constant 10 : i32
    "tpu.region"() ({
      %run_scoped3A_625 = tpu.sem_alloc : memref<!tpu.dma_semaphore, #tpu.memory_space<semaphore_mem>>
      %dma_start3A_626 = arith.constant 0 : i32
      %dma_start3A_627 = tpu.memref_slice %arg10[%run_scoped3A_33, %dma_start3A_626] : memref<20x128xi32, #tpu.memory_space<vmem>> -> memref<1x128xi32, #tpu.memory_space<vmem>>
      %dma_start3A_628 = tpu.memref_squeeze %dma_start3A_627 : memref<1x128xi32, #tpu.memory_space<vmem>> -> memref<128xi32, #tpu.memory_space<vmem>>
      %dma_start3A_629 = tpu.memref_slice %arg4[%run_scoped3A_32, %mul3A_2] : memref<20x4096xi32, #tpu.memory_space<hbm>> -> memref<1x128xi32, #tpu.memory_space<hbm>>
      %dma_start3A_630 = tpu.memref_squeeze %dma_start3A_629 : memref<1x128xi32, #tpu.memory_space<hbm>> -> memref<128xi32, #tpu.memory_space<hbm>>
      %dma_start3A_631 = arith.constant 0 : i32
      %dma_start3A_632 = tpu.memref_slice %arg10[%run_scoped3A_33, %dma_start3A_631] : memref<20x128xi32, #tpu.memory_space<vmem>> -> memref<1x128xi32, #tpu.memory_space<vmem>>
      %dma_start3A_633 = tpu.memref_squeeze %dma_start3A_632 : memref<1x128xi32, #tpu.memory_space<vmem>> -> memref<128xi32, #tpu.memory_space<vmem>>
      %dma_start3A_634 = tpu.memref_slice %arg4[%run_scoped3A_32, %mul3A_2] : memref<20x4096xi32, #tpu.memory_space<hbm>> -> memref<1x128xi32, #tpu.memory_space<hbm>>
      %dma_start3A_635 = tpu.memref_squeeze %dma_start3A_634 : memref<1x128xi32, #tpu.memory_space<hbm>> -> memref<128xi32, #tpu.memory_space<hbm>>
      tpu.enqueue_dma source(%dma_start3A_635 : memref<128xi32, #tpu.memory_space<hbm>>) target(%dma_start3A_633 : memref<128xi32, #tpu.memory_space<vmem>>) target_semaphore(%run_scoped3A_625 : memref<!tpu.dma_semaphore, #tpu.memory_space<semaphore_mem>>)
      %dma_wait3A_636 = arith.constant 0 : i32
      %dma_wait3A_637 = tpu.memref_slice %arg10[%run_scoped3A_33, %dma_wait3A_636] : memref<20x128xi32, #tpu.memory_space<vmem>> -> memref<1x128xi32, #tpu.memory_space<vmem>>
      %dma_wait3A_638 = tpu.memref_squeeze %dma_wait3A_637 : memref<1x128xi32, #tpu.memory_space<vmem>> -> memref<128xi32, #tpu.memory_space<vmem>>
      %dma_wait3A_639 = tpu.memref_slice %arg4[%run_scoped3A_32, %mul3A_2] : memref<20x4096xi32, #tpu.memory_space<hbm>> -> memref<1x128xi32, #tpu.memory_space<hbm>>
      %dma_wait3A_640 = tpu.memref_squeeze %dma_wait3A_639 : memref<1x128xi32, #tpu.memory_space<hbm>> -> memref<128xi32, #tpu.memory_space<hbm>>
      %dma_wait3A_641 = arith.constant 0 : i32
      %dma_wait3A_642 = tpu.memref_slice %arg10[%run_scoped3A_33, %dma_wait3A_641] : memref<20x128xi32, #tpu.memory_space<vmem>> -> memref<1x128xi32, #tpu.memory_space<vmem>>
      %dma_wait3A_643 = tpu.memref_squeeze %dma_wait3A_642 : memref<1x128xi32, #tpu.memory_space<vmem>> -> memref<128xi32, #tpu.memory_space<vmem>>
      %dma_wait3A_644 = tpu.memref_slice %arg4[%run_scoped3A_32, %mul3A_2] : memref<20x4096xi32, #tpu.memory_space<hbm>> -> memref<1x128xi32, #tpu.memory_space<hbm>>
      %dma_wait3A_645 = tpu.memref_squeeze %dma_wait3A_644 : memref<1x128xi32, #tpu.memory_space<hbm>> -> memref<128xi32, #tpu.memory_space<hbm>>
      tpu.wait_dma2 semaphore(%run_scoped3A_625 : memref<!tpu.dma_semaphore, #tpu.memory_space<semaphore_mem>>) src(%dma_wait3A_645 : memref<128xi32, #tpu.memory_space<hbm>>) dst(%dma_wait3A_643 : memref<128xi32, #tpu.memory_space<vmem>>)
      tpu.yield
    }) : () -> ()
    %run_scoped3A_34 = arith.constant 11 : i32
    %run_scoped3A_35 = arith.constant 11 : i32
    "tpu.region"() ({
      %run_scoped3A_625 = tpu.sem_alloc : memref<!tpu.dma_semaphore, #tpu.memory_space<semaphore_mem>>
      %dma_start3A_626 = arith.constant 0 : i32
      %dma_start3A_627 = tpu.memref_slice %arg10[%run_scoped3A_35, %dma_start3A_626] : memref<20x128xi32, #tpu.memory_space<vmem>> -> memref<1x128xi32, #tpu.memory_space<vmem>>
      %dma_start3A_628 = tpu.memref_squeeze %dma_start3A_627 : memref<1x128xi32, #tpu.memory_space<vmem>> -> memref<128xi32, #tpu.memory_space<vmem>>
      %dma_start3A_629 = tpu.memref_slice %arg4[%run_scoped3A_34, %mul3A_2] : memref<20x4096xi32, #tpu.memory_space<hbm>> -> memref<1x128xi32, #tpu.memory_space<hbm>>
      %dma_start3A_630 = tpu.memref_squeeze %dma_start3A_629 : memref<1x128xi32, #tpu.memory_space<hbm>> -> memref<128xi32, #tpu.memory_space<hbm>>
      %dma_start3A_631 = arith.constant 0 : i32
      %dma_start3A_632 = tpu.memref_slice %arg10[%run_scoped3A_35, %dma_start3A_631] : memref<20x128xi32, #tpu.memory_space<vmem>> -> memref<1x128xi32, #tpu.memory_space<vmem>>
      %dma_start3A_633 = tpu.memref_squeeze %dma_start3A_632 : memref<1x128xi32, #tpu.memory_space<vmem>> -> memref<128xi32, #tpu.memory_space<vmem>>
      %dma_start3A_634 = tpu.memref_slice %arg4[%run_scoped3A_34, %mul3A_2] : memref<20x4096xi32, #tpu.memory_space<hbm>> -> memref<1x128xi32, #tpu.memory_space<hbm>>
      %dma_start3A_635 = tpu.memref_squeeze %dma_start3A_634 : memref<1x128xi32, #tpu.memory_space<hbm>> -> memref<128xi32, #tpu.memory_space<hbm>>
      tpu.enqueue_dma source(%dma_start3A_635 : memref<128xi32, #tpu.memory_space<hbm>>) target(%dma_start3A_633 : memref<128xi32, #tpu.memory_space<vmem>>) target_semaphore(%run_scoped3A_625 : memref<!tpu.dma_semaphore, #tpu.memory_space<semaphore_mem>>)
      %dma_wait3A_636 = arith.constant 0 : i32
      %dma_wait3A_637 = tpu.memref_slice %arg10[%run_scoped3A_35, %dma_wait3A_636] : memref<20x128xi32, #tpu.memory_space<vmem>> -> memref<1x128xi32, #tpu.memory_space<vmem>>
      %dma_wait3A_638 = tpu.memref_squeeze %dma_wait3A_637 : memref<1x128xi32, #tpu.memory_space<vmem>> -> memref<128xi32, #tpu.memory_space<vmem>>
      %dma_wait3A_639 = tpu.memref_slice %arg4[%run_scoped3A_34, %mul3A_2] : memref<20x4096xi32, #tpu.memory_space<hbm>> -> memref<1x128xi32, #tpu.memory_space<hbm>>
      %dma_wait3A_640 = tpu.memref_squeeze %dma_wait3A_639 : memref<1x128xi32, #tpu.memory_space<hbm>> -> memref<128xi32, #tpu.memory_space<hbm>>
      %dma_wait3A_641 = arith.constant 0 : i32
      %dma_wait3A_642 = tpu.memref_slice %arg10[%run_scoped3A_35, %dma_wait3A_641] : memref<20x128xi32, #tpu.memory_space<vmem>> -> memref<1x128xi32, #tpu.memory_space<vmem>>
      %dma_wait3A_643 = tpu.memref_squeeze %dma_wait3A_642 : memref<1x128xi32, #tpu.memory_space<vmem>> -> memref<128xi32, #tpu.memory_space<vmem>>
      %dma_wait3A_644 = tpu.memref_slice %arg4[%run_scoped3A_34, %mul3A_2] : memref<20x4096xi32, #tpu.memory_space<hbm>> -> memref<1x128xi32, #tpu.memory_space<hbm>>
      %dma_wait3A_645 = tpu.memref_squeeze %dma_wait3A_644 : memref<1x128xi32, #tpu.memory_space<hbm>> -> memref<128xi32, #tpu.memory_space<hbm>>
      tpu.wait_dma2 semaphore(%run_scoped3A_625 : memref<!tpu.dma_semaphore, #tpu.memory_space<semaphore_mem>>) src(%dma_wait3A_645 : memref<128xi32, #tpu.memory_space<hbm>>) dst(%dma_wait3A_643 : memref<128xi32, #tpu.memory_space<vmem>>)
      tpu.yield
    }) : () -> ()
    %run_scoped3A_36 = arith.constant 12 : i32
    %run_scoped3A_37 = arith.constant 12 : i32
    "tpu.region"() ({
      %run_scoped3A_625 = tpu.sem_alloc : memref<!tpu.dma_semaphore, #tpu.memory_space<semaphore_mem>>
      %dma_start3A_626 = arith.constant 0 : i32
      %dma_start3A_627 = tpu.memref_slice %arg10[%run_scoped3A_37, %dma_start3A_626] : memref<20x128xi32, #tpu.memory_space<vmem>> -> memref<1x128xi32, #tpu.memory_space<vmem>>
      %dma_start3A_628 = tpu.memref_squeeze %dma_start3A_627 : memref<1x128xi32, #tpu.memory_space<vmem>> -> memref<128xi32, #tpu.memory_space<vmem>>
      %dma_start3A_629 = tpu.memref_slice %arg4[%run_scoped3A_36, %mul3A_2] : memref<20x4096xi32, #tpu.memory_space<hbm>> -> memref<1x128xi32, #tpu.memory_space<hbm>>
      %dma_start3A_630 = tpu.memref_squeeze %dma_start3A_629 : memref<1x128xi32, #tpu.memory_space<hbm>> -> memref<128xi32, #tpu.memory_space<hbm>>
      %dma_start3A_631 = arith.constant 0 : i32
      %dma_start3A_632 = tpu.memref_slice %arg10[%run_scoped3A_37, %dma_start3A_631] : memref<20x128xi32, #tpu.memory_space<vmem>> -> memref<1x128xi32, #tpu.memory_space<vmem>>
      %dma_start3A_633 = tpu.memref_squeeze %dma_start3A_632 : memref<1x128xi32, #tpu.memory_space<vmem>> -> memref<128xi32, #tpu.memory_space<vmem>>
      %dma_start3A_634 = tpu.memref_slice %arg4[%run_scoped3A_36, %mul3A_2] : memref<20x4096xi32, #tpu.memory_space<hbm>> -> memref<1x128xi32, #tpu.memory_space<hbm>>
      %dma_start3A_635 = tpu.memref_squeeze %dma_start3A_634 : memref<1x128xi32, #tpu.memory_space<hbm>> -> memref<128xi32, #tpu.memory_space<hbm>>
      tpu.enqueue_dma source(%dma_start3A_635 : memref<128xi32, #tpu.memory_space<hbm>>) target(%dma_start3A_633 : memref<128xi32, #tpu.memory_space<vmem>>) target_semaphore(%run_scoped3A_625 : memref<!tpu.dma_semaphore, #tpu.memory_space<semaphore_mem>>)
      %dma_wait3A_636 = arith.constant 0 : i32
      %dma_wait3A_637 = tpu.memref_slice %arg10[%run_scoped3A_37, %dma_wait3A_636] : memref<20x128xi32, #tpu.memory_space<vmem>> -> memref<1x128xi32, #tpu.memory_space<vmem>>
      %dma_wait3A_638 = tpu.memref_squeeze %dma_wait3A_637 : memref<1x128xi32, #tpu.memory_space<vmem>> -> memref<128xi32, #tpu.memory_space<vmem>>
      %dma_wait3A_639 = tpu.memref_slice %arg4[%run_scoped3A_36, %mul3A_2] : memref<20x4096xi32, #tpu.memory_space<hbm>> -> memref<1x128xi32, #tpu.memory_space<hbm>>
      %dma_wait3A_640 = tpu.memref_squeeze %dma_wait3A_639 : memref<1x128xi32, #tpu.memory_space<hbm>> -> memref<128xi32, #tpu.memory_space<hbm>>
      %dma_wait3A_641 = arith.constant 0 : i32
      %dma_wait3A_642 = tpu.memref_slice %arg10[%run_scoped3A_37, %dma_wait3A_641] : memref<20x128xi32, #tpu.memory_space<vmem>> -> memref<1x128xi32, #tpu.memory_space<vmem>>
      %dma_wait3A_643 = tpu.memref_squeeze %dma_wait3A_642 : memref<1x128xi32, #tpu.memory_space<vmem>> -> memref<128xi32, #tpu.memory_space<vmem>>
      %dma_wait3A_644 = tpu.memref_slice %arg4[%run_scoped3A_36, %mul3A_2] : memref<20x4096xi32, #tpu.memory_space<hbm>> -> memref<1x128xi32, #tpu.memory_space<hbm>>
      %dma_wait3A_645 = tpu.memref_squeeze %dma_wait3A_644 : memref<1x128xi32, #tpu.memory_space<hbm>> -> memref<128xi32, #tpu.memory_space<hbm>>
      tpu.wait_dma2 semaphore(%run_scoped3A_625 : memref<!tpu.dma_semaphore, #tpu.memory_space<semaphore_mem>>) src(%dma_wait3A_645 : memref<128xi32, #tpu.memory_space<hbm>>) dst(%dma_wait3A_643 : memref<128xi32, #tpu.memory_space<vmem>>)
      tpu.yield
    }) : () -> ()
    %run_scoped3A_38 = arith.constant 13 : i32
    %run_scoped3A_39 = arith.constant 13 : i32
    "tpu.region"() ({
      %run_scoped3A_625 = tpu.sem_alloc : memref<!tpu.dma_semaphore, #tpu.memory_space<semaphore_mem>>
      %dma_start3A_626 = arith.constant 0 : i32
      %dma_start3A_627 = tpu.memref_slice %arg10[%run_scoped3A_39, %dma_start3A_626] : memref<20x128xi32, #tpu.memory_space<vmem>> -> memref<1x128xi32, #tpu.memory_space<vmem>>
      %dma_start3A_628 = tpu.memref_squeeze %dma_start3A_627 : memref<1x128xi32, #tpu.memory_space<vmem>> -> memref<128xi32, #tpu.memory_space<vmem>>
      %dma_start3A_629 = tpu.memref_slice %arg4[%run_scoped3A_38, %mul3A_2] : memref<20x4096xi32, #tpu.memory_space<hbm>> -> memref<1x128xi32, #tpu.memory_space<hbm>>
      %dma_start3A_630 = tpu.memref_squeeze %dma_start3A_629 : memref<1x128xi32, #tpu.memory_space<hbm>> -> memref<128xi32, #tpu.memory_space<hbm>>
      %dma_start3A_631 = arith.constant 0 : i32
      %dma_start3A_632 = tpu.memref_slice %arg10[%run_scoped3A_39, %dma_start3A_631] : memref<20x128xi32, #tpu.memory_space<vmem>> -> memref<1x128xi32, #tpu.memory_space<vmem>>
      %dma_start3A_633 = tpu.memref_squeeze %dma_start3A_632 : memref<1x128xi32, #tpu.memory_space<vmem>> -> memref<128xi32, #tpu.memory_space<vmem>>
      %dma_start3A_634 = tpu.memref_slice %arg4[%run_scoped3A_38, %mul3A_2] : memref<20x4096xi32, #tpu.memory_space<hbm>> -> memref<1x128xi32, #tpu.memory_space<hbm>>
      %dma_start3A_635 = tpu.memref_squeeze %dma_start3A_634 : memref<1x128xi32, #tpu.memory_space<hbm>> -> memref<128xi32, #tpu.memory_space<hbm>>
      tpu.enqueue_dma source(%dma_start3A_635 : memref<128xi32, #tpu.memory_space<hbm>>) target(%dma_start3A_633 : memref<128xi32, #tpu.memory_space<vmem>>) target_semaphore(%run_scoped3A_625 : memref<!tpu.dma_semaphore, #tpu.memory_space<semaphore_mem>>)
      %dma_wait3A_636 = arith.constant 0 : i32
      %dma_wait3A_637 = tpu.memref_slice %arg10[%run_scoped3A_39, %dma_wait3A_636] : memref<20x128xi32, #tpu.memory_space<vmem>> -> memref<1x128xi32, #tpu.memory_space<vmem>>
      %dma_wait3A_638 = tpu.memref_squeeze %dma_wait3A_637 : memref<1x128xi32, #tpu.memory_space<vmem>> -> memref<128xi32, #tpu.memory_space<vmem>>
      %dma_wait3A_639 = tpu.memref_slice %arg4[%run_scoped3A_38, %mul3A_2] : memref<20x4096xi32, #tpu.memory_space<hbm>> -> memref<1x128xi32, #tpu.memory_space<hbm>>
      %dma_wait3A_640 = tpu.memref_squeeze %dma_wait3A_639 : memref<1x128xi32, #tpu.memory_space<hbm>> -> memref<128xi32, #tpu.memory_space<hbm>>
      %dma_wait3A_641 = arith.constant 0 : i32
      %dma_wait3A_642 = tpu.memref_slice %arg10[%run_scoped3A_39, %dma_wait3A_641] : memref<20x128xi32, #tpu.memory_space<vmem>> -> memref<1x128xi32, #tpu.memory_space<vmem>>
      %dma_wait3A_643 = tpu.memref_squeeze %dma_wait3A_642 : memref<1x128xi32, #tpu.memory_space<vmem>> -> memref<128xi32, #tpu.memory_space<vmem>>
      %dma_wait3A_644 = tpu.memref_slice %arg4[%run_scoped3A_38, %mul3A_2] : memref<20x4096xi32, #tpu.memory_space<hbm>> -> memref<1x128xi32, #tpu.memory_space<hbm>>
      %dma_wait3A_645 = tpu.memref_squeeze %dma_wait3A_644 : memref<1x128xi32, #tpu.memory_space<hbm>> -> memref<128xi32, #tpu.memory_space<hbm>>
      tpu.wait_dma2 semaphore(%run_scoped3A_625 : memref<!tpu.dma_semaphore, #tpu.memory_space<semaphore_mem>>) src(%dma_wait3A_645 : memref<128xi32, #tpu.memory_space<hbm>>) dst(%dma_wait3A_643 : memref<128xi32, #tpu.memory_space<vmem>>)
      tpu.yield
    }) : () -> ()
    %run_scoped3A_40 = arith.constant 14 : i32
    %run_scoped3A_41 = arith.constant 14 : i32
    "tpu.region"() ({
      %run_scoped3A_625 = tpu.sem_alloc : memref<!tpu.dma_semaphore, #tpu.memory_space<semaphore_mem>>
      %dma_start3A_626 = arith.constant 0 : i32
      %dma_start3A_627 = tpu.memref_slice %arg10[%run_scoped3A_41, %dma_start3A_626] : memref<20x128xi32, #tpu.memory_space<vmem>> -> memref<1x128xi32, #tpu.memory_space<vmem>>
      %dma_start3A_628 = tpu.memref_squeeze %dma_start3A_627 : memref<1x128xi32, #tpu.memory_space<vmem>> -> memref<128xi32, #tpu.memory_space<vmem>>
      %dma_start3A_629 = tpu.memref_slice %arg4[%run_scoped3A_40, %mul3A_2] : memref<20x4096xi32, #tpu.memory_space<hbm>> -> memref<1x128xi32, #tpu.memory_space<hbm>>
      %dma_start3A_630 = tpu.memref_squeeze %dma_start3A_629 : memref<1x128xi32, #tpu.memory_space<hbm>> -> memref<128xi32, #tpu.memory_space<hbm>>
      %dma_start3A_631 = arith.constant 0 : i32
      %dma_start3A_632 = tpu.memref_slice %arg10[%run_scoped3A_41, %dma_start3A_631] : memref<20x128xi32, #tpu.memory_space<vmem>> -> memref<1x128xi32, #tpu.memory_space<vmem>>
      %dma_start3A_633 = tpu.memref_squeeze %dma_start3A_632 : memref<1x128xi32, #tpu.memory_space<vmem>> -> memref<128xi32, #tpu.memory_space<vmem>>
      %dma_start3A_634 = tpu.memref_slice %arg4[%run_scoped3A_40, %mul3A_2] : memref<20x4096xi32, #tpu.memory_space<hbm>> -> memref<1x128xi32, #tpu.memory_space<hbm>>
      %dma_start3A_635 = tpu.memref_squeeze %dma_start3A_634 : memref<1x128xi32, #tpu.memory_space<hbm>> -> memref<128xi32, #tpu.memory_space<hbm>>
      tpu.enqueue_dma source(%dma_start3A_635 : memref<128xi32, #tpu.memory_space<hbm>>) target(%dma_start3A_633 : memref<128xi32, #tpu.memory_space<vmem>>) target_semaphore(%run_scoped3A_625 : memref<!tpu.dma_semaphore, #tpu.memory_space<semaphore_mem>>)
      %dma_wait3A_636 = arith.constant 0 : i32
      %dma_wait3A_637 = tpu.memref_slice %arg10[%run_scoped3A_41, %dma_wait3A_636] : memref<20x128xi32, #tpu.memory_space<vmem>> -> memref<1x128xi32, #tpu.memory_space<vmem>>
      %dma_wait3A_638 = tpu.memref_squeeze %dma_wait3A_637 : memref<1x128xi32, #tpu.memory_space<vmem>> -> memref<128xi32, #tpu.memory_space<vmem>>
      %dma_wait3A_639 = tpu.memref_slice %arg4[%run_scoped3A_40, %mul3A_2] : memref<20x4096xi32, #tpu.memory_space<hbm>> -> memref<1x128xi32, #tpu.memory_space<hbm>>
      %dma_wait3A_640 = tpu.memref_squeeze %dma_wait3A_639 : memref<1x128xi32, #tpu.memory_space<hbm>> -> memref<128xi32, #tpu.memory_space<hbm>>
      %dma_wait3A_641 = arith.constant 0 : i32
      %dma_wait3A_642 = tpu.memref_slice %arg10[%run_scoped3A_41, %dma_wait3A_641] : memref<20x128xi32, #tpu.memory_space<vmem>> -> memref<1x128xi32, #tpu.memory_space<vmem>>
      %dma_wait3A_643 = tpu.memref_squeeze %dma_wait3A_642 : memref<1x128xi32, #tpu.memory_space<vmem>> -> memref<128xi32, #tpu.memory_space<vmem>>
      %dma_wait3A_644 = tpu.memref_slice %arg4[%run_scoped3A_40, %mul3A_2] : memref<20x4096xi32, #tpu.memory_space<hbm>> -> memref<1x128xi32, #tpu.memory_space<hbm>>
      %dma_wait3A_645 = tpu.memref_squeeze %dma_wait3A_644 : memref<1x128xi32, #tpu.memory_space<hbm>> -> memref<128xi32, #tpu.memory_space<hbm>>
      tpu.wait_dma2 semaphore(%run_scoped3A_625 : memref<!tpu.dma_semaphore, #tpu.memory_space<semaphore_mem>>) src(%dma_wait3A_645 : memref<128xi32, #tpu.memory_space<hbm>>) dst(%dma_wait3A_643 : memref<128xi32, #tpu.memory_space<vmem>>)
      tpu.yield
    }) : () -> ()
    %run_scoped3A_42 = arith.constant 15 : i32
    %run_scoped3A_43 = arith.constant 15 : i32
    "tpu.region"() ({
      %run_scoped3A_625 = tpu.sem_alloc : memref<!tpu.dma_semaphore, #tpu.memory_space<semaphore_mem>>
      %dma_start3A_626 = arith.constant 0 : i32
      %dma_start3A_627 = tpu.memref_slice %arg10[%run_scoped3A_43, %dma_start3A_626] : memref<20x128xi32, #tpu.memory_space<vmem>> -> memref<1x128xi32, #tpu.memory_space<vmem>>
      %dma_start3A_628 = tpu.memref_squeeze %dma_start3A_627 : memref<1x128xi32, #tpu.memory_space<vmem>> -> memref<128xi32, #tpu.memory_space<vmem>>
      %dma_start3A_629 = tpu.memref_slice %arg4[%run_scoped3A_42, %mul3A_2] : memref<20x4096xi32, #tpu.memory_space<hbm>> -> memref<1x128xi32, #tpu.memory_space<hbm>>
      %dma_start3A_630 = tpu.memref_squeeze %dma_start3A_629 : memref<1x128xi32, #tpu.memory_space<hbm>> -> memref<128xi32, #tpu.memory_space<hbm>>
      %dma_start3A_631 = arith.constant 0 : i32
      %dma_start3A_632 = tpu.memref_slice %arg10[%run_scoped3A_43, %dma_start3A_631] : memref<20x128xi32, #tpu.memory_space<vmem>> -> memref<1x128xi32, #tpu.memory_space<vmem>>
      %dma_start3A_633 = tpu.memref_squeeze %dma_start3A_632 : memref<1x128xi32, #tpu.memory_space<vmem>> -> memref<128xi32, #tpu.memory_space<vmem>>
      %dma_start3A_634 = tpu.memref_slice %arg4[%run_scoped3A_42, %mul3A_2] : memref<20x4096xi32, #tpu.memory_space<hbm>> -> memref<1x128xi32, #tpu.memory_space<hbm>>
      %dma_start3A_635 = tpu.memref_squeeze %dma_start3A_634 : memref<1x128xi32, #tpu.memory_space<hbm>> -> memref<128xi32, #tpu.memory_space<hbm>>
      tpu.enqueue_dma source(%dma_start3A_635 : memref<128xi32, #tpu.memory_space<hbm>>) target(%dma_start3A_633 : memref<128xi32, #tpu.memory_space<vmem>>) target_semaphore(%run_scoped3A_625 : memref<!tpu.dma_semaphore, #tpu.memory_space<semaphore_mem>>)
      %dma_wait3A_636 = arith.constant 0 : i32
      %dma_wait3A_637 = tpu.memref_slice %arg10[%run_scoped3A_43, %dma_wait3A_636] : memref<20x128xi32, #tpu.memory_space<vmem>> -> memref<1x128xi32, #tpu.memory_space<vmem>>
      %dma_wait3A_638 = tpu.memref_squeeze %dma_wait3A_637 : memref<1x128xi32, #tpu.memory_space<vmem>> -> memref<128xi32, #tpu.memory_space<vmem>>
      %dma_wait3A_639 = tpu.memref_slice %arg4[%run_scoped3A_42, %mul3A_2] : memref<20x4096xi32, #tpu.memory_space<hbm>> -> memref<1x128xi32, #tpu.memory_space<hbm>>
      %dma_wait3A_640 = tpu.memref_squeeze %dma_wait3A_639 : memref<1x128xi32, #tpu.memory_space<hbm>> -> memref<128xi32, #tpu.memory_space<hbm>>
      %dma_wait3A_641 = arith.constant 0 : i32
      %dma_wait3A_642 = tpu.memref_slice %arg10[%run_scoped3A_43, %dma_wait3A_641] : memref<20x128xi32, #tpu.memory_space<vmem>> -> memref<1x128xi32, #tpu.memory_space<vmem>>
      %dma_wait3A_643 = tpu.memref_squeeze %dma_wait3A_642 : memref<1x128xi32, #tpu.memory_space<vmem>> -> memref<128xi32, #tpu.memory_space<vmem>>
      %dma_wait3A_644 = tpu.memref_slice %arg4[%run_scoped3A_42, %mul3A_2] : memref<20x4096xi32, #tpu.memory_space<hbm>> -> memref<1x128xi32, #tpu.memory_space<hbm>>
      %dma_wait3A_645 = tpu.memref_squeeze %dma_wait3A_644 : memref<1x128xi32, #tpu.memory_space<hbm>> -> memref<128xi32, #tpu.memory_space<hbm>>
      tpu.wait_dma2 semaphore(%run_scoped3A_625 : memref<!tpu.dma_semaphore, #tpu.memory_space<semaphore_mem>>) src(%dma_wait3A_645 : memref<128xi32, #tpu.memory_space<hbm>>) dst(%dma_wait3A_643 : memref<128xi32, #tpu.memory_space<vmem>>)
      tpu.yield
    }) : () -> ()
    %run_scoped3A_44 = arith.constant 16 : i32
    %run_scoped3A_45 = arith.constant 16 : i32
    "tpu.region"() ({
      %run_scoped3A_625 = tpu.sem_alloc : memref<!tpu.dma_semaphore, #tpu.memory_space<semaphore_mem>>
      %dma_start3A_626 = arith.constant 0 : i32
      %dma_start3A_627 = tpu.memref_slice %arg10[%run_scoped3A_45, %dma_start3A_626] : memref<20x128xi32, #tpu.memory_space<vmem>> -> memref<1x128xi32, #tpu.memory_space<vmem>>
      %dma_start3A_628 = tpu.memref_squeeze %dma_start3A_627 : memref<1x128xi32, #tpu.memory_space<vmem>> -> memref<128xi32, #tpu.memory_space<vmem>>
      %dma_start3A_629 = tpu.memref_slice %arg4[%run_scoped3A_44, %mul3A_2] : memref<20x4096xi32, #tpu.memory_space<hbm>> -> memref<1x128xi32, #tpu.memory_space<hbm>>
      %dma_start3A_630 = tpu.memref_squeeze %dma_start3A_629 : memref<1x128xi32, #tpu.memory_space<hbm>> -> memref<128xi32, #tpu.memory_space<hbm>>
      %dma_start3A_631 = arith.constant 0 : i32
      %dma_start3A_632 = tpu.memref_slice %arg10[%run_scoped3A_45, %dma_start3A_631] : memref<20x128xi32, #tpu.memory_space<vmem>> -> memref<1x128xi32, #tpu.memory_space<vmem>>
      %dma_start3A_633 = tpu.memref_squeeze %dma_start3A_632 : memref<1x128xi32, #tpu.memory_space<vmem>> -> memref<128xi32, #tpu.memory_space<vmem>>
      %dma_start3A_634 = tpu.memref_slice %arg4[%run_scoped3A_44, %mul3A_2] : memref<20x4096xi32, #tpu.memory_space<hbm>> -> memref<1x128xi32, #tpu.memory_space<hbm>>
      %dma_start3A_635 = tpu.memref_squeeze %dma_start3A_634 : memref<1x128xi32, #tpu.memory_space<hbm>> -> memref<128xi32, #tpu.memory_space<hbm>>
      tpu.enqueue_dma source(%dma_start3A_635 : memref<128xi32, #tpu.memory_space<hbm>>) target(%dma_start3A_633 : memref<128xi32, #tpu.memory_space<vmem>>) target_semaphore(%run_scoped3A_625 : memref<!tpu.dma_semaphore, #tpu.memory_space<semaphore_mem>>)
      %dma_wait3A_636 = arith.constant 0 : i32
      %dma_wait3A_637 = tpu.memref_slice %arg10[%run_scoped3A_45, %dma_wait3A_636] : memref<20x128xi32, #tpu.memory_space<vmem>> -> memref<1x128xi32, #tpu.memory_space<vmem>>
      %dma_wait3A_638 = tpu.memref_squeeze %dma_wait3A_637 : memref<1x128xi32, #tpu.memory_space<vmem>> -> memref<128xi32, #tpu.memory_space<vmem>>
      %dma_wait3A_639 = tpu.memref_slice %arg4[%run_scoped3A_44, %mul3A_2] : memref<20x4096xi32, #tpu.memory_space<hbm>> -> memref<1x128xi32, #tpu.memory_space<hbm>>
      %dma_wait3A_640 = tpu.memref_squeeze %dma_wait3A_639 : memref<1x128xi32, #tpu.memory_space<hbm>> -> memref<128xi32, #tpu.memory_space<hbm>>
      %dma_wait3A_641 = arith.constant 0 : i32
      %dma_wait3A_642 = tpu.memref_slice %arg10[%run_scoped3A_45, %dma_wait3A_641] : memref<20x128xi32, #tpu.memory_space<vmem>> -> memref<1x128xi32, #tpu.memory_space<vmem>>
      %dma_wait3A_643 = tpu.memref_squeeze %dma_wait3A_642 : memref<1x128xi32, #tpu.memory_space<vmem>> -> memref<128xi32, #tpu.memory_space<vmem>>
      %dma_wait3A_644 = tpu.memref_slice %arg4[%run_scoped3A_44, %mul3A_2] : memref<20x4096xi32, #tpu.memory_space<hbm>> -> memref<1x128xi32, #tpu.memory_space<hbm>>
      %dma_wait3A_645 = tpu.memref_squeeze %dma_wait3A_644 : memref<1x128xi32, #tpu.memory_space<hbm>> -> memref<128xi32, #tpu.memory_space<hbm>>
      tpu.wait_dma2 semaphore(%run_scoped3A_625 : memref<!tpu.dma_semaphore, #tpu.memory_space<semaphore_mem>>) src(%dma_wait3A_645 : memref<128xi32, #tpu.memory_space<hbm>>) dst(%dma_wait3A_643 : memref<128xi32, #tpu.memory_space<vmem>>)
      tpu.yield
    }) : () -> ()
    %run_scoped3A_46 = arith.constant 17 : i32
    %run_scoped3A_47 = arith.constant 17 : i32
    "tpu.region"() ({
      %run_scoped3A_625 = tpu.sem_alloc : memref<!tpu.dma_semaphore, #tpu.memory_space<semaphore_mem>>
      %dma_start3A_626 = arith.constant 0 : i32
      %dma_start3A_627 = tpu.memref_slice %arg10[%run_scoped3A_47, %dma_start3A_626] : memref<20x128xi32, #tpu.memory_space<vmem>> -> memref<1x128xi32, #tpu.memory_space<vmem>>
      %dma_start3A_628 = tpu.memref_squeeze %dma_start3A_627 : memref<1x128xi32, #tpu.memory_space<vmem>> -> memref<128xi32, #tpu.memory_space<vmem>>
      %dma_start3A_629 = tpu.memref_slice %arg4[%run_scoped3A_46, %mul3A_2] : memref<20x4096xi32, #tpu.memory_space<hbm>> -> memref<1x128xi32, #tpu.memory_space<hbm>>
      %dma_start3A_630 = tpu.memref_squeeze %dma_start3A_629 : memref<1x128xi32, #tpu.memory_space<hbm>> -> memref<128xi32, #tpu.memory_space<hbm>>
      %dma_start3A_631 = arith.constant 0 : i32
      %dma_start3A_632 = tpu.memref_slice %arg10[%run_scoped3A_47, %dma_start3A_631] : memref<20x128xi32, #tpu.memory_space<vmem>> -> memref<1x128xi32, #tpu.memory_space<vmem>>
      %dma_start3A_633 = tpu.memref_squeeze %dma_start3A_632 : memref<1x128xi32, #tpu.memory_space<vmem>> -> memref<128xi32, #tpu.memory_space<vmem>>
      %dma_start3A_634 = tpu.memref_slice %arg4[%run_scoped3A_46, %mul3A_2] : memref<20x4096xi32, #tpu.memory_space<hbm>> -> memref<1x128xi32, #tpu.memory_space<hbm>>
      %dma_start3A_635 = tpu.memref_squeeze %dma_start3A_634 : memref<1x128xi32, #tpu.memory_space<hbm>> -> memref<128xi32, #tpu.memory_space<hbm>>
      tpu.enqueue_dma source(%dma_start3A_635 : memref<128xi32, #tpu.memory_space<hbm>>) target(%dma_start3A_633 : memref<128xi32, #tpu.memory_space<vmem>>) target_semaphore(%run_scoped3A_625 : memref<!tpu.dma_semaphore, #tpu.memory_space<semaphore_mem>>)
      %dma_wait3A_636 = arith.constant 0 : i32
      %dma_wait3A_637 = tpu.memref_slice %arg10[%run_scoped3A_47, %dma_wait3A_636] : memref<20x128xi32, #tpu.memory_space<vmem>> -> memref<1x128xi32, #tpu.memory_space<vmem>>
      %dma_wait3A_638 = tpu.memref_squeeze %dma_wait3A_637 : memref<1x128xi32, #tpu.memory_space<vmem>> -> memref<128xi32, #tpu.memory_space<vmem>>
      %dma_wait3A_639 = tpu.memref_slice %arg4[%run_scoped3A_46, %mul3A_2] : memref<20x4096xi32, #tpu.memory_space<hbm>> -> memref<1x128xi32, #tpu.memory_space<hbm>>
      %dma_wait3A_640 = tpu.memref_squeeze %dma_wait3A_639 : memref<1x128xi32, #tpu.memory_space<hbm>> -> memref<128xi32, #tpu.memory_space<hbm>>
      %dma_wait3A_641 = arith.constant 0 : i32
      %dma_wait3A_642 = tpu.memref_slice %arg10[%run_scoped3A_47, %dma_wait3A_641] : memref<20x128xi32, #tpu.memory_space<vmem>> -> memref<1x128xi32, #tpu.memory_space<vmem>>
      %dma_wait3A_643 = tpu.memref_squeeze %dma_wait3A_642 : memref<1x128xi32, #tpu.memory_space<vmem>> -> memref<128xi32, #tpu.memory_space<vmem>>
      %dma_wait3A_644 = tpu.memref_slice %arg4[%run_scoped3A_46, %mul3A_2] : memref<20x4096xi32, #tpu.memory_space<hbm>> -> memref<1x128xi32, #tpu.memory_space<hbm>>
      %dma_wait3A_645 = tpu.memref_squeeze %dma_wait3A_644 : memref<1x128xi32, #tpu.memory_space<hbm>> -> memref<128xi32, #tpu.memory_space<hbm>>
      tpu.wait_dma2 semaphore(%run_scoped3A_625 : memref<!tpu.dma_semaphore, #tpu.memory_space<semaphore_mem>>) src(%dma_wait3A_645 : memref<128xi32, #tpu.memory_space<hbm>>) dst(%dma_wait3A_643 : memref<128xi32, #tpu.memory_space<vmem>>)
      tpu.yield
    }) : () -> ()
    %run_scoped3A_48 = arith.constant 18 : i32
    %run_scoped3A_49 = arith.constant 18 : i32
    "tpu.region"() ({
      %run_scoped3A_625 = tpu.sem_alloc : memref<!tpu.dma_semaphore, #tpu.memory_space<semaphore_mem>>
      %dma_start3A_626 = arith.constant 0 : i32
      %dma_start3A_627 = tpu.memref_slice %arg10[%run_scoped3A_49, %dma_start3A_626] : memref<20x128xi32, #tpu.memory_space<vmem>> -> memref<1x128xi32, #tpu.memory_space<vmem>>
      %dma_start3A_628 = tpu.memref_squeeze %dma_start3A_627 : memref<1x128xi32, #tpu.memory_space<vmem>> -> memref<128xi32, #tpu.memory_space<vmem>>
      %dma_start3A_629 = tpu.memref_slice %arg4[%run_scoped3A_48, %mul3A_2] : memref<20x4096xi32, #tpu.memory_space<hbm>> -> memref<1x128xi32, #tpu.memory_space<hbm>>
      %dma_start3A_630 = tpu.memref_squeeze %dma_start3A_629 : memref<1x128xi32, #tpu.memory_space<hbm>> -> memref<128xi32, #tpu.memory_space<hbm>>
      %dma_start3A_631 = arith.constant 0 : i32
      %dma_start3A_632 = tpu.memref_slice %arg10[%run_scoped3A_49, %dma_start3A_631] : memref<20x128xi32, #tpu.memory_space<vmem>> -> memref<1x128xi32, #tpu.memory_space<vmem>>
      %dma_start3A_633 = tpu.memref_squeeze %dma_start3A_632 : memref<1x128xi32, #tpu.memory_space<vmem>> -> memref<128xi32, #tpu.memory_space<vmem>>
      %dma_start3A_634 = tpu.memref_slice %arg4[%run_scoped3A_48, %mul3A_2] : memref<20x4096xi32, #tpu.memory_space<hbm>> -> memref<1x128xi32, #tpu.memory_space<hbm>>
      %dma_start3A_635 = tpu.memref_squeeze %dma_start3A_634 : memref<1x128xi32, #tpu.memory_space<hbm>> -> memref<128xi32, #tpu.memory_space<hbm>>
      tpu.enqueue_dma source(%dma_start3A_635 : memref<128xi32, #tpu.memory_space<hbm>>) target(%dma_start3A_633 : memref<128xi32, #tpu.memory_space<vmem>>) target_semaphore(%run_scoped3A_625 : memref<!tpu.dma_semaphore, #tpu.memory_space<semaphore_mem>>)
      %dma_wait3A_636 = arith.constant 0 : i32
      %dma_wait3A_637 = tpu.memref_slice %arg10[%run_scoped3A_49, %dma_wait3A_636] : memref<20x128xi32, #tpu.memory_space<vmem>> -> memref<1x128xi32, #tpu.memory_space<vmem>>
      %dma_wait3A_638 = tpu.memref_squeeze %dma_wait3A_637 : memref<1x128xi32, #tpu.memory_space<vmem>> -> memref<128xi32, #tpu.memory_space<vmem>>
      %dma_wait3A_639 = tpu.memref_slice %arg4[%run_scoped3A_48, %mul3A_2] : memref<20x4096xi32, #tpu.memory_space<hbm>> -> memref<1x128xi32, #tpu.memory_space<hbm>>
      %dma_wait3A_640 = tpu.memref_squeeze %dma_wait3A_639 : memref<1x128xi32, #tpu.memory_space<hbm>> -> memref<128xi32, #tpu.memory_space<hbm>>
      %dma_wait3A_641 = arith.constant 0 : i32
      %dma_wait3A_642 = tpu.memref_slice %arg10[%run_scoped3A_49, %dma_wait3A_641] : memref<20x128xi32, #tpu.memory_space<vmem>> -> memref<1x128xi32, #tpu.memory_space<vmem>>
      %dma_wait3A_643 = tpu.memref_squeeze %dma_wait3A_642 : memref<1x128xi32, #tpu.memory_space<vmem>> -> memref<128xi32, #tpu.memory_space<vmem>>
      %dma_wait3A_644 = tpu.memref_slice %arg4[%run_scoped3A_48, %mul3A_2] : memref<20x4096xi32, #tpu.memory_space<hbm>> -> memref<1x128xi32, #tpu.memory_space<hbm>>
      %dma_wait3A_645 = tpu.memref_squeeze %dma_wait3A_644 : memref<1x128xi32, #tpu.memory_space<hbm>> -> memref<128xi32, #tpu.memory_space<hbm>>
      tpu.wait_dma2 semaphore(%run_scoped3A_625 : memref<!tpu.dma_semaphore, #tpu.memory_space<semaphore_mem>>) src(%dma_wait3A_645 : memref<128xi32, #tpu.memory_space<hbm>>) dst(%dma_wait3A_643 : memref<128xi32, #tpu.memory_space<vmem>>)
      tpu.yield
    }) : () -> ()
    %run_scoped3A_50 = arith.constant 19 : i32
    %run_scoped3A_51 = arith.constant 19 : i32
    "tpu.region"() ({
      %run_scoped3A_625 = tpu.sem_alloc : memref<!tpu.dma_semaphore, #tpu.memory_space<semaphore_mem>>
      %dma_start3A_626 = arith.constant 0 : i32
      %dma_start3A_627 = tpu.memref_slice %arg10[%run_scoped3A_51, %dma_start3A_626] : memref<20x128xi32, #tpu.memory_space<vmem>> -> memref<1x128xi32, #tpu.memory_space<vmem>>
      %dma_start3A_628 = tpu.memref_squeeze %dma_start3A_627 : memref<1x128xi32, #tpu.memory_space<vmem>> -> memref<128xi32, #tpu.memory_space<vmem>>
      %dma_start3A_629 = tpu.memref_slice %arg4[%run_scoped3A_50, %mul3A_2] : memref<20x4096xi32, #tpu.memory_space<hbm>> -> memref<1x128xi32, #tpu.memory_space<hbm>>
      %dma_start3A_630 = tpu.memref_squeeze %dma_start3A_629 : memref<1x128xi32, #tpu.memory_space<hbm>> -> memref<128xi32, #tpu.memory_space<hbm>>
      %dma_start3A_631 = arith.constant 0 : i32
      %dma_start3A_632 = tpu.memref_slice %arg10[%run_scoped3A_51, %dma_start3A_631] : memref<20x128xi32, #tpu.memory_space<vmem>> -> memref<1x128xi32, #tpu.memory_space<vmem>>
      %dma_start3A_633 = tpu.memref_squeeze %dma_start3A_632 : memref<1x128xi32, #tpu.memory_space<vmem>> -> memref<128xi32, #tpu.memory_space<vmem>>
      %dma_start3A_634 = tpu.memref_slice %arg4[%run_scoped3A_50, %mul3A_2] : memref<20x4096xi32, #tpu.memory_space<hbm>> -> memref<1x128xi32, #tpu.memory_space<hbm>>
      %dma_start3A_635 = tpu.memref_squeeze %dma_start3A_634 : memref<1x128xi32, #tpu.memory_space<hbm>> -> memref<128xi32, #tpu.memory_space<hbm>>
      tpu.enqueue_dma source(%dma_start3A_635 : memref<128xi32, #tpu.memory_space<hbm>>) target(%dma_start3A_633 : memref<128xi32, #tpu.memory_space<vmem>>) target_semaphore(%run_scoped3A_625 : memref<!tpu.dma_semaphore, #tpu.memory_space<semaphore_mem>>)
      %dma_wait3A_636 = arith.constant 0 : i32
      %dma_wait3A_637 = tpu.memref_slice %arg10[%run_scoped3A_51, %dma_wait3A_636] : memref<20x128xi32, #tpu.memory_space<vmem>> -> memref<1x128xi32, #tpu.memory_space<vmem>>
      %dma_wait3A_638 = tpu.memref_squeeze %dma_wait3A_637 : memref<1x128xi32, #tpu.memory_space<vmem>> -> memref<128xi32, #tpu.memory_space<vmem>>
      %dma_wait3A_639 = tpu.memref_slice %arg4[%run_scoped3A_50, %mul3A_2] : memref<20x4096xi32, #tpu.memory_space<hbm>> -> memref<1x128xi32, #tpu.memory_space<hbm>>
      %dma_wait3A_640 = tpu.memref_squeeze %dma_wait3A_639 : memref<1x128xi32, #tpu.memory_space<hbm>> -> memref<128xi32, #tpu.memory_space<hbm>>
      %dma_wait3A_641 = arith.constant 0 : i32
      %dma_wait3A_642 = tpu.memref_slice %arg10[%run_scoped3A_51, %dma_wait3A_641] : memref<20x128xi32, #tpu.memory_space<vmem>> -> memref<1x128xi32, #tpu.memory_space<vmem>>
      %dma_wait3A_643 = tpu.memref_squeeze %dma_wait3A_642 : memref<1x128xi32, #tpu.memory_space<vmem>> -> memref<128xi32, #tpu.memory_space<vmem>>
      %dma_wait3A_644 = tpu.memref_slice %arg4[%run_scoped3A_50, %mul3A_2] : memref<20x4096xi32, #tpu.memory_space<hbm>> -> memref<1x128xi32, #tpu.memory_space<hbm>>
      %dma_wait3A_645 = tpu.memref_squeeze %dma_wait3A_644 : memref<1x128xi32, #tpu.memory_space<hbm>> -> memref<128xi32, #tpu.memory_space<hbm>>
      tpu.wait_dma2 semaphore(%run_scoped3A_625 : memref<!tpu.dma_semaphore, #tpu.memory_space<semaphore_mem>>) src(%dma_wait3A_645 : memref<128xi32, #tpu.memory_space<hbm>>) dst(%dma_wait3A_643 : memref<128xi32, #tpu.memory_space<vmem>>)
      tpu.yield
    }) : () -> ()
    %dma_start3A = arith.constant 0 : i32
    %dma_start3A_52 = arith.constant 0 : i32
    %dma_start3A_53 = tpu.memref_slice %arg5[%dma_start3A, %dma_start3A_52] : memref<1000000x32xf32, #tpu.memory_space<hbm>> -> memref<1000000x32xf32, #tpu.memory_space<hbm>>
    tpu.enqueue_indirect_dma source(%dma_start3A_53 : memref<1000000x32xf32, #tpu.memory_space<hbm>>) target(%arg11 : memref<128x32xf32, #tpu.memory_space<vmem>>) offsets(%arg8 : memref<128xi32, #tpu.memory_space<vmem>>) semaphore(%arg15 : memref<!tpu.dma_semaphore, #tpu.memory_space<semaphore_mem>>)
    %dma_start3A_54 = arith.constant 0 : i32
    %dma_start3A_55 = arith.constant 0 : i32
    %dma_start3A_56 = arith.constant 0 : i32
    %dma_start3A_57 = tpu.memref_slice %arg12[%dma_start3A_55, %dma_start3A_56] : memref<640x32xf32, #tpu.memory_space<vmem>> -> memref<128x32xf32, #tpu.memory_space<vmem>>
    %dma_start3A_58 = arith.constant 0 : i32
    %dma_start3A_59 = tpu.memref_slice %arg9[%dma_start3A_54, %dma_start3A_58] : memref<5x128xi32, #tpu.memory_space<vmem>> -> memref<1x128xi32, #tpu.memory_space<vmem>>
    %dma_start3A_60 = tpu.memref_squeeze %dma_start3A_59 : memref<1x128xi32, #tpu.memory_space<vmem>> -> memref<128xi32, #tpu.memory_space<vmem>>
    %dma_start3A_61 = arith.constant 0 : i32
    %dma_start3A_62 = arith.constant 0 : i32
    %dma_start3A_63 = tpu.memref_slice %arg6[%dma_start3A_61, %dma_start3A_62] : memref<1000000x32xf32, #tpu.memory_space<hbm>> -> memref<1000000x32xf32, #tpu.memory_space<hbm>>
    tpu.enqueue_indirect_dma source(%dma_start3A_63 : memref<1000000x32xf32, #tpu.memory_space<hbm>>) target(%dma_start3A_57 : memref<128x32xf32, #tpu.memory_space<vmem>>) offsets(%dma_start3A_60 : memref<128xi32, #tpu.memory_space<vmem>>) semaphore(%arg15 : memref<!tpu.dma_semaphore, #tpu.memory_space<semaphore_mem>>)
    %dma_start3A_64 = arith.constant 1 : i32
    %dma_start3A_65 = arith.constant 128 : i32
    %dma_start3A_66 = arith.constant 0 : i32
    %dma_start3A_67 = tpu.memref_slice %arg12[%dma_start3A_65, %dma_start3A_66] : memref<640x32xf32, #tpu.memory_space<vmem>> -> memref<128x32xf32, #tpu.memory_space<vmem>>
    %dma_start3A_68 = arith.constant 0 : i32
    %dma_start3A_69 = tpu.memref_slice %arg9[%dma_start3A_64, %dma_start3A_68] : memref<5x128xi32, #tpu.memory_space<vmem>> -> memref<1x128xi32, #tpu.memory_space<vmem>>
    %dma_start3A_70 = tpu.memref_squeeze %dma_start3A_69 : memref<1x128xi32, #tpu.memory_space<vmem>> -> memref<128xi32, #tpu.memory_space<vmem>>
    %dma_start3A_71 = arith.constant 0 : i32
    %dma_start3A_72 = arith.constant 0 : i32
    %dma_start3A_73 = tpu.memref_slice %arg6[%dma_start3A_71, %dma_start3A_72] : memref<1000000x32xf32, #tpu.memory_space<hbm>> -> memref<1000000x32xf32, #tpu.memory_space<hbm>>
    tpu.enqueue_indirect_dma source(%dma_start3A_73 : memref<1000000x32xf32, #tpu.memory_space<hbm>>) target(%dma_start3A_67 : memref<128x32xf32, #tpu.memory_space<vmem>>) offsets(%dma_start3A_70 : memref<128xi32, #tpu.memory_space<vmem>>) semaphore(%arg15 : memref<!tpu.dma_semaphore, #tpu.memory_space<semaphore_mem>>)
    %dma_start3A_74 = arith.constant 2 : i32
    %dma_start3A_75 = arith.constant 256 : i32
    %dma_start3A_76 = arith.constant 0 : i32
    %dma_start3A_77 = tpu.memref_slice %arg12[%dma_start3A_75, %dma_start3A_76] : memref<640x32xf32, #tpu.memory_space<vmem>> -> memref<128x32xf32, #tpu.memory_space<vmem>>
    %dma_start3A_78 = arith.constant 0 : i32
    %dma_start3A_79 = tpu.memref_slice %arg9[%dma_start3A_74, %dma_start3A_78] : memref<5x128xi32, #tpu.memory_space<vmem>> -> memref<1x128xi32, #tpu.memory_space<vmem>>
    %dma_start3A_80 = tpu.memref_squeeze %dma_start3A_79 : memref<1x128xi32, #tpu.memory_space<vmem>> -> memref<128xi32, #tpu.memory_space<vmem>>
    %dma_start3A_81 = arith.constant 0 : i32
    %dma_start3A_82 = arith.constant 0 : i32
    %dma_start3A_83 = tpu.memref_slice %arg6[%dma_start3A_81, %dma_start3A_82] : memref<1000000x32xf32, #tpu.memory_space<hbm>> -> memref<1000000x32xf32, #tpu.memory_space<hbm>>
    tpu.enqueue_indirect_dma source(%dma_start3A_83 : memref<1000000x32xf32, #tpu.memory_space<hbm>>) target(%dma_start3A_77 : memref<128x32xf32, #tpu.memory_space<vmem>>) offsets(%dma_start3A_80 : memref<128xi32, #tpu.memory_space<vmem>>) semaphore(%arg15 : memref<!tpu.dma_semaphore, #tpu.memory_space<semaphore_mem>>)
    %dma_start3A_84 = arith.constant 3 : i32
    %dma_start3A_85 = arith.constant 384 : i32
    %dma_start3A_86 = arith.constant 0 : i32
    %dma_start3A_87 = tpu.memref_slice %arg12[%dma_start3A_85, %dma_start3A_86] : memref<640x32xf32, #tpu.memory_space<vmem>> -> memref<128x32xf32, #tpu.memory_space<vmem>>
    %dma_start3A_88 = arith.constant 0 : i32
    %dma_start3A_89 = tpu.memref_slice %arg9[%dma_start3A_84, %dma_start3A_88] : memref<5x128xi32, #tpu.memory_space<vmem>> -> memref<1x128xi32, #tpu.memory_space<vmem>>
    %dma_start3A_90 = tpu.memref_squeeze %dma_start3A_89 : memref<1x128xi32, #tpu.memory_space<vmem>> -> memref<128xi32, #tpu.memory_space<vmem>>
    %dma_start3A_91 = arith.constant 0 : i32
    %dma_start3A_92 = arith.constant 0 : i32
    %dma_start3A_93 = tpu.memref_slice %arg6[%dma_start3A_91, %dma_start3A_92] : memref<1000000x32xf32, #tpu.memory_space<hbm>> -> memref<1000000x32xf32, #tpu.memory_space<hbm>>
    tpu.enqueue_indirect_dma source(%dma_start3A_93 : memref<1000000x32xf32, #tpu.memory_space<hbm>>) target(%dma_start3A_87 : memref<128x32xf32, #tpu.memory_space<vmem>>) offsets(%dma_start3A_90 : memref<128xi32, #tpu.memory_space<vmem>>) semaphore(%arg15 : memref<!tpu.dma_semaphore, #tpu.memory_space<semaphore_mem>>)
    %dma_start3A_94 = arith.constant 4 : i32
    %dma_start3A_95 = arith.constant 512 : i32
    %dma_start3A_96 = arith.constant 0 : i32
    %dma_start3A_97 = tpu.memref_slice %arg12[%dma_start3A_95, %dma_start3A_96] : memref<640x32xf32, #tpu.memory_space<vmem>> -> memref<128x32xf32, #tpu.memory_space<vmem>>
    %dma_start3A_98 = arith.constant 0 : i32
    %dma_start3A_99 = tpu.memref_slice %arg9[%dma_start3A_94, %dma_start3A_98] : memref<5x128xi32, #tpu.memory_space<vmem>> -> memref<1x128xi32, #tpu.memory_space<vmem>>
    %dma_start3A_100 = tpu.memref_squeeze %dma_start3A_99 : memref<1x128xi32, #tpu.memory_space<vmem>> -> memref<128xi32, #tpu.memory_space<vmem>>
    %dma_start3A_101 = arith.constant 0 : i32
    %dma_start3A_102 = arith.constant 0 : i32
    %dma_start3A_103 = tpu.memref_slice %arg6[%dma_start3A_101, %dma_start3A_102] : memref<1000000x32xf32, #tpu.memory_space<hbm>> -> memref<1000000x32xf32, #tpu.memory_space<hbm>>
    tpu.enqueue_indirect_dma source(%dma_start3A_103 : memref<1000000x32xf32, #tpu.memory_space<hbm>>) target(%dma_start3A_97 : memref<128x32xf32, #tpu.memory_space<vmem>>) offsets(%dma_start3A_100 : memref<128xi32, #tpu.memory_space<vmem>>) semaphore(%arg15 : memref<!tpu.dma_semaphore, #tpu.memory_space<semaphore_mem>>)
    %dma_start3A_104 = arith.constant 0 : i32
    %dma_start3A_105 = arith.constant 0 : i32
    %dma_start3A_106 = arith.constant 0 : i32
    %dma_start3A_107 = tpu.memref_slice %arg13[%dma_start3A_105, %dma_start3A_106] : memref<2560x32xf32, #tpu.memory_space<vmem>> -> memref<128x32xf32, #tpu.memory_space<vmem>>
    %dma_start3A_108 = arith.constant 0 : i32
    %dma_start3A_109 = tpu.memref_slice %arg10[%dma_start3A_104, %dma_start3A_108] : memref<20x128xi32, #tpu.memory_space<vmem>> -> memref<1x128xi32, #tpu.memory_space<vmem>>
    %dma_start3A_110 = tpu.memref_squeeze %dma_start3A_109 : memref<1x128xi32, #tpu.memory_space<vmem>> -> memref<128xi32, #tpu.memory_space<vmem>>
    %dma_start3A_111 = arith.constant 0 : i32
    %dma_start3A_112 = arith.constant 0 : i32
    %dma_start3A_113 = tpu.memref_slice %arg6[%dma_start3A_111, %dma_start3A_112] : memref<1000000x32xf32, #tpu.memory_space<hbm>> -> memref<1000000x32xf32, #tpu.memory_space<hbm>>
    tpu.enqueue_indirect_dma source(%dma_start3A_113 : memref<1000000x32xf32, #tpu.memory_space<hbm>>) target(%dma_start3A_107 : memref<128x32xf32, #tpu.memory_space<vmem>>) offsets(%dma_start3A_110 : memref<128xi32, #tpu.memory_space<vmem>>) semaphore(%arg15 : memref<!tpu.dma_semaphore, #tpu.memory_space<semaphore_mem>>)
    %dma_start3A_114 = arith.constant 1 : i32
    %dma_start3A_115 = arith.constant 128 : i32
    %dma_start3A_116 = arith.constant 0 : i32
    %dma_start3A_117 = tpu.memref_slice %arg13[%dma_start3A_115, %dma_start3A_116] : memref<2560x32xf32, #tpu.memory_space<vmem>> -> memref<128x32xf32, #tpu.memory_space<vmem>>
    %dma_start3A_118 = arith.constant 0 : i32
    %dma_start3A_119 = tpu.memref_slice %arg10[%dma_start3A_114, %dma_start3A_118] : memref<20x128xi32, #tpu.memory_space<vmem>> -> memref<1x128xi32, #tpu.memory_space<vmem>>
    %dma_start3A_120 = tpu.memref_squeeze %dma_start3A_119 : memref<1x128xi32, #tpu.memory_space<vmem>> -> memref<128xi32, #tpu.memory_space<vmem>>
    %dma_start3A_121 = arith.constant 0 : i32
    %dma_start3A_122 = arith.constant 0 : i32
    %dma_start3A_123 = tpu.memref_slice %arg6[%dma_start3A_121, %dma_start3A_122] : memref<1000000x32xf32, #tpu.memory_space<hbm>> -> memref<1000000x32xf32, #tpu.memory_space<hbm>>
    tpu.enqueue_indirect_dma source(%dma_start3A_123 : memref<1000000x32xf32, #tpu.memory_space<hbm>>) target(%dma_start3A_117 : memref<128x32xf32, #tpu.memory_space<vmem>>) offsets(%dma_start3A_120 : memref<128xi32, #tpu.memory_space<vmem>>) semaphore(%arg15 : memref<!tpu.dma_semaphore, #tpu.memory_space<semaphore_mem>>)
    %dma_start3A_124 = arith.constant 2 : i32
    %dma_start3A_125 = arith.constant 256 : i32
    %dma_start3A_126 = arith.constant 0 : i32
    %dma_start3A_127 = tpu.memref_slice %arg13[%dma_start3A_125, %dma_start3A_126] : memref<2560x32xf32, #tpu.memory_space<vmem>> -> memref<128x32xf32, #tpu.memory_space<vmem>>
    %dma_start3A_128 = arith.constant 0 : i32
    %dma_start3A_129 = tpu.memref_slice %arg10[%dma_start3A_124, %dma_start3A_128] : memref<20x128xi32, #tpu.memory_space<vmem>> -> memref<1x128xi32, #tpu.memory_space<vmem>>
    %dma_start3A_130 = tpu.memref_squeeze %dma_start3A_129 : memref<1x128xi32, #tpu.memory_space<vmem>> -> memref<128xi32, #tpu.memory_space<vmem>>
    %dma_start3A_131 = arith.constant 0 : i32
    %dma_start3A_132 = arith.constant 0 : i32
    %dma_start3A_133 = tpu.memref_slice %arg6[%dma_start3A_131, %dma_start3A_132] : memref<1000000x32xf32, #tpu.memory_space<hbm>> -> memref<1000000x32xf32, #tpu.memory_space<hbm>>
    tpu.enqueue_indirect_dma source(%dma_start3A_133 : memref<1000000x32xf32, #tpu.memory_space<hbm>>) target(%dma_start3A_127 : memref<128x32xf32, #tpu.memory_space<vmem>>) offsets(%dma_start3A_130 : memref<128xi32, #tpu.memory_space<vmem>>) semaphore(%arg15 : memref<!tpu.dma_semaphore, #tpu.memory_space<semaphore_mem>>)
    %dma_start3A_134 = arith.constant 3 : i32
    %dma_start3A_135 = arith.constant 384 : i32
    %dma_start3A_136 = arith.constant 0 : i32
    %dma_start3A_137 = tpu.memref_slice %arg13[%dma_start3A_135, %dma_start3A_136] : memref<2560x32xf32, #tpu.memory_space<vmem>> -> memref<128x32xf32, #tpu.memory_space<vmem>>
    %dma_start3A_138 = arith.constant 0 : i32
    %dma_start3A_139 = tpu.memref_slice %arg10[%dma_start3A_134, %dma_start3A_138] : memref<20x128xi32, #tpu.memory_space<vmem>> -> memref<1x128xi32, #tpu.memory_space<vmem>>
    %dma_start3A_140 = tpu.memref_squeeze %dma_start3A_139 : memref<1x128xi32, #tpu.memory_space<vmem>> -> memref<128xi32, #tpu.memory_space<vmem>>
    %dma_start3A_141 = arith.constant 0 : i32
    %dma_start3A_142 = arith.constant 0 : i32
    %dma_start3A_143 = tpu.memref_slice %arg6[%dma_start3A_141, %dma_start3A_142] : memref<1000000x32xf32, #tpu.memory_space<hbm>> -> memref<1000000x32xf32, #tpu.memory_space<hbm>>
    tpu.enqueue_indirect_dma source(%dma_start3A_143 : memref<1000000x32xf32, #tpu.memory_space<hbm>>) target(%dma_start3A_137 : memref<128x32xf32, #tpu.memory_space<vmem>>) offsets(%dma_start3A_140 : memref<128xi32, #tpu.memory_space<vmem>>) semaphore(%arg15 : memref<!tpu.dma_semaphore, #tpu.memory_space<semaphore_mem>>)
    %dma_start3A_144 = arith.constant 4 : i32
    %dma_start3A_145 = arith.constant 512 : i32
    %dma_start3A_146 = arith.constant 0 : i32
    %dma_start3A_147 = tpu.memref_slice %arg13[%dma_start3A_145, %dma_start3A_146] : memref<2560x32xf32, #tpu.memory_space<vmem>> -> memref<128x32xf32, #tpu.memory_space<vmem>>
    %dma_start3A_148 = arith.constant 0 : i32
    %dma_start3A_149 = tpu.memref_slice %arg10[%dma_start3A_144, %dma_start3A_148] : memref<20x128xi32, #tpu.memory_space<vmem>> -> memref<1x128xi32, #tpu.memory_space<vmem>>
    %dma_start3A_150 = tpu.memref_squeeze %dma_start3A_149 : memref<1x128xi32, #tpu.memory_space<vmem>> -> memref<128xi32, #tpu.memory_space<vmem>>
    %dma_start3A_151 = arith.constant 0 : i32
    %dma_start3A_152 = arith.constant 0 : i32
    %dma_start3A_153 = tpu.memref_slice %arg6[%dma_start3A_151, %dma_start3A_152] : memref<1000000x32xf32, #tpu.memory_space<hbm>> -> memref<1000000x32xf32, #tpu.memory_space<hbm>>
    tpu.enqueue_indirect_dma source(%dma_start3A_153 : memref<1000000x32xf32, #tpu.memory_space<hbm>>) target(%dma_start3A_147 : memref<128x32xf32, #tpu.memory_space<vmem>>) offsets(%dma_start3A_150 : memref<128xi32, #tpu.memory_space<vmem>>) semaphore(%arg15 : memref<!tpu.dma_semaphore, #tpu.memory_space<semaphore_mem>>)
    %dma_start3A_154 = arith.constant 5 : i32
    %dma_start3A_155 = arith.constant 640 : i32
    %dma_start3A_156 = arith.constant 0 : i32
    %dma_start3A_157 = tpu.memref_slice %arg13[%dma_start3A_155, %dma_start3A_156] : memref<2560x32xf32, #tpu.memory_space<vmem>> -> memref<128x32xf32, #tpu.memory_space<vmem>>
    %dma_start3A_158 = arith.constant 0 : i32
    %dma_start3A_159 = tpu.memref_slice %arg10[%dma_start3A_154, %dma_start3A_158] : memref<20x128xi32, #tpu.memory_space<vmem>> -> memref<1x128xi32, #tpu.memory_space<vmem>>
    %dma_start3A_160 = tpu.memref_squeeze %dma_start3A_159 : memref<1x128xi32, #tpu.memory_space<vmem>> -> memref<128xi32, #tpu.memory_space<vmem>>
    %dma_start3A_161 = arith.constant 0 : i32
    %dma_start3A_162 = arith.constant 0 : i32
    %dma_start3A_163 = tpu.memref_slice %arg6[%dma_start3A_161, %dma_start3A_162] : memref<1000000x32xf32, #tpu.memory_space<hbm>> -> memref<1000000x32xf32, #tpu.memory_space<hbm>>
    tpu.enqueue_indirect_dma source(%dma_start3A_163 : memref<1000000x32xf32, #tpu.memory_space<hbm>>) target(%dma_start3A_157 : memref<128x32xf32, #tpu.memory_space<vmem>>) offsets(%dma_start3A_160 : memref<128xi32, #tpu.memory_space<vmem>>) semaphore(%arg15 : memref<!tpu.dma_semaphore, #tpu.memory_space<semaphore_mem>>)
    %dma_start3A_164 = arith.constant 6 : i32
    %dma_start3A_165 = arith.constant 768 : i32
    %dma_start3A_166 = arith.constant 0 : i32
    %dma_start3A_167 = tpu.memref_slice %arg13[%dma_start3A_165, %dma_start3A_166] : memref<2560x32xf32, #tpu.memory_space<vmem>> -> memref<128x32xf32, #tpu.memory_space<vmem>>
    %dma_start3A_168 = arith.constant 0 : i32
    %dma_start3A_169 = tpu.memref_slice %arg10[%dma_start3A_164, %dma_start3A_168] : memref<20x128xi32, #tpu.memory_space<vmem>> -> memref<1x128xi32, #tpu.memory_space<vmem>>
    %dma_start3A_170 = tpu.memref_squeeze %dma_start3A_169 : memref<1x128xi32, #tpu.memory_space<vmem>> -> memref<128xi32, #tpu.memory_space<vmem>>
    %dma_start3A_171 = arith.constant 0 : i32
    %dma_start3A_172 = arith.constant 0 : i32
    %dma_start3A_173 = tpu.memref_slice %arg6[%dma_start3A_171, %dma_start3A_172] : memref<1000000x32xf32, #tpu.memory_space<hbm>> -> memref<1000000x32xf32, #tpu.memory_space<hbm>>
    tpu.enqueue_indirect_dma source(%dma_start3A_173 : memref<1000000x32xf32, #tpu.memory_space<hbm>>) target(%dma_start3A_167 : memref<128x32xf32, #tpu.memory_space<vmem>>) offsets(%dma_start3A_170 : memref<128xi32, #tpu.memory_space<vmem>>) semaphore(%arg15 : memref<!tpu.dma_semaphore, #tpu.memory_space<semaphore_mem>>)
    %dma_start3A_174 = arith.constant 7 : i32
    %dma_start3A_175 = arith.constant 896 : i32
    %dma_start3A_176 = arith.constant 0 : i32
    %dma_start3A_177 = tpu.memref_slice %arg13[%dma_start3A_175, %dma_start3A_176] : memref<2560x32xf32, #tpu.memory_space<vmem>> -> memref<128x32xf32, #tpu.memory_space<vmem>>
    %dma_start3A_178 = arith.constant 0 : i32
    %dma_start3A_179 = tpu.memref_slice %arg10[%dma_start3A_174, %dma_start3A_178] : memref<20x128xi32, #tpu.memory_space<vmem>> -> memref<1x128xi32, #tpu.memory_space<vmem>>
    %dma_start3A_180 = tpu.memref_squeeze %dma_start3A_179 : memref<1x128xi32, #tpu.memory_space<vmem>> -> memref<128xi32, #tpu.memory_space<vmem>>
    %dma_start3A_181 = arith.constant 0 : i32
    %dma_start3A_182 = arith.constant 0 : i32
    %dma_start3A_183 = tpu.memref_slice %arg6[%dma_start3A_181, %dma_start3A_182] : memref<1000000x32xf32, #tpu.memory_space<hbm>> -> memref<1000000x32xf32, #tpu.memory_space<hbm>>
    tpu.enqueue_indirect_dma source(%dma_start3A_183 : memref<1000000x32xf32, #tpu.memory_space<hbm>>) target(%dma_start3A_177 : memref<128x32xf32, #tpu.memory_space<vmem>>) offsets(%dma_start3A_180 : memref<128xi32, #tpu.memory_space<vmem>>) semaphore(%arg15 : memref<!tpu.dma_semaphore, #tpu.memory_space<semaphore_mem>>)
    %dma_start3A_184 = arith.constant 8 : i32
    %dma_start3A_185 = arith.constant 1024 : i32
    %dma_start3A_186 = arith.constant 0 : i32
    %dma_start3A_187 = tpu.memref_slice %arg13[%dma_start3A_185, %dma_start3A_186] : memref<2560x32xf32, #tpu.memory_space<vmem>> -> memref<128x32xf32, #tpu.memory_space<vmem>>
    %dma_start3A_188 = arith.constant 0 : i32
    %dma_start3A_189 = tpu.memref_slice %arg10[%dma_start3A_184, %dma_start3A_188] : memref<20x128xi32, #tpu.memory_space<vmem>> -> memref<1x128xi32, #tpu.memory_space<vmem>>
    %dma_start3A_190 = tpu.memref_squeeze %dma_start3A_189 : memref<1x128xi32, #tpu.memory_space<vmem>> -> memref<128xi32, #tpu.memory_space<vmem>>
    %dma_start3A_191 = arith.constant 0 : i32
    %dma_start3A_192 = arith.constant 0 : i32
    %dma_start3A_193 = tpu.memref_slice %arg6[%dma_start3A_191, %dma_start3A_192] : memref<1000000x32xf32, #tpu.memory_space<hbm>> -> memref<1000000x32xf32, #tpu.memory_space<hbm>>
    tpu.enqueue_indirect_dma source(%dma_start3A_193 : memref<1000000x32xf32, #tpu.memory_space<hbm>>) target(%dma_start3A_187 : memref<128x32xf32, #tpu.memory_space<vmem>>) offsets(%dma_start3A_190 : memref<128xi32, #tpu.memory_space<vmem>>) semaphore(%arg15 : memref<!tpu.dma_semaphore, #tpu.memory_space<semaphore_mem>>)
    %dma_start3A_194 = arith.constant 9 : i32
    %dma_start3A_195 = arith.constant 1152 : i32
    %dma_start3A_196 = arith.constant 0 : i32
    %dma_start3A_197 = tpu.memref_slice %arg13[%dma_start3A_195, %dma_start3A_196] : memref<2560x32xf32, #tpu.memory_space<vmem>> -> memref<128x32xf32, #tpu.memory_space<vmem>>
    %dma_start3A_198 = arith.constant 0 : i32
    %dma_start3A_199 = tpu.memref_slice %arg10[%dma_start3A_194, %dma_start3A_198] : memref<20x128xi32, #tpu.memory_space<vmem>> -> memref<1x128xi32, #tpu.memory_space<vmem>>
    %dma_start3A_200 = tpu.memref_squeeze %dma_start3A_199 : memref<1x128xi32, #tpu.memory_space<vmem>> -> memref<128xi32, #tpu.memory_space<vmem>>
    %dma_start3A_201 = arith.constant 0 : i32
    %dma_start3A_202 = arith.constant 0 : i32
    %dma_start3A_203 = tpu.memref_slice %arg6[%dma_start3A_201, %dma_start3A_202] : memref<1000000x32xf32, #tpu.memory_space<hbm>> -> memref<1000000x32xf32, #tpu.memory_space<hbm>>
    tpu.enqueue_indirect_dma source(%dma_start3A_203 : memref<1000000x32xf32, #tpu.memory_space<hbm>>) target(%dma_start3A_197 : memref<128x32xf32, #tpu.memory_space<vmem>>) offsets(%dma_start3A_200 : memref<128xi32, #tpu.memory_space<vmem>>) semaphore(%arg15 : memref<!tpu.dma_semaphore, #tpu.memory_space<semaphore_mem>>)
    %dma_start3A_204 = arith.constant 10 : i32
    %dma_start3A_205 = arith.constant 1280 : i32
    %dma_start3A_206 = arith.constant 0 : i32
    %dma_start3A_207 = tpu.memref_slice %arg13[%dma_start3A_205, %dma_start3A_206] : memref<2560x32xf32, #tpu.memory_space<vmem>> -> memref<128x32xf32, #tpu.memory_space<vmem>>
    %dma_start3A_208 = arith.constant 0 : i32
    %dma_start3A_209 = tpu.memref_slice %arg10[%dma_start3A_204, %dma_start3A_208] : memref<20x128xi32, #tpu.memory_space<vmem>> -> memref<1x128xi32, #tpu.memory_space<vmem>>
    %dma_start3A_210 = tpu.memref_squeeze %dma_start3A_209 : memref<1x128xi32, #tpu.memory_space<vmem>> -> memref<128xi32, #tpu.memory_space<vmem>>
    %dma_start3A_211 = arith.constant 0 : i32
    %dma_start3A_212 = arith.constant 0 : i32
    %dma_start3A_213 = tpu.memref_slice %arg6[%dma_start3A_211, %dma_start3A_212] : memref<1000000x32xf32, #tpu.memory_space<hbm>> -> memref<1000000x32xf32, #tpu.memory_space<hbm>>
    tpu.enqueue_indirect_dma source(%dma_start3A_213 : memref<1000000x32xf32, #tpu.memory_space<hbm>>) target(%dma_start3A_207 : memref<128x32xf32, #tpu.memory_space<vmem>>) offsets(%dma_start3A_210 : memref<128xi32, #tpu.memory_space<vmem>>) semaphore(%arg15 : memref<!tpu.dma_semaphore, #tpu.memory_space<semaphore_mem>>)
    %dma_start3A_214 = arith.constant 11 : i32
    %dma_start3A_215 = arith.constant 1408 : i32
    %dma_start3A_216 = arith.constant 0 : i32
    %dma_start3A_217 = tpu.memref_slice %arg13[%dma_start3A_215, %dma_start3A_216] : memref<2560x32xf32, #tpu.memory_space<vmem>> -> memref<128x32xf32, #tpu.memory_space<vmem>>
    %dma_start3A_218 = arith.constant 0 : i32
    %dma_start3A_219 = tpu.memref_slice %arg10[%dma_start3A_214, %dma_start3A_218] : memref<20x128xi32, #tpu.memory_space<vmem>> -> memref<1x128xi32, #tpu.memory_space<vmem>>
    %dma_start3A_220 = tpu.memref_squeeze %dma_start3A_219 : memref<1x128xi32, #tpu.memory_space<vmem>> -> memref<128xi32, #tpu.memory_space<vmem>>
    %dma_start3A_221 = arith.constant 0 : i32
    %dma_start3A_222 = arith.constant 0 : i32
    %dma_start3A_223 = tpu.memref_slice %arg6[%dma_start3A_221, %dma_start3A_222] : memref<1000000x32xf32, #tpu.memory_space<hbm>> -> memref<1000000x32xf32, #tpu.memory_space<hbm>>
    tpu.enqueue_indirect_dma source(%dma_start3A_223 : memref<1000000x32xf32, #tpu.memory_space<hbm>>) target(%dma_start3A_217 : memref<128x32xf32, #tpu.memory_space<vmem>>) offsets(%dma_start3A_220 : memref<128xi32, #tpu.memory_space<vmem>>) semaphore(%arg15 : memref<!tpu.dma_semaphore, #tpu.memory_space<semaphore_mem>>)
    %dma_start3A_224 = arith.constant 12 : i32
    %dma_start3A_225 = arith.constant 1536 : i32
    %dma_start3A_226 = arith.constant 0 : i32
    %dma_start3A_227 = tpu.memref_slice %arg13[%dma_start3A_225, %dma_start3A_226] : memref<2560x32xf32, #tpu.memory_space<vmem>> -> memref<128x32xf32, #tpu.memory_space<vmem>>
    %dma_start3A_228 = arith.constant 0 : i32
    %dma_start3A_229 = tpu.memref_slice %arg10[%dma_start3A_224, %dma_start3A_228] : memref<20x128xi32, #tpu.memory_space<vmem>> -> memref<1x128xi32, #tpu.memory_space<vmem>>
    %dma_start3A_230 = tpu.memref_squeeze %dma_start3A_229 : memref<1x128xi32, #tpu.memory_space<vmem>> -> memref<128xi32, #tpu.memory_space<vmem>>
    %dma_start3A_231 = arith.constant 0 : i32
    %dma_start3A_232 = arith.constant 0 : i32
    %dma_start3A_233 = tpu.memref_slice %arg6[%dma_start3A_231, %dma_start3A_232] : memref<1000000x32xf32, #tpu.memory_space<hbm>> -> memref<1000000x32xf32, #tpu.memory_space<hbm>>
    tpu.enqueue_indirect_dma source(%dma_start3A_233 : memref<1000000x32xf32, #tpu.memory_space<hbm>>) target(%dma_start3A_227 : memref<128x32xf32, #tpu.memory_space<vmem>>) offsets(%dma_start3A_230 : memref<128xi32, #tpu.memory_space<vmem>>) semaphore(%arg15 : memref<!tpu.dma_semaphore, #tpu.memory_space<semaphore_mem>>)
    %dma_start3A_234 = arith.constant 13 : i32
    %dma_start3A_235 = arith.constant 1664 : i32
    %dma_start3A_236 = arith.constant 0 : i32
    %dma_start3A_237 = tpu.memref_slice %arg13[%dma_start3A_235, %dma_start3A_236] : memref<2560x32xf32, #tpu.memory_space<vmem>> -> memref<128x32xf32, #tpu.memory_space<vmem>>
    %dma_start3A_238 = arith.constant 0 : i32
    %dma_start3A_239 = tpu.memref_slice %arg10[%dma_start3A_234, %dma_start3A_238] : memref<20x128xi32, #tpu.memory_space<vmem>> -> memref<1x128xi32, #tpu.memory_space<vmem>>
    %dma_start3A_240 = tpu.memref_squeeze %dma_start3A_239 : memref<1x128xi32, #tpu.memory_space<vmem>> -> memref<128xi32, #tpu.memory_space<vmem>>
    %dma_start3A_241 = arith.constant 0 : i32
    %dma_start3A_242 = arith.constant 0 : i32
    %dma_start3A_243 = tpu.memref_slice %arg6[%dma_start3A_241, %dma_start3A_242] : memref<1000000x32xf32, #tpu.memory_space<hbm>> -> memref<1000000x32xf32, #tpu.memory_space<hbm>>
    tpu.enqueue_indirect_dma source(%dma_start3A_243 : memref<1000000x32xf32, #tpu.memory_space<hbm>>) target(%dma_start3A_237 : memref<128x32xf32, #tpu.memory_space<vmem>>) offsets(%dma_start3A_240 : memref<128xi32, #tpu.memory_space<vmem>>) semaphore(%arg15 : memref<!tpu.dma_semaphore, #tpu.memory_space<semaphore_mem>>)
    %dma_start3A_244 = arith.constant 14 : i32
    %dma_start3A_245 = arith.constant 1792 : i32
    %dma_start3A_246 = arith.constant 0 : i32
    %dma_start3A_247 = tpu.memref_slice %arg13[%dma_start3A_245, %dma_start3A_246] : memref<2560x32xf32, #tpu.memory_space<vmem>> -> memref<128x32xf32, #tpu.memory_space<vmem>>
    %dma_start3A_248 = arith.constant 0 : i32
    %dma_start3A_249 = tpu.memref_slice %arg10[%dma_start3A_244, %dma_start3A_248] : memref<20x128xi32, #tpu.memory_space<vmem>> -> memref<1x128xi32, #tpu.memory_space<vmem>>
    %dma_start3A_250 = tpu.memref_squeeze %dma_start3A_249 : memref<1x128xi32, #tpu.memory_space<vmem>> -> memref<128xi32, #tpu.memory_space<vmem>>
    %dma_start3A_251 = arith.constant 0 : i32
    %dma_start3A_252 = arith.constant 0 : i32
    %dma_start3A_253 = tpu.memref_slice %arg6[%dma_start3A_251, %dma_start3A_252] : memref<1000000x32xf32, #tpu.memory_space<hbm>> -> memref<1000000x32xf32, #tpu.memory_space<hbm>>
    tpu.enqueue_indirect_dma source(%dma_start3A_253 : memref<1000000x32xf32, #tpu.memory_space<hbm>>) target(%dma_start3A_247 : memref<128x32xf32, #tpu.memory_space<vmem>>) offsets(%dma_start3A_250 : memref<128xi32, #tpu.memory_space<vmem>>) semaphore(%arg15 : memref<!tpu.dma_semaphore, #tpu.memory_space<semaphore_mem>>)
    %dma_start3A_254 = arith.constant 15 : i32
    %dma_start3A_255 = arith.constant 1920 : i32
    %dma_start3A_256 = arith.constant 0 : i32
    %dma_start3A_257 = tpu.memref_slice %arg13[%dma_start3A_255, %dma_start3A_256] : memref<2560x32xf32, #tpu.memory_space<vmem>> -> memref<128x32xf32, #tpu.memory_space<vmem>>
    %dma_start3A_258 = arith.constant 0 : i32
    %dma_start3A_259 = tpu.memref_slice %arg10[%dma_start3A_254, %dma_start3A_258] : memref<20x128xi32, #tpu.memory_space<vmem>> -> memref<1x128xi32, #tpu.memory_space<vmem>>
    %dma_start3A_260 = tpu.memref_squeeze %dma_start3A_259 : memref<1x128xi32, #tpu.memory_space<vmem>> -> memref<128xi32, #tpu.memory_space<vmem>>
    %dma_start3A_261 = arith.constant 0 : i32
    %dma_start3A_262 = arith.constant 0 : i32
    %dma_start3A_263 = tpu.memref_slice %arg6[%dma_start3A_261, %dma_start3A_262] : memref<1000000x32xf32, #tpu.memory_space<hbm>> -> memref<1000000x32xf32, #tpu.memory_space<hbm>>
    tpu.enqueue_indirect_dma source(%dma_start3A_263 : memref<1000000x32xf32, #tpu.memory_space<hbm>>) target(%dma_start3A_257 : memref<128x32xf32, #tpu.memory_space<vmem>>) offsets(%dma_start3A_260 : memref<128xi32, #tpu.memory_space<vmem>>) semaphore(%arg15 : memref<!tpu.dma_semaphore, #tpu.memory_space<semaphore_mem>>)
    %dma_start3A_264 = arith.constant 16 : i32
    %dma_start3A_265 = arith.constant 2048 : i32
    %dma_start3A_266 = arith.constant 0 : i32
    %dma_start3A_267 = tpu.memref_slice %arg13[%dma_start3A_265, %dma_start3A_266] : memref<2560x32xf32, #tpu.memory_space<vmem>> -> memref<128x32xf32, #tpu.memory_space<vmem>>
    %dma_start3A_268 = arith.constant 0 : i32
    %dma_start3A_269 = tpu.memref_slice %arg10[%dma_start3A_264, %dma_start3A_268] : memref<20x128xi32, #tpu.memory_space<vmem>> -> memref<1x128xi32, #tpu.memory_space<vmem>>
    %dma_start3A_270 = tpu.memref_squeeze %dma_start3A_269 : memref<1x128xi32, #tpu.memory_space<vmem>> -> memref<128xi32, #tpu.memory_space<vmem>>
    %dma_start3A_271 = arith.constant 0 : i32
    %dma_start3A_272 = arith.constant 0 : i32
    %dma_start3A_273 = tpu.memref_slice %arg6[%dma_start3A_271, %dma_start3A_272] : memref<1000000x32xf32, #tpu.memory_space<hbm>> -> memref<1000000x32xf32, #tpu.memory_space<hbm>>
    tpu.enqueue_indirect_dma source(%dma_start3A_273 : memref<1000000x32xf32, #tpu.memory_space<hbm>>) target(%dma_start3A_267 : memref<128x32xf32, #tpu.memory_space<vmem>>) offsets(%dma_start3A_270 : memref<128xi32, #tpu.memory_space<vmem>>) semaphore(%arg15 : memref<!tpu.dma_semaphore, #tpu.memory_space<semaphore_mem>>)
    %dma_start3A_274 = arith.constant 17 : i32
    %dma_start3A_275 = arith.constant 2176 : i32
    %dma_start3A_276 = arith.constant 0 : i32
    %dma_start3A_277 = tpu.memref_slice %arg13[%dma_start3A_275, %dma_start3A_276] : memref<2560x32xf32, #tpu.memory_space<vmem>> -> memref<128x32xf32, #tpu.memory_space<vmem>>
    %dma_start3A_278 = arith.constant 0 : i32
    %dma_start3A_279 = tpu.memref_slice %arg10[%dma_start3A_274, %dma_start3A_278] : memref<20x128xi32, #tpu.memory_space<vmem>> -> memref<1x128xi32, #tpu.memory_space<vmem>>
    %dma_start3A_280 = tpu.memref_squeeze %dma_start3A_279 : memref<1x128xi32, #tpu.memory_space<vmem>> -> memref<128xi32, #tpu.memory_space<vmem>>
    %dma_start3A_281 = arith.constant 0 : i32
    %dma_start3A_282 = arith.constant 0 : i32
    %dma_start3A_283 = tpu.memref_slice %arg6[%dma_start3A_281, %dma_start3A_282] : memref<1000000x32xf32, #tpu.memory_space<hbm>> -> memref<1000000x32xf32, #tpu.memory_space<hbm>>
    tpu.enqueue_indirect_dma source(%dma_start3A_283 : memref<1000000x32xf32, #tpu.memory_space<hbm>>) target(%dma_start3A_277 : memref<128x32xf32, #tpu.memory_space<vmem>>) offsets(%dma_start3A_280 : memref<128xi32, #tpu.memory_space<vmem>>) semaphore(%arg15 : memref<!tpu.dma_semaphore, #tpu.memory_space<semaphore_mem>>)
    %dma_start3A_284 = arith.constant 18 : i32
    %dma_start3A_285 = arith.constant 2304 : i32
    %dma_start3A_286 = arith.constant 0 : i32
    %dma_start3A_287 = tpu.memref_slice %arg13[%dma_start3A_285, %dma_start3A_286] : memref<2560x32xf32, #tpu.memory_space<vmem>> -> memref<128x32xf32, #tpu.memory_space<vmem>>
    %dma_start3A_288 = arith.constant 0 : i32
    %dma_start3A_289 = tpu.memref_slice %arg10[%dma_start3A_284, %dma_start3A_288] : memref<20x128xi32, #tpu.memory_space<vmem>> -> memref<1x128xi32, #tpu.memory_space<vmem>>
    %dma_start3A_290 = tpu.memref_squeeze %dma_start3A_289 : memref<1x128xi32, #tpu.memory_space<vmem>> -> memref<128xi32, #tpu.memory_space<vmem>>
    %dma_start3A_291 = arith.constant 0 : i32
    %dma_start3A_292 = arith.constant 0 : i32
    %dma_start3A_293 = tpu.memref_slice %arg6[%dma_start3A_291, %dma_start3A_292] : memref<1000000x32xf32, #tpu.memory_space<hbm>> -> memref<1000000x32xf32, #tpu.memory_space<hbm>>
    tpu.enqueue_indirect_dma source(%dma_start3A_293 : memref<1000000x32xf32, #tpu.memory_space<hbm>>) target(%dma_start3A_287 : memref<128x32xf32, #tpu.memory_space<vmem>>) offsets(%dma_start3A_290 : memref<128xi32, #tpu.memory_space<vmem>>) semaphore(%arg15 : memref<!tpu.dma_semaphore, #tpu.memory_space<semaphore_mem>>)
    %dma_start3A_294 = arith.constant 19 : i32
    %dma_start3A_295 = arith.constant 2432 : i32
    %dma_start3A_296 = arith.constant 0 : i32
    %dma_start3A_297 = tpu.memref_slice %arg13[%dma_start3A_295, %dma_start3A_296] : memref<2560x32xf32, #tpu.memory_space<vmem>> -> memref<128x32xf32, #tpu.memory_space<vmem>>
    %dma_start3A_298 = arith.constant 0 : i32
    %dma_start3A_299 = tpu.memref_slice %arg10[%dma_start3A_294, %dma_start3A_298] : memref<20x128xi32, #tpu.memory_space<vmem>> -> memref<1x128xi32, #tpu.memory_space<vmem>>
    %dma_start3A_300 = tpu.memref_squeeze %dma_start3A_299 : memref<1x128xi32, #tpu.memory_space<vmem>> -> memref<128xi32, #tpu.memory_space<vmem>>
    %dma_start3A_301 = arith.constant 0 : i32
    %dma_start3A_302 = arith.constant 0 : i32
    %dma_start3A_303 = tpu.memref_slice %arg6[%dma_start3A_301, %dma_start3A_302] : memref<1000000x32xf32, #tpu.memory_space<hbm>> -> memref<1000000x32xf32, #tpu.memory_space<hbm>>
    tpu.enqueue_indirect_dma source(%dma_start3A_303 : memref<1000000x32xf32, #tpu.memory_space<hbm>>) target(%dma_start3A_297 : memref<128x32xf32, #tpu.memory_space<vmem>>) offsets(%dma_start3A_300 : memref<128xi32, #tpu.memory_space<vmem>>) semaphore(%arg15 : memref<!tpu.dma_semaphore, #tpu.memory_space<semaphore_mem>>)
    %dma_wait3A = arith.constant 0 : i32
    %dma_wait3A_304 = arith.constant 0 : i32
    %dma_wait3A_305 = tpu.memref_slice %arg5[%dma_wait3A, %dma_wait3A_304] : memref<1000000x32xf32, #tpu.memory_space<hbm>> -> memref<1000000x32xf32, #tpu.memory_space<hbm>>
    tpu.wait_indirect_dma semaphore(%arg15 : memref<!tpu.dma_semaphore, #tpu.memory_space<semaphore_mem>>) src(%dma_wait3A_305 : memref<1000000x32xf32, #tpu.memory_space<hbm>>) dst(%arg11 : memref<128x32xf32, #tpu.memory_space<vmem>>)
    %dma_wait3A_306 = arith.constant 0 : i32
    %dma_wait3A_307 = arith.constant 0 : i32
    %dma_wait3A_308 = arith.constant 0 : i32
    %dma_wait3A_309 = tpu.memref_slice %arg12[%dma_wait3A_307, %dma_wait3A_308] : memref<640x32xf32, #tpu.memory_space<vmem>> -> memref<128x32xf32, #tpu.memory_space<vmem>>
    %dma_wait3A_310 = arith.constant 0 : i32
    %dma_wait3A_311 = tpu.memref_slice %arg9[%dma_wait3A_306, %dma_wait3A_310] : memref<5x128xi32, #tpu.memory_space<vmem>> -> memref<1x128xi32, #tpu.memory_space<vmem>>
    %dma_wait3A_312 = tpu.memref_squeeze %dma_wait3A_311 : memref<1x128xi32, #tpu.memory_space<vmem>> -> memref<128xi32, #tpu.memory_space<vmem>>
    %dma_wait3A_313 = arith.constant 0 : i32
    %dma_wait3A_314 = arith.constant 0 : i32
    %dma_wait3A_315 = tpu.memref_slice %arg6[%dma_wait3A_313, %dma_wait3A_314] : memref<1000000x32xf32, #tpu.memory_space<hbm>> -> memref<1000000x32xf32, #tpu.memory_space<hbm>>
    tpu.wait_indirect_dma semaphore(%arg15 : memref<!tpu.dma_semaphore, #tpu.memory_space<semaphore_mem>>) src(%dma_wait3A_315 : memref<1000000x32xf32, #tpu.memory_space<hbm>>) dst(%dma_wait3A_309 : memref<128x32xf32, #tpu.memory_space<vmem>>)
    %dma_wait3A_316 = arith.constant 1 : i32
    %dma_wait3A_317 = arith.constant 128 : i32
    %dma_wait3A_318 = arith.constant 0 : i32
    %dma_wait3A_319 = tpu.memref_slice %arg12[%dma_wait3A_317, %dma_wait3A_318] : memref<640x32xf32, #tpu.memory_space<vmem>> -> memref<128x32xf32, #tpu.memory_space<vmem>>
    %dma_wait3A_320 = arith.constant 0 : i32
    %dma_wait3A_321 = tpu.memref_slice %arg9[%dma_wait3A_316, %dma_wait3A_320] : memref<5x128xi32, #tpu.memory_space<vmem>> -> memref<1x128xi32, #tpu.memory_space<vmem>>
    %dma_wait3A_322 = tpu.memref_squeeze %dma_wait3A_321 : memref<1x128xi32, #tpu.memory_space<vmem>> -> memref<128xi32, #tpu.memory_space<vmem>>
    %dma_wait3A_323 = arith.constant 0 : i32
    %dma_wait3A_324 = arith.constant 0 : i32
    %dma_wait3A_325 = tpu.memref_slice %arg6[%dma_wait3A_323, %dma_wait3A_324] : memref<1000000x32xf32, #tpu.memory_space<hbm>> -> memref<1000000x32xf32, #tpu.memory_space<hbm>>
    tpu.wait_indirect_dma semaphore(%arg15 : memref<!tpu.dma_semaphore, #tpu.memory_space<semaphore_mem>>) src(%dma_wait3A_325 : memref<1000000x32xf32, #tpu.memory_space<hbm>>) dst(%dma_wait3A_319 : memref<128x32xf32, #tpu.memory_space<vmem>>)
    %dma_wait3A_326 = arith.constant 2 : i32
    %dma_wait3A_327 = arith.constant 256 : i32
    %dma_wait3A_328 = arith.constant 0 : i32
    %dma_wait3A_329 = tpu.memref_slice %arg12[%dma_wait3A_327, %dma_wait3A_328] : memref<640x32xf32, #tpu.memory_space<vmem>> -> memref<128x32xf32, #tpu.memory_space<vmem>>
    %dma_wait3A_330 = arith.constant 0 : i32
    %dma_wait3A_331 = tpu.memref_slice %arg9[%dma_wait3A_326, %dma_wait3A_330] : memref<5x128xi32, #tpu.memory_space<vmem>> -> memref<1x128xi32, #tpu.memory_space<vmem>>
    %dma_wait3A_332 = tpu.memref_squeeze %dma_wait3A_331 : memref<1x128xi32, #tpu.memory_space<vmem>> -> memref<128xi32, #tpu.memory_space<vmem>>
    %dma_wait3A_333 = arith.constant 0 : i32
    %dma_wait3A_334 = arith.constant 0 : i32
    %dma_wait3A_335 = tpu.memref_slice %arg6[%dma_wait3A_333, %dma_wait3A_334] : memref<1000000x32xf32, #tpu.memory_space<hbm>> -> memref<1000000x32xf32, #tpu.memory_space<hbm>>
    tpu.wait_indirect_dma semaphore(%arg15 : memref<!tpu.dma_semaphore, #tpu.memory_space<semaphore_mem>>) src(%dma_wait3A_335 : memref<1000000x32xf32, #tpu.memory_space<hbm>>) dst(%dma_wait3A_329 : memref<128x32xf32, #tpu.memory_space<vmem>>)
    %dma_wait3A_336 = arith.constant 3 : i32
    %dma_wait3A_337 = arith.constant 384 : i32
    %dma_wait3A_338 = arith.constant 0 : i32
    %dma_wait3A_339 = tpu.memref_slice %arg12[%dma_wait3A_337, %dma_wait3A_338] : memref<640x32xf32, #tpu.memory_space<vmem>> -> memref<128x32xf32, #tpu.memory_space<vmem>>
    %dma_wait3A_340 = arith.constant 0 : i32
    %dma_wait3A_341 = tpu.memref_slice %arg9[%dma_wait3A_336, %dma_wait3A_340] : memref<5x128xi32, #tpu.memory_space<vmem>> -> memref<1x128xi32, #tpu.memory_space<vmem>>
    %dma_wait3A_342 = tpu.memref_squeeze %dma_wait3A_341 : memref<1x128xi32, #tpu.memory_space<vmem>> -> memref<128xi32, #tpu.memory_space<vmem>>
    %dma_wait3A_343 = arith.constant 0 : i32
    %dma_wait3A_344 = arith.constant 0 : i32
    %dma_wait3A_345 = tpu.memref_slice %arg6[%dma_wait3A_343, %dma_wait3A_344] : memref<1000000x32xf32, #tpu.memory_space<hbm>> -> memref<1000000x32xf32, #tpu.memory_space<hbm>>
    tpu.wait_indirect_dma semaphore(%arg15 : memref<!tpu.dma_semaphore, #tpu.memory_space<semaphore_mem>>) src(%dma_wait3A_345 : memref<1000000x32xf32, #tpu.memory_space<hbm>>) dst(%dma_wait3A_339 : memref<128x32xf32, #tpu.memory_space<vmem>>)
    %dma_wait3A_346 = arith.constant 4 : i32
    %dma_wait3A_347 = arith.constant 512 : i32
    %dma_wait3A_348 = arith.constant 0 : i32
    %dma_wait3A_349 = tpu.memref_slice %arg12[%dma_wait3A_347, %dma_wait3A_348] : memref<640x32xf32, #tpu.memory_space<vmem>> -> memref<128x32xf32, #tpu.memory_space<vmem>>
    %dma_wait3A_350 = arith.constant 0 : i32
    %dma_wait3A_351 = tpu.memref_slice %arg9[%dma_wait3A_346, %dma_wait3A_350] : memref<5x128xi32, #tpu.memory_space<vmem>> -> memref<1x128xi32, #tpu.memory_space<vmem>>
    %dma_wait3A_352 = tpu.memref_squeeze %dma_wait3A_351 : memref<1x128xi32, #tpu.memory_space<vmem>> -> memref<128xi32, #tpu.memory_space<vmem>>
    %dma_wait3A_353 = arith.constant 0 : i32
    %dma_wait3A_354 = arith.constant 0 : i32
    %dma_wait3A_355 = tpu.memref_slice %arg6[%dma_wait3A_353, %dma_wait3A_354] : memref<1000000x32xf32, #tpu.memory_space<hbm>> -> memref<1000000x32xf32, #tpu.memory_space<hbm>>
    tpu.wait_indirect_dma semaphore(%arg15 : memref<!tpu.dma_semaphore, #tpu.memory_space<semaphore_mem>>) src(%dma_wait3A_355 : memref<1000000x32xf32, #tpu.memory_space<hbm>>) dst(%dma_wait3A_349 : memref<128x32xf32, #tpu.memory_space<vmem>>)
    %dma_wait3A_356 = arith.constant 0 : i32
    %dma_wait3A_357 = arith.constant 0 : i32
    %dma_wait3A_358 = arith.constant 0 : i32
    %dma_wait3A_359 = tpu.memref_slice %arg13[%dma_wait3A_357, %dma_wait3A_358] : memref<2560x32xf32, #tpu.memory_space<vmem>> -> memref<128x32xf32, #tpu.memory_space<vmem>>
    %dma_wait3A_360 = arith.constant 0 : i32
    %dma_wait3A_361 = tpu.memref_slice %arg10[%dma_wait3A_356, %dma_wait3A_360] : memref<20x128xi32, #tpu.memory_space<vmem>> -> memref<1x128xi32, #tpu.memory_space<vmem>>
    %dma_wait3A_362 = tpu.memref_squeeze %dma_wait3A_361 : memref<1x128xi32, #tpu.memory_space<vmem>> -> memref<128xi32, #tpu.memory_space<vmem>>
    %dma_wait3A_363 = arith.constant 0 : i32
    %dma_wait3A_364 = arith.constant 0 : i32
    %dma_wait3A_365 = tpu.memref_slice %arg6[%dma_wait3A_363, %dma_wait3A_364] : memref<1000000x32xf32, #tpu.memory_space<hbm>> -> memref<1000000x32xf32, #tpu.memory_space<hbm>>
    tpu.wait_indirect_dma semaphore(%arg15 : memref<!tpu.dma_semaphore, #tpu.memory_space<semaphore_mem>>) src(%dma_wait3A_365 : memref<1000000x32xf32, #tpu.memory_space<hbm>>) dst(%dma_wait3A_359 : memref<128x32xf32, #tpu.memory_space<vmem>>)
    %dma_wait3A_366 = arith.constant 1 : i32
    %dma_wait3A_367 = arith.constant 128 : i32
    %dma_wait3A_368 = arith.constant 0 : i32
    %dma_wait3A_369 = tpu.memref_slice %arg13[%dma_wait3A_367, %dma_wait3A_368] : memref<2560x32xf32, #tpu.memory_space<vmem>> -> memref<128x32xf32, #tpu.memory_space<vmem>>
    %dma_wait3A_370 = arith.constant 0 : i32
    %dma_wait3A_371 = tpu.memref_slice %arg10[%dma_wait3A_366, %dma_wait3A_370] : memref<20x128xi32, #tpu.memory_space<vmem>> -> memref<1x128xi32, #tpu.memory_space<vmem>>
    %dma_wait3A_372 = tpu.memref_squeeze %dma_wait3A_371 : memref<1x128xi32, #tpu.memory_space<vmem>> -> memref<128xi32, #tpu.memory_space<vmem>>
    %dma_wait3A_373 = arith.constant 0 : i32
    %dma_wait3A_374 = arith.constant 0 : i32
    %dma_wait3A_375 = tpu.memref_slice %arg6[%dma_wait3A_373, %dma_wait3A_374] : memref<1000000x32xf32, #tpu.memory_space<hbm>> -> memref<1000000x32xf32, #tpu.memory_space<hbm>>
    tpu.wait_indirect_dma semaphore(%arg15 : memref<!tpu.dma_semaphore, #tpu.memory_space<semaphore_mem>>) src(%dma_wait3A_375 : memref<1000000x32xf32, #tpu.memory_space<hbm>>) dst(%dma_wait3A_369 : memref<128x32xf32, #tpu.memory_space<vmem>>)
    %dma_wait3A_376 = arith.constant 2 : i32
    %dma_wait3A_377 = arith.constant 256 : i32
    %dma_wait3A_378 = arith.constant 0 : i32
    %dma_wait3A_379 = tpu.memref_slice %arg13[%dma_wait3A_377, %dma_wait3A_378] : memref<2560x32xf32, #tpu.memory_space<vmem>> -> memref<128x32xf32, #tpu.memory_space<vmem>>
    %dma_wait3A_380 = arith.constant 0 : i32
    %dma_wait3A_381 = tpu.memref_slice %arg10[%dma_wait3A_376, %dma_wait3A_380] : memref<20x128xi32, #tpu.memory_space<vmem>> -> memref<1x128xi32, #tpu.memory_space<vmem>>
    %dma_wait3A_382 = tpu.memref_squeeze %dma_wait3A_381 : memref<1x128xi32, #tpu.memory_space<vmem>> -> memref<128xi32, #tpu.memory_space<vmem>>
    %dma_wait3A_383 = arith.constant 0 : i32
    %dma_wait3A_384 = arith.constant 0 : i32
    %dma_wait3A_385 = tpu.memref_slice %arg6[%dma_wait3A_383, %dma_wait3A_384] : memref<1000000x32xf32, #tpu.memory_space<hbm>> -> memref<1000000x32xf32, #tpu.memory_space<hbm>>
    tpu.wait_indirect_dma semaphore(%arg15 : memref<!tpu.dma_semaphore, #tpu.memory_space<semaphore_mem>>) src(%dma_wait3A_385 : memref<1000000x32xf32, #tpu.memory_space<hbm>>) dst(%dma_wait3A_379 : memref<128x32xf32, #tpu.memory_space<vmem>>)
    %dma_wait3A_386 = arith.constant 3 : i32
    %dma_wait3A_387 = arith.constant 384 : i32
    %dma_wait3A_388 = arith.constant 0 : i32
    %dma_wait3A_389 = tpu.memref_slice %arg13[%dma_wait3A_387, %dma_wait3A_388] : memref<2560x32xf32, #tpu.memory_space<vmem>> -> memref<128x32xf32, #tpu.memory_space<vmem>>
    %dma_wait3A_390 = arith.constant 0 : i32
    %dma_wait3A_391 = tpu.memref_slice %arg10[%dma_wait3A_386, %dma_wait3A_390] : memref<20x128xi32, #tpu.memory_space<vmem>> -> memref<1x128xi32, #tpu.memory_space<vmem>>
    %dma_wait3A_392 = tpu.memref_squeeze %dma_wait3A_391 : memref<1x128xi32, #tpu.memory_space<vmem>> -> memref<128xi32, #tpu.memory_space<vmem>>
    %dma_wait3A_393 = arith.constant 0 : i32
    %dma_wait3A_394 = arith.constant 0 : i32
    %dma_wait3A_395 = tpu.memref_slice %arg6[%dma_wait3A_393, %dma_wait3A_394] : memref<1000000x32xf32, #tpu.memory_space<hbm>> -> memref<1000000x32xf32, #tpu.memory_space<hbm>>
    tpu.wait_indirect_dma semaphore(%arg15 : memref<!tpu.dma_semaphore, #tpu.memory_space<semaphore_mem>>) src(%dma_wait3A_395 : memref<1000000x32xf32, #tpu.memory_space<hbm>>) dst(%dma_wait3A_389 : memref<128x32xf32, #tpu.memory_space<vmem>>)
    %dma_wait3A_396 = arith.constant 4 : i32
    %dma_wait3A_397 = arith.constant 512 : i32
    %dma_wait3A_398 = arith.constant 0 : i32
    %dma_wait3A_399 = tpu.memref_slice %arg13[%dma_wait3A_397, %dma_wait3A_398] : memref<2560x32xf32, #tpu.memory_space<vmem>> -> memref<128x32xf32, #tpu.memory_space<vmem>>
    %dma_wait3A_400 = arith.constant 0 : i32
    %dma_wait3A_401 = tpu.memref_slice %arg10[%dma_wait3A_396, %dma_wait3A_400] : memref<20x128xi32, #tpu.memory_space<vmem>> -> memref<1x128xi32, #tpu.memory_space<vmem>>
    %dma_wait3A_402 = tpu.memref_squeeze %dma_wait3A_401 : memref<1x128xi32, #tpu.memory_space<vmem>> -> memref<128xi32, #tpu.memory_space<vmem>>
    %dma_wait3A_403 = arith.constant 0 : i32
    %dma_wait3A_404 = arith.constant 0 : i32
    %dma_wait3A_405 = tpu.memref_slice %arg6[%dma_wait3A_403, %dma_wait3A_404] : memref<1000000x32xf32, #tpu.memory_space<hbm>> -> memref<1000000x32xf32, #tpu.memory_space<hbm>>
    tpu.wait_indirect_dma semaphore(%arg15 : memref<!tpu.dma_semaphore, #tpu.memory_space<semaphore_mem>>) src(%dma_wait3A_405 : memref<1000000x32xf32, #tpu.memory_space<hbm>>) dst(%dma_wait3A_399 : memref<128x32xf32, #tpu.memory_space<vmem>>)
    %dma_wait3A_406 = arith.constant 5 : i32
    %dma_wait3A_407 = arith.constant 640 : i32
    %dma_wait3A_408 = arith.constant 0 : i32
    %dma_wait3A_409 = tpu.memref_slice %arg13[%dma_wait3A_407, %dma_wait3A_408] : memref<2560x32xf32, #tpu.memory_space<vmem>> -> memref<128x32xf32, #tpu.memory_space<vmem>>
    %dma_wait3A_410 = arith.constant 0 : i32
    %dma_wait3A_411 = tpu.memref_slice %arg10[%dma_wait3A_406, %dma_wait3A_410] : memref<20x128xi32, #tpu.memory_space<vmem>> -> memref<1x128xi32, #tpu.memory_space<vmem>>
    %dma_wait3A_412 = tpu.memref_squeeze %dma_wait3A_411 : memref<1x128xi32, #tpu.memory_space<vmem>> -> memref<128xi32, #tpu.memory_space<vmem>>
    %dma_wait3A_413 = arith.constant 0 : i32
    %dma_wait3A_414 = arith.constant 0 : i32
    %dma_wait3A_415 = tpu.memref_slice %arg6[%dma_wait3A_413, %dma_wait3A_414] : memref<1000000x32xf32, #tpu.memory_space<hbm>> -> memref<1000000x32xf32, #tpu.memory_space<hbm>>
    tpu.wait_indirect_dma semaphore(%arg15 : memref<!tpu.dma_semaphore, #tpu.memory_space<semaphore_mem>>) src(%dma_wait3A_415 : memref<1000000x32xf32, #tpu.memory_space<hbm>>) dst(%dma_wait3A_409 : memref<128x32xf32, #tpu.memory_space<vmem>>)
    %dma_wait3A_416 = arith.constant 6 : i32
    %dma_wait3A_417 = arith.constant 768 : i32
    %dma_wait3A_418 = arith.constant 0 : i32
    %dma_wait3A_419 = tpu.memref_slice %arg13[%dma_wait3A_417, %dma_wait3A_418] : memref<2560x32xf32, #tpu.memory_space<vmem>> -> memref<128x32xf32, #tpu.memory_space<vmem>>
    %dma_wait3A_420 = arith.constant 0 : i32
    %dma_wait3A_421 = tpu.memref_slice %arg10[%dma_wait3A_416, %dma_wait3A_420] : memref<20x128xi32, #tpu.memory_space<vmem>> -> memref<1x128xi32, #tpu.memory_space<vmem>>
    %dma_wait3A_422 = tpu.memref_squeeze %dma_wait3A_421 : memref<1x128xi32, #tpu.memory_space<vmem>> -> memref<128xi32, #tpu.memory_space<vmem>>
    %dma_wait3A_423 = arith.constant 0 : i32
    %dma_wait3A_424 = arith.constant 0 : i32
    %dma_wait3A_425 = tpu.memref_slice %arg6[%dma_wait3A_423, %dma_wait3A_424] : memref<1000000x32xf32, #tpu.memory_space<hbm>> -> memref<1000000x32xf32, #tpu.memory_space<hbm>>
    tpu.wait_indirect_dma semaphore(%arg15 : memref<!tpu.dma_semaphore, #tpu.memory_space<semaphore_mem>>) src(%dma_wait3A_425 : memref<1000000x32xf32, #tpu.memory_space<hbm>>) dst(%dma_wait3A_419 : memref<128x32xf32, #tpu.memory_space<vmem>>)
    %dma_wait3A_426 = arith.constant 7 : i32
    %dma_wait3A_427 = arith.constant 896 : i32
    %dma_wait3A_428 = arith.constant 0 : i32
    %dma_wait3A_429 = tpu.memref_slice %arg13[%dma_wait3A_427, %dma_wait3A_428] : memref<2560x32xf32, #tpu.memory_space<vmem>> -> memref<128x32xf32, #tpu.memory_space<vmem>>
    %dma_wait3A_430 = arith.constant 0 : i32
    %dma_wait3A_431 = tpu.memref_slice %arg10[%dma_wait3A_426, %dma_wait3A_430] : memref<20x128xi32, #tpu.memory_space<vmem>> -> memref<1x128xi32, #tpu.memory_space<vmem>>
    %dma_wait3A_432 = tpu.memref_squeeze %dma_wait3A_431 : memref<1x128xi32, #tpu.memory_space<vmem>> -> memref<128xi32, #tpu.memory_space<vmem>>
    %dma_wait3A_433 = arith.constant 0 : i32
    %dma_wait3A_434 = arith.constant 0 : i32
    %dma_wait3A_435 = tpu.memref_slice %arg6[%dma_wait3A_433, %dma_wait3A_434] : memref<1000000x32xf32, #tpu.memory_space<hbm>> -> memref<1000000x32xf32, #tpu.memory_space<hbm>>
    tpu.wait_indirect_dma semaphore(%arg15 : memref<!tpu.dma_semaphore, #tpu.memory_space<semaphore_mem>>) src(%dma_wait3A_435 : memref<1000000x32xf32, #tpu.memory_space<hbm>>) dst(%dma_wait3A_429 : memref<128x32xf32, #tpu.memory_space<vmem>>)
    %dma_wait3A_436 = arith.constant 8 : i32
    %dma_wait3A_437 = arith.constant 1024 : i32
    %dma_wait3A_438 = arith.constant 0 : i32
    %dma_wait3A_439 = tpu.memref_slice %arg13[%dma_wait3A_437, %dma_wait3A_438] : memref<2560x32xf32, #tpu.memory_space<vmem>> -> memref<128x32xf32, #tpu.memory_space<vmem>>
    %dma_wait3A_440 = arith.constant 0 : i32
    %dma_wait3A_441 = tpu.memref_slice %arg10[%dma_wait3A_436, %dma_wait3A_440] : memref<20x128xi32, #tpu.memory_space<vmem>> -> memref<1x128xi32, #tpu.memory_space<vmem>>
    %dma_wait3A_442 = tpu.memref_squeeze %dma_wait3A_441 : memref<1x128xi32, #tpu.memory_space<vmem>> -> memref<128xi32, #tpu.memory_space<vmem>>
    %dma_wait3A_443 = arith.constant 0 : i32
    %dma_wait3A_444 = arith.constant 0 : i32
    %dma_wait3A_445 = tpu.memref_slice %arg6[%dma_wait3A_443, %dma_wait3A_444] : memref<1000000x32xf32, #tpu.memory_space<hbm>> -> memref<1000000x32xf32, #tpu.memory_space<hbm>>
    tpu.wait_indirect_dma semaphore(%arg15 : memref<!tpu.dma_semaphore, #tpu.memory_space<semaphore_mem>>) src(%dma_wait3A_445 : memref<1000000x32xf32, #tpu.memory_space<hbm>>) dst(%dma_wait3A_439 : memref<128x32xf32, #tpu.memory_space<vmem>>)
    %dma_wait3A_446 = arith.constant 9 : i32
    %dma_wait3A_447 = arith.constant 1152 : i32
    %dma_wait3A_448 = arith.constant 0 : i32
    %dma_wait3A_449 = tpu.memref_slice %arg13[%dma_wait3A_447, %dma_wait3A_448] : memref<2560x32xf32, #tpu.memory_space<vmem>> -> memref<128x32xf32, #tpu.memory_space<vmem>>
    %dma_wait3A_450 = arith.constant 0 : i32
    %dma_wait3A_451 = tpu.memref_slice %arg10[%dma_wait3A_446, %dma_wait3A_450] : memref<20x128xi32, #tpu.memory_space<vmem>> -> memref<1x128xi32, #tpu.memory_space<vmem>>
    %dma_wait3A_452 = tpu.memref_squeeze %dma_wait3A_451 : memref<1x128xi32, #tpu.memory_space<vmem>> -> memref<128xi32, #tpu.memory_space<vmem>>
    %dma_wait3A_453 = arith.constant 0 : i32
    %dma_wait3A_454 = arith.constant 0 : i32
    %dma_wait3A_455 = tpu.memref_slice %arg6[%dma_wait3A_453, %dma_wait3A_454] : memref<1000000x32xf32, #tpu.memory_space<hbm>> -> memref<1000000x32xf32, #tpu.memory_space<hbm>>
    tpu.wait_indirect_dma semaphore(%arg15 : memref<!tpu.dma_semaphore, #tpu.memory_space<semaphore_mem>>) src(%dma_wait3A_455 : memref<1000000x32xf32, #tpu.memory_space<hbm>>) dst(%dma_wait3A_449 : memref<128x32xf32, #tpu.memory_space<vmem>>)
    %dma_wait3A_456 = arith.constant 10 : i32
    %dma_wait3A_457 = arith.constant 1280 : i32
    %dma_wait3A_458 = arith.constant 0 : i32
    %dma_wait3A_459 = tpu.memref_slice %arg13[%dma_wait3A_457, %dma_wait3A_458] : memref<2560x32xf32, #tpu.memory_space<vmem>> -> memref<128x32xf32, #tpu.memory_space<vmem>>
    %dma_wait3A_460 = arith.constant 0 : i32
    %dma_wait3A_461 = tpu.memref_slice %arg10[%dma_wait3A_456, %dma_wait3A_460] : memref<20x128xi32, #tpu.memory_space<vmem>> -> memref<1x128xi32, #tpu.memory_space<vmem>>
    %dma_wait3A_462 = tpu.memref_squeeze %dma_wait3A_461 : memref<1x128xi32, #tpu.memory_space<vmem>> -> memref<128xi32, #tpu.memory_space<vmem>>
    %dma_wait3A_463 = arith.constant 0 : i32
    %dma_wait3A_464 = arith.constant 0 : i32
    %dma_wait3A_465 = tpu.memref_slice %arg6[%dma_wait3A_463, %dma_wait3A_464] : memref<1000000x32xf32, #tpu.memory_space<hbm>> -> memref<1000000x32xf32, #tpu.memory_space<hbm>>
    tpu.wait_indirect_dma semaphore(%arg15 : memref<!tpu.dma_semaphore, #tpu.memory_space<semaphore_mem>>) src(%dma_wait3A_465 : memref<1000000x32xf32, #tpu.memory_space<hbm>>) dst(%dma_wait3A_459 : memref<128x32xf32, #tpu.memory_space<vmem>>)
    %dma_wait3A_466 = arith.constant 11 : i32
    %dma_wait3A_467 = arith.constant 1408 : i32
    %dma_wait3A_468 = arith.constant 0 : i32
    %dma_wait3A_469 = tpu.memref_slice %arg13[%dma_wait3A_467, %dma_wait3A_468] : memref<2560x32xf32, #tpu.memory_space<vmem>> -> memref<128x32xf32, #tpu.memory_space<vmem>>
    %dma_wait3A_470 = arith.constant 0 : i32
    %dma_wait3A_471 = tpu.memref_slice %arg10[%dma_wait3A_466, %dma_wait3A_470] : memref<20x128xi32, #tpu.memory_space<vmem>> -> memref<1x128xi32, #tpu.memory_space<vmem>>
    %dma_wait3A_472 = tpu.memref_squeeze %dma_wait3A_471 : memref<1x128xi32, #tpu.memory_space<vmem>> -> memref<128xi32, #tpu.memory_space<vmem>>
    %dma_wait3A_473 = arith.constant 0 : i32
    %dma_wait3A_474 = arith.constant 0 : i32
    %dma_wait3A_475 = tpu.memref_slice %arg6[%dma_wait3A_473, %dma_wait3A_474] : memref<1000000x32xf32, #tpu.memory_space<hbm>> -> memref<1000000x32xf32, #tpu.memory_space<hbm>>
    tpu.wait_indirect_dma semaphore(%arg15 : memref<!tpu.dma_semaphore, #tpu.memory_space<semaphore_mem>>) src(%dma_wait3A_475 : memref<1000000x32xf32, #tpu.memory_space<hbm>>) dst(%dma_wait3A_469 : memref<128x32xf32, #tpu.memory_space<vmem>>)
    %dma_wait3A_476 = arith.constant 12 : i32
    %dma_wait3A_477 = arith.constant 1536 : i32
    %dma_wait3A_478 = arith.constant 0 : i32
    %dma_wait3A_479 = tpu.memref_slice %arg13[%dma_wait3A_477, %dma_wait3A_478] : memref<2560x32xf32, #tpu.memory_space<vmem>> -> memref<128x32xf32, #tpu.memory_space<vmem>>
    %dma_wait3A_480 = arith.constant 0 : i32
    %dma_wait3A_481 = tpu.memref_slice %arg10[%dma_wait3A_476, %dma_wait3A_480] : memref<20x128xi32, #tpu.memory_space<vmem>> -> memref<1x128xi32, #tpu.memory_space<vmem>>
    %dma_wait3A_482 = tpu.memref_squeeze %dma_wait3A_481 : memref<1x128xi32, #tpu.memory_space<vmem>> -> memref<128xi32, #tpu.memory_space<vmem>>
    %dma_wait3A_483 = arith.constant 0 : i32
    %dma_wait3A_484 = arith.constant 0 : i32
    %dma_wait3A_485 = tpu.memref_slice %arg6[%dma_wait3A_483, %dma_wait3A_484] : memref<1000000x32xf32, #tpu.memory_space<hbm>> -> memref<1000000x32xf32, #tpu.memory_space<hbm>>
    tpu.wait_indirect_dma semaphore(%arg15 : memref<!tpu.dma_semaphore, #tpu.memory_space<semaphore_mem>>) src(%dma_wait3A_485 : memref<1000000x32xf32, #tpu.memory_space<hbm>>) dst(%dma_wait3A_479 : memref<128x32xf32, #tpu.memory_space<vmem>>)
    %dma_wait3A_486 = arith.constant 13 : i32
    %dma_wait3A_487 = arith.constant 1664 : i32
    %dma_wait3A_488 = arith.constant 0 : i32
    %dma_wait3A_489 = tpu.memref_slice %arg13[%dma_wait3A_487, %dma_wait3A_488] : memref<2560x32xf32, #tpu.memory_space<vmem>> -> memref<128x32xf32, #tpu.memory_space<vmem>>
    %dma_wait3A_490 = arith.constant 0 : i32
    %dma_wait3A_491 = tpu.memref_slice %arg10[%dma_wait3A_486, %dma_wait3A_490] : memref<20x128xi32, #tpu.memory_space<vmem>> -> memref<1x128xi32, #tpu.memory_space<vmem>>
    %dma_wait3A_492 = tpu.memref_squeeze %dma_wait3A_491 : memref<1x128xi32, #tpu.memory_space<vmem>> -> memref<128xi32, #tpu.memory_space<vmem>>
    %dma_wait3A_493 = arith.constant 0 : i32
    %dma_wait3A_494 = arith.constant 0 : i32
    %dma_wait3A_495 = tpu.memref_slice %arg6[%dma_wait3A_493, %dma_wait3A_494] : memref<1000000x32xf32, #tpu.memory_space<hbm>> -> memref<1000000x32xf32, #tpu.memory_space<hbm>>
    tpu.wait_indirect_dma semaphore(%arg15 : memref<!tpu.dma_semaphore, #tpu.memory_space<semaphore_mem>>) src(%dma_wait3A_495 : memref<1000000x32xf32, #tpu.memory_space<hbm>>) dst(%dma_wait3A_489 : memref<128x32xf32, #tpu.memory_space<vmem>>)
    %dma_wait3A_496 = arith.constant 14 : i32
    %dma_wait3A_497 = arith.constant 1792 : i32
    %dma_wait3A_498 = arith.constant 0 : i32
    %dma_wait3A_499 = tpu.memref_slice %arg13[%dma_wait3A_497, %dma_wait3A_498] : memref<2560x32xf32, #tpu.memory_space<vmem>> -> memref<128x32xf32, #tpu.memory_space<vmem>>
    %dma_wait3A_500 = arith.constant 0 : i32
    %dma_wait3A_501 = tpu.memref_slice %arg10[%dma_wait3A_496, %dma_wait3A_500] : memref<20x128xi32, #tpu.memory_space<vmem>> -> memref<1x128xi32, #tpu.memory_space<vmem>>
    %dma_wait3A_502 = tpu.memref_squeeze %dma_wait3A_501 : memref<1x128xi32, #tpu.memory_space<vmem>> -> memref<128xi32, #tpu.memory_space<vmem>>
    %dma_wait3A_503 = arith.constant 0 : i32
    %dma_wait3A_504 = arith.constant 0 : i32
    %dma_wait3A_505 = tpu.memref_slice %arg6[%dma_wait3A_503, %dma_wait3A_504] : memref<1000000x32xf32, #tpu.memory_space<hbm>> -> memref<1000000x32xf32, #tpu.memory_space<hbm>>
    tpu.wait_indirect_dma semaphore(%arg15 : memref<!tpu.dma_semaphore, #tpu.memory_space<semaphore_mem>>) src(%dma_wait3A_505 : memref<1000000x32xf32, #tpu.memory_space<hbm>>) dst(%dma_wait3A_499 : memref<128x32xf32, #tpu.memory_space<vmem>>)
    %dma_wait3A_506 = arith.constant 15 : i32
    %dma_wait3A_507 = arith.constant 1920 : i32
    %dma_wait3A_508 = arith.constant 0 : i32
    %dma_wait3A_509 = tpu.memref_slice %arg13[%dma_wait3A_507, %dma_wait3A_508] : memref<2560x32xf32, #tpu.memory_space<vmem>> -> memref<128x32xf32, #tpu.memory_space<vmem>>
    %dma_wait3A_510 = arith.constant 0 : i32
    %dma_wait3A_511 = tpu.memref_slice %arg10[%dma_wait3A_506, %dma_wait3A_510] : memref<20x128xi32, #tpu.memory_space<vmem>> -> memref<1x128xi32, #tpu.memory_space<vmem>>
    %dma_wait3A_512 = tpu.memref_squeeze %dma_wait3A_511 : memref<1x128xi32, #tpu.memory_space<vmem>> -> memref<128xi32, #tpu.memory_space<vmem>>
    %dma_wait3A_513 = arith.constant 0 : i32
    %dma_wait3A_514 = arith.constant 0 : i32
    %dma_wait3A_515 = tpu.memref_slice %arg6[%dma_wait3A_513, %dma_wait3A_514] : memref<1000000x32xf32, #tpu.memory_space<hbm>> -> memref<1000000x32xf32, #tpu.memory_space<hbm>>
    tpu.wait_indirect_dma semaphore(%arg15 : memref<!tpu.dma_semaphore, #tpu.memory_space<semaphore_mem>>) src(%dma_wait3A_515 : memref<1000000x32xf32, #tpu.memory_space<hbm>>) dst(%dma_wait3A_509 : memref<128x32xf32, #tpu.memory_space<vmem>>)
    %dma_wait3A_516 = arith.constant 16 : i32
    %dma_wait3A_517 = arith.constant 2048 : i32
    %dma_wait3A_518 = arith.constant 0 : i32
    %dma_wait3A_519 = tpu.memref_slice %arg13[%dma_wait3A_517, %dma_wait3A_518] : memref<2560x32xf32, #tpu.memory_space<vmem>> -> memref<128x32xf32, #tpu.memory_space<vmem>>
    %dma_wait3A_520 = arith.constant 0 : i32
    %dma_wait3A_521 = tpu.memref_slice %arg10[%dma_wait3A_516, %dma_wait3A_520] : memref<20x128xi32, #tpu.memory_space<vmem>> -> memref<1x128xi32, #tpu.memory_space<vmem>>
    %dma_wait3A_522 = tpu.memref_squeeze %dma_wait3A_521 : memref<1x128xi32, #tpu.memory_space<vmem>> -> memref<128xi32, #tpu.memory_space<vmem>>
    %dma_wait3A_523 = arith.constant 0 : i32
    %dma_wait3A_524 = arith.constant 0 : i32
    %dma_wait3A_525 = tpu.memref_slice %arg6[%dma_wait3A_523, %dma_wait3A_524] : memref<1000000x32xf32, #tpu.memory_space<hbm>> -> memref<1000000x32xf32, #tpu.memory_space<hbm>>
    tpu.wait_indirect_dma semaphore(%arg15 : memref<!tpu.dma_semaphore, #tpu.memory_space<semaphore_mem>>) src(%dma_wait3A_525 : memref<1000000x32xf32, #tpu.memory_space<hbm>>) dst(%dma_wait3A_519 : memref<128x32xf32, #tpu.memory_space<vmem>>)
    %dma_wait3A_526 = arith.constant 17 : i32
    %dma_wait3A_527 = arith.constant 2176 : i32
    %dma_wait3A_528 = arith.constant 0 : i32
    %dma_wait3A_529 = tpu.memref_slice %arg13[%dma_wait3A_527, %dma_wait3A_528] : memref<2560x32xf32, #tpu.memory_space<vmem>> -> memref<128x32xf32, #tpu.memory_space<vmem>>
    %dma_wait3A_530 = arith.constant 0 : i32
    %dma_wait3A_531 = tpu.memref_slice %arg10[%dma_wait3A_526, %dma_wait3A_530] : memref<20x128xi32, #tpu.memory_space<vmem>> -> memref<1x128xi32, #tpu.memory_space<vmem>>
    %dma_wait3A_532 = tpu.memref_squeeze %dma_wait3A_531 : memref<1x128xi32, #tpu.memory_space<vmem>> -> memref<128xi32, #tpu.memory_space<vmem>>
    %dma_wait3A_533 = arith.constant 0 : i32
    %dma_wait3A_534 = arith.constant 0 : i32
    %dma_wait3A_535 = tpu.memref_slice %arg6[%dma_wait3A_533, %dma_wait3A_534] : memref<1000000x32xf32, #tpu.memory_space<hbm>> -> memref<1000000x32xf32, #tpu.memory_space<hbm>>
    tpu.wait_indirect_dma semaphore(%arg15 : memref<!tpu.dma_semaphore, #tpu.memory_space<semaphore_mem>>) src(%dma_wait3A_535 : memref<1000000x32xf32, #tpu.memory_space<hbm>>) dst(%dma_wait3A_529 : memref<128x32xf32, #tpu.memory_space<vmem>>)
    %dma_wait3A_536 = arith.constant 18 : i32
    %dma_wait3A_537 = arith.constant 2304 : i32
    %dma_wait3A_538 = arith.constant 0 : i32
    %dma_wait3A_539 = tpu.memref_slice %arg13[%dma_wait3A_537, %dma_wait3A_538] : memref<2560x32xf32, #tpu.memory_space<vmem>> -> memref<128x32xf32, #tpu.memory_space<vmem>>
    %dma_wait3A_540 = arith.constant 0 : i32
    %dma_wait3A_541 = tpu.memref_slice %arg10[%dma_wait3A_536, %dma_wait3A_540] : memref<20x128xi32, #tpu.memory_space<vmem>> -> memref<1x128xi32, #tpu.memory_space<vmem>>
    %dma_wait3A_542 = tpu.memref_squeeze %dma_wait3A_541 : memref<1x128xi32, #tpu.memory_space<vmem>> -> memref<128xi32, #tpu.memory_space<vmem>>
    %dma_wait3A_543 = arith.constant 0 : i32
    %dma_wait3A_544 = arith.constant 0 : i32
    %dma_wait3A_545 = tpu.memref_slice %arg6[%dma_wait3A_543, %dma_wait3A_544] : memref<1000000x32xf32, #tpu.memory_space<hbm>> -> memref<1000000x32xf32, #tpu.memory_space<hbm>>
    tpu.wait_indirect_dma semaphore(%arg15 : memref<!tpu.dma_semaphore, #tpu.memory_space<semaphore_mem>>) src(%dma_wait3A_545 : memref<1000000x32xf32, #tpu.memory_space<hbm>>) dst(%dma_wait3A_539 : memref<128x32xf32, #tpu.memory_space<vmem>>)
    %dma_wait3A_546 = arith.constant 19 : i32
    %dma_wait3A_547 = arith.constant 2432 : i32
    %dma_wait3A_548 = arith.constant 0 : i32
    %dma_wait3A_549 = tpu.memref_slice %arg13[%dma_wait3A_547, %dma_wait3A_548] : memref<2560x32xf32, #tpu.memory_space<vmem>> -> memref<128x32xf32, #tpu.memory_space<vmem>>
    %dma_wait3A_550 = arith.constant 0 : i32
    %dma_wait3A_551 = tpu.memref_slice %arg10[%dma_wait3A_546, %dma_wait3A_550] : memref<20x128xi32, #tpu.memory_space<vmem>> -> memref<1x128xi32, #tpu.memory_space<vmem>>
    %dma_wait3A_552 = tpu.memref_squeeze %dma_wait3A_551 : memref<1x128xi32, #tpu.memory_space<vmem>> -> memref<128xi32, #tpu.memory_space<vmem>>
    %dma_wait3A_553 = arith.constant 0 : i32
    %dma_wait3A_554 = arith.constant 0 : i32
    %dma_wait3A_555 = tpu.memref_slice %arg6[%dma_wait3A_553, %dma_wait3A_554] : memref<1000000x32xf32, #tpu.memory_space<hbm>> -> memref<1000000x32xf32, #tpu.memory_space<hbm>>
    tpu.wait_indirect_dma semaphore(%arg15 : memref<!tpu.dma_semaphore, #tpu.memory_space<semaphore_mem>>) src(%dma_wait3A_555 : memref<1000000x32xf32, #tpu.memory_space<hbm>>) dst(%dma_wait3A_549 : memref<128x32xf32, #tpu.memory_space<vmem>>)
    %iota3A = tpu.iota {dimensions = array<i32: 0>} : vector<16xi32>
    %broadcast_in_dim3A = arith.constant 0 : i32
    %broadcast_in_dim3A_556 = vector.broadcast %broadcast_in_dim3A : i32 to vector<16xi32>
    %broadcast_in_dim3A_557 = arith.constant 1 : i32
    %broadcast_in_dim3A_558 = vector.broadcast %broadcast_in_dim3A_557 : i32 to vector<16xi32>
    %broadcast_in_dim3A_559 = arith.constant 2 : i32
    %broadcast_in_dim3A_560 = vector.broadcast %broadcast_in_dim3A_559 : i32 to vector<16xi32>
    %broadcast_in_dim3A_561 = arith.constant 3 : i32
    %broadcast_in_dim3A_562 = vector.broadcast %broadcast_in_dim3A_561 : i32 to vector<16xi32>
    %broadcast_in_dim3A_563 = arith.constant 4 : i32
    %broadcast_in_dim3A_564 = vector.broadcast %broadcast_in_dim3A_563 : i32 to vector<16xi32>
    %broadcast_in_dim3A_565 = arith.constant 5 : i32
    %broadcast_in_dim3A_566 = vector.broadcast %broadcast_in_dim3A_565 : i32 to vector<16xi32>
    %broadcast_in_dim3A_567 = arith.constant 6 : i32
    %broadcast_in_dim3A_568 = vector.broadcast %broadcast_in_dim3A_567 : i32 to vector<16xi32>
    %broadcast_in_dim3A_569 = arith.constant 7 : i32
    %broadcast_in_dim3A_570 = vector.broadcast %broadcast_in_dim3A_569 : i32 to vector<16xi32>
    %broadcast_in_dim3A_571 = arith.constant 8 : i32
    %broadcast_in_dim3A_572 = vector.broadcast %broadcast_in_dim3A_571 : i32 to vector<16xi32>
    %broadcast_in_dim3A_573 = arith.constant 9 : i32
    %broadcast_in_dim3A_574 = vector.broadcast %broadcast_in_dim3A_573 : i32 to vector<16xi32>
    %broadcast_in_dim3A_575 = arith.constant 10 : i32
    %broadcast_in_dim3A_576 = vector.broadcast %broadcast_in_dim3A_575 : i32 to vector<16xi32>
    %broadcast_in_dim3A_577 = arith.constant 11 : i32
    %broadcast_in_dim3A_578 = vector.broadcast %broadcast_in_dim3A_577 : i32 to vector<16xi32>
    %broadcast_in_dim3A_579 = arith.constant 12 : i32
    %broadcast_in_dim3A_580 = vector.broadcast %broadcast_in_dim3A_579 : i32 to vector<16xi32>
    %broadcast_in_dim3A_581 = arith.constant 13 : i32
    %broadcast_in_dim3A_582 = vector.broadcast %broadcast_in_dim3A_581 : i32 to vector<16xi32>
    %broadcast_in_dim3A_583 = arith.constant 14 : i32
    %broadcast_in_dim3A_584 = vector.broadcast %broadcast_in_dim3A_583 : i32 to vector<16xi32>
    %broadcast_in_dim3A_585 = arith.constant 15 : i32
    %broadcast_in_dim3A_586 = vector.broadcast %broadcast_in_dim3A_585 : i32 to vector<16xi32>
    %broadcast_in_dim3A_587 = arith.constant 16 : i32
    %broadcast_in_dim3A_588 = vector.broadcast %broadcast_in_dim3A_587 : i32 to vector<16xi32>
    %broadcast_in_dim3A_589 = arith.constant 17 : i32
    %broadcast_in_dim3A_590 = vector.broadcast %broadcast_in_dim3A_589 : i32 to vector<16xi32>
    %broadcast_in_dim3A_591 = arith.constant 18 : i32
    %broadcast_in_dim3A_592 = vector.broadcast %broadcast_in_dim3A_591 : i32 to vector<16xi32>
    %broadcast_in_dim3A_593 = arith.constant 19 : i32
    %broadcast_in_dim3A_594 = vector.broadcast %broadcast_in_dim3A_593 : i32 to vector<16xi32>
    %broadcast_in_dim3A_595 = arith.constant 20 : i32
    %broadcast_in_dim3A_596 = vector.broadcast %broadcast_in_dim3A_595 : i32 to vector<16xi32>
    %broadcast_in_dim3A_597 = arith.constant 21 : i32
    %broadcast_in_dim3A_598 = vector.broadcast %broadcast_in_dim3A_597 : i32 to vector<16xi32>
    %broadcast_in_dim3A_599 = arith.constant 22 : i32
    %broadcast_in_dim3A_600 = vector.broadcast %broadcast_in_dim3A_599 : i32 to vector<16xi32>
    %broadcast_in_dim3A_601 = arith.constant 23 : i32
    %broadcast_in_dim3A_602 = vector.broadcast %broadcast_in_dim3A_601 : i32 to vector<16xi32>
    %broadcast_in_dim3A_603 = arith.constant 24 : i32
    %broadcast_in_dim3A_604 = vector.broadcast %broadcast_in_dim3A_603 : i32 to vector<16xi32>
    %broadcast_in_dim3A_605 = arith.constant 25 : i32
    %broadcast_in_dim3A_606 = vector.broadcast %broadcast_in_dim3A_605 : i32 to vector<16xi32>
    %broadcast_in_dim3A_607 = arith.constant 26 : i32
    %broadcast_in_dim3A_608 = vector.broadcast %broadcast_in_dim3A_607 : i32 to vector<16xi32>
    %broadcast_in_dim3A_609 = arith.constant 27 : i32
    %broadcast_in_dim3A_610 = vector.broadcast %broadcast_in_dim3A_609 : i32 to vector<16xi32>
    %broadcast_in_dim3A_611 = arith.constant 28 : i32
    %broadcast_in_dim3A_612 = vector.broadcast %broadcast_in_dim3A_611 : i32 to vector<16xi32>
    %broadcast_in_dim3A_613 = arith.constant 29 : i32
    %broadcast_in_dim3A_614 = vector.broadcast %broadcast_in_dim3A_613 : i32 to vector<16xi32>
    %broadcast_in_dim3A_615 = arith.constant 30 : i32
    %broadcast_in_dim3A_616 = vector.broadcast %broadcast_in_dim3A_615 : i32 to vector<16xi32>
    %broadcast_in_dim3A_617 = arith.constant 31 : i32
    %broadcast_in_dim3A_618 = vector.broadcast %broadcast_in_dim3A_617 : i32 to vector<16xi32>
    %scan3A = arith.constant 0 : i32
    %scan3A_619 = arith.constant 0 : i32
    %scan3A_620 = arith.constant 8 : i32
    %scan3A_621 = arith.addi %scan3A_619, %scan3A_620 : i32
    %scan3A_622 = arith.constant 1 : i32
    %scan3A_623 = scf.for %scan3A_625 = %scan3A_619 to %scan3A_621 step %scan3A_622 iter_args(%scan3A_626 = %scan3A) -> (i32)  : i32 {
      %mul3A_627 = arith.constant 16 : i32
      %mul3A_628 = arith.muli %scan3A_625, %mul3A_627 : i32
      %add3A_629 = vector.broadcast %mul3A_628 : i32 to vector<16xi32>
      %add3A_630 = arith.addi %add3A_629, %iota3A : vector<16xi32>
      %gather3A = tpu.vector_load_idx %arg11[%add3A_630, %broadcast_in_dim3A_556] : memref<128x32xf32, #tpu.memory_space<vmem>>[vector<16xi32>, vector<16xi32>], vector<16xf32>,
      %gather3A_631 = tpu.vector_load_idx %arg11[%add3A_630, %broadcast_in_dim3A_558] : memref<128x32xf32, #tpu.memory_space<vmem>>[vector<16xi32>, vector<16xi32>], vector<16xf32>,
      %gather3A_632 = tpu.vector_load_idx %arg11[%add3A_630, %broadcast_in_dim3A_560] : memref<128x32xf32, #tpu.memory_space<vmem>>[vector<16xi32>, vector<16xi32>], vector<16xf32>,
      %gather3A_633 = tpu.vector_load_idx %arg11[%add3A_630, %broadcast_in_dim3A_562] : memref<128x32xf32, #tpu.memory_space<vmem>>[vector<16xi32>, vector<16xi32>], vector<16xf32>,
      %gather3A_634 = tpu.vector_load_idx %arg11[%add3A_630, %broadcast_in_dim3A_564] : memref<128x32xf32, #tpu.memory_space<vmem>>[vector<16xi32>, vector<16xi32>], vector<16xf32>,
      %gather3A_635 = tpu.vector_load_idx %arg11[%add3A_630, %broadcast_in_dim3A_566] : memref<128x32xf32, #tpu.memory_space<vmem>>[vector<16xi32>, vector<16xi32>], vector<16xf32>,
      %gather3A_636 = tpu.vector_load_idx %arg11[%add3A_630, %broadcast_in_dim3A_568] : memref<128x32xf32, #tpu.memory_space<vmem>>[vector<16xi32>, vector<16xi32>], vector<16xf32>,
      %gather3A_637 = tpu.vector_load_idx %arg11[%add3A_630, %broadcast_in_dim3A_570] : memref<128x32xf32, #tpu.memory_space<vmem>>[vector<16xi32>, vector<16xi32>], vector<16xf32>,
      %gather3A_638 = tpu.vector_load_idx %arg11[%add3A_630, %broadcast_in_dim3A_572] : memref<128x32xf32, #tpu.memory_space<vmem>>[vector<16xi32>, vector<16xi32>], vector<16xf32>,
      %gather3A_639 = tpu.vector_load_idx %arg11[%add3A_630, %broadcast_in_dim3A_574] : memref<128x32xf32, #tpu.memory_space<vmem>>[vector<16xi32>, vector<16xi32>], vector<16xf32>,
      %gather3A_640 = tpu.vector_load_idx %arg11[%add3A_630, %broadcast_in_dim3A_576] : memref<128x32xf32, #tpu.memory_space<vmem>>[vector<16xi32>, vector<16xi32>], vector<16xf32>,
      %gather3A_641 = tpu.vector_load_idx %arg11[%add3A_630, %broadcast_in_dim3A_578] : memref<128x32xf32, #tpu.memory_space<vmem>>[vector<16xi32>, vector<16xi32>], vector<16xf32>,
      %gather3A_642 = tpu.vector_load_idx %arg11[%add3A_630, %broadcast_in_dim3A_580] : memref<128x32xf32, #tpu.memory_space<vmem>>[vector<16xi32>, vector<16xi32>], vector<16xf32>,
      %gather3A_643 = tpu.vector_load_idx %arg11[%add3A_630, %broadcast_in_dim3A_582] : memref<128x32xf32, #tpu.memory_space<vmem>>[vector<16xi32>, vector<16xi32>], vector<16xf32>,
      %gather3A_644 = tpu.vector_load_idx %arg11[%add3A_630, %broadcast_in_dim3A_584] : memref<128x32xf32, #tpu.memory_space<vmem>>[vector<16xi32>, vector<16xi32>], vector<16xf32>,
      %gather3A_645 = tpu.vector_load_idx %arg11[%add3A_630, %broadcast_in_dim3A_586] : memref<128x32xf32, #tpu.memory_space<vmem>>[vector<16xi32>, vector<16xi32>], vector<16xf32>,
      %gather3A_646 = tpu.vector_load_idx %arg11[%add3A_630, %broadcast_in_dim3A_588] : memref<128x32xf32, #tpu.memory_space<vmem>>[vector<16xi32>, vector<16xi32>], vector<16xf32>,
      %gather3A_647 = tpu.vector_load_idx %arg11[%add3A_630, %broadcast_in_dim3A_590] : memref<128x32xf32, #tpu.memory_space<vmem>>[vector<16xi32>, vector<16xi32>], vector<16xf32>,
      %gather3A_648 = tpu.vector_load_idx %arg11[%add3A_630, %broadcast_in_dim3A_592] : memref<128x32xf32, #tpu.memory_space<vmem>>[vector<16xi32>, vector<16xi32>], vector<16xf32>,
      %gather3A_649 = tpu.vector_load_idx %arg11[%add3A_630, %broadcast_in_dim3A_594] : memref<128x32xf32, #tpu.memory_space<vmem>>[vector<16xi32>, vector<16xi32>], vector<16xf32>,
      %gather3A_650 = tpu.vector_load_idx %arg11[%add3A_630, %broadcast_in_dim3A_596] : memref<128x32xf32, #tpu.memory_space<vmem>>[vector<16xi32>, vector<16xi32>], vector<16xf32>,
      %gather3A_651 = tpu.vector_load_idx %arg11[%add3A_630, %broadcast_in_dim3A_598] : memref<128x32xf32, #tpu.memory_space<vmem>>[vector<16xi32>, vector<16xi32>], vector<16xf32>,
      %gather3A_652 = tpu.vector_load_idx %arg11[%add3A_630, %broadcast_in_dim3A_600] : memref<128x32xf32, #tpu.memory_space<vmem>>[vector<16xi32>, vector<16xi32>], vector<16xf32>,
      %gather3A_653 = tpu.vector_load_idx %arg11[%add3A_630, %broadcast_in_dim3A_602] : memref<128x32xf32, #tpu.memory_space<vmem>>[vector<16xi32>, vector<16xi32>], vector<16xf32>,
      %gather3A_654 = tpu.vector_load_idx %arg11[%add3A_630, %broadcast_in_dim3A_604] : memref<128x32xf32, #tpu.memory_space<vmem>>[vector<16xi32>, vector<16xi32>], vector<16xf32>,
      %gather3A_655 = tpu.vector_load_idx %arg11[%add3A_630, %broadcast_in_dim3A_606] : memref<128x32xf32, #tpu.memory_space<vmem>>[vector<16xi32>, vector<16xi32>], vector<16xf32>,
      %gather3A_656 = tpu.vector_load_idx %arg11[%add3A_630, %broadcast_in_dim3A_608] : memref<128x32xf32, #tpu.memory_space<vmem>>[vector<16xi32>, vector<16xi32>], vector<16xf32>,
      %gather3A_657 = tpu.vector_load_idx %arg11[%add3A_630, %broadcast_in_dim3A_610] : memref<128x32xf32, #tpu.memory_space<vmem>>[vector<16xi32>, vector<16xi32>], vector<16xf32>,
      %gather3A_658 = tpu.vector_load_idx %arg11[%add3A_630, %broadcast_in_dim3A_612] : memref<128x32xf32, #tpu.memory_space<vmem>>[vector<16xi32>, vector<16xi32>], vector<16xf32>,
      %gather3A_659 = tpu.vector_load_idx %arg11[%add3A_630, %broadcast_in_dim3A_614] : memref<128x32xf32, #tpu.memory_space<vmem>>[vector<16xi32>, vector<16xi32>], vector<16xf32>,
      %gather3A_660 = tpu.vector_load_idx %arg11[%add3A_630, %broadcast_in_dim3A_616] : memref<128x32xf32, #tpu.memory_space<vmem>>[vector<16xi32>, vector<16xi32>], vector<16xf32>,
      %gather3A_661 = tpu.vector_load_idx %arg11[%add3A_630, %broadcast_in_dim3A_618] : memref<128x32xf32, #tpu.memory_space<vmem>>[vector<16xi32>, vector<16xi32>], vector<16xf32>,
      %broadcast_in_dim3A_662 = arith.constant 0.000000e+00 : f32
      %broadcast_in_dim3A_663 = vector.broadcast %broadcast_in_dim3A_662 : f32 to vector<16xf32>
      %scan3A_664 = arith.constant 0 : i32
      %scan3A_665 = arith.constant 5 : i32
      %scan3A_666 = arith.addi %scan3A_664, %scan3A_665 : i32
      %scan3A_667 = arith.constant 1 : i32
      %scan3A_668 = scf.for %scan3A_680 = %scan3A_664 to %scan3A_666 step %scan3A_667 iter_args(%scan3A_681 = %broadcast_in_dim3A_663) -> (vector<16xf32>)  : i32 {
        %mul3A_682 = arith.constant 128 : i32
        %mul3A_683 = arith.muli %scan3A_680, %mul3A_682 : i32
        %add3A_684 = vector.broadcast %mul3A_683 : i32 to vector<16xi32>
        %add3A_685 = arith.addi %add3A_684, %add3A_630 : vector<16xi32>
        %gather3A_686 = tpu.vector_load_idx %arg12[%add3A_685, %broadcast_in_dim3A_556] : memref<640x32xf32, #tpu.memory_space<vmem>>[vector<16xi32>, vector<16xi32>], vector<16xf32>,
        %mul3A_687 = arith.mulf %gather3A_686, %gather3A : vector<16xf32>
        %gather3A_688 = tpu.vector_load_idx %arg12[%add3A_685, %broadcast_in_dim3A_558] : memref<640x32xf32, #tpu.memory_space<vmem>>[vector<16xi32>, vector<16xi32>], vector<16xf32>,
        %mul3A_689 = arith.mulf %gather3A_688, %gather3A_631 : vector<16xf32>
        %add3A_690 = arith.addf %mul3A_687, %mul3A_689 : vector<16xf32>
        %gather3A_691 = tpu.vector_load_idx %arg12[%add3A_685, %broadcast_in_dim3A_560] : memref<640x32xf32, #tpu.memory_space<vmem>>[vector<16xi32>, vector<16xi32>], vector<16xf32>,
        %mul3A_692 = arith.mulf %gather3A_691, %gather3A_632 : vector<16xf32>
        %add3A_693 = arith.addf %add3A_690, %mul3A_692 : vector<16xf32>
        %gather3A_694 = tpu.vector_load_idx %arg12[%add3A_685, %broadcast_in_dim3A_562] : memref<640x32xf32, #tpu.memory_space<vmem>>[vector<16xi32>, vector<16xi32>], vector<16xf32>,
        %mul3A_695 = arith.mulf %gather3A_694, %gather3A_633 : vector<16xf32>
        %add3A_696 = arith.addf %add3A_693, %mul3A_695 : vector<16xf32>
        %gather3A_697 = tpu.vector_load_idx %arg12[%add3A_685, %broadcast_in_dim3A_564] : memref<640x32xf32, #tpu.memory_space<vmem>>[vector<16xi32>, vector<16xi32>], vector<16xf32>,
        %mul3A_698 = arith.mulf %gather3A_697, %gather3A_634 : vector<16xf32>
        %add3A_699 = arith.addf %add3A_696, %mul3A_698 : vector<16xf32>
        %gather3A_700 = tpu.vector_load_idx %arg12[%add3A_685, %broadcast_in_dim3A_566] : memref<640x32xf32, #tpu.memory_space<vmem>>[vector<16xi32>, vector<16xi32>], vector<16xf32>,
        %mul3A_701 = arith.mulf %gather3A_700, %gather3A_635 : vector<16xf32>
        %add3A_702 = arith.addf %add3A_699, %mul3A_701 : vector<16xf32>
        %gather3A_703 = tpu.vector_load_idx %arg12[%add3A_685, %broadcast_in_dim3A_568] : memref<640x32xf32, #tpu.memory_space<vmem>>[vector<16xi32>, vector<16xi32>], vector<16xf32>,
        %mul3A_704 = arith.mulf %gather3A_703, %gather3A_636 : vector<16xf32>
        %add3A_705 = arith.addf %add3A_702, %mul3A_704 : vector<16xf32>
        %gather3A_706 = tpu.vector_load_idx %arg12[%add3A_685, %broadcast_in_dim3A_570] : memref<640x32xf32, #tpu.memory_space<vmem>>[vector<16xi32>, vector<16xi32>], vector<16xf32>,
        %mul3A_707 = arith.mulf %gather3A_706, %gather3A_637 : vector<16xf32>
        %add3A_708 = arith.addf %add3A_705, %mul3A_707 : vector<16xf32>
        %gather3A_709 = tpu.vector_load_idx %arg12[%add3A_685, %broadcast_in_dim3A_572] : memref<640x32xf32, #tpu.memory_space<vmem>>[vector<16xi32>, vector<16xi32>], vector<16xf32>,
        %mul3A_710 = arith.mulf %gather3A_709, %gather3A_638 : vector<16xf32>
        %add3A_711 = arith.addf %add3A_708, %mul3A_710 : vector<16xf32>
        %gather3A_712 = tpu.vector_load_idx %arg12[%add3A_685, %broadcast_in_dim3A_574] : memref<640x32xf32, #tpu.memory_space<vmem>>[vector<16xi32>, vector<16xi32>], vector<16xf32>,
        %mul3A_713 = arith.mulf %gather3A_712, %gather3A_639 : vector<16xf32>
        %add3A_714 = arith.addf %add3A_711, %mul3A_713 : vector<16xf32>
        %gather3A_715 = tpu.vector_load_idx %arg12[%add3A_685, %broadcast_in_dim3A_576] : memref<640x32xf32, #tpu.memory_space<vmem>>[vector<16xi32>, vector<16xi32>], vector<16xf32>,
        %mul3A_716 = arith.mulf %gather3A_715, %gather3A_640 : vector<16xf32>
        %add3A_717 = arith.addf %add3A_714, %mul3A_716 : vector<16xf32>
        %gather3A_718 = tpu.vector_load_idx %arg12[%add3A_685, %broadcast_in_dim3A_578] : memref<640x32xf32, #tpu.memory_space<vmem>>[vector<16xi32>, vector<16xi32>], vector<16xf32>,
        %mul3A_719 = arith.mulf %gather3A_718, %gather3A_641 : vector<16xf32>
        %add3A_720 = arith.addf %add3A_717, %mul3A_719 : vector<16xf32>
        %gather3A_721 = tpu.vector_load_idx %arg12[%add3A_685, %broadcast_in_dim3A_580] : memref<640x32xf32, #tpu.memory_space<vmem>>[vector<16xi32>, vector<16xi32>], vector<16xf32>,
        %mul3A_722 = arith.mulf %gather3A_721, %gather3A_642 : vector<16xf32>
        %add3A_723 = arith.addf %add3A_720, %mul3A_722 : vector<16xf32>
        %gather3A_724 = tpu.vector_load_idx %arg12[%add3A_685, %broadcast_in_dim3A_582] : memref<640x32xf32, #tpu.memory_space<vmem>>[vector<16xi32>, vector<16xi32>], vector<16xf32>,
        %mul3A_725 = arith.mulf %gather3A_724, %gather3A_643 : vector<16xf32>
        %add3A_726 = arith.addf %add3A_723, %mul3A_725 : vector<16xf32>
        %gather3A_727 = tpu.vector_load_idx %arg12[%add3A_685, %broadcast_in_dim3A_584] : memref<640x32xf32, #tpu.memory_space<vmem>>[vector<16xi32>, vector<16xi32>], vector<16xf32>,
        %mul3A_728 = arith.mulf %gather3A_727, %gather3A_644 : vector<16xf32>
        %add3A_729 = arith.addf %add3A_726, %mul3A_728 : vector<16xf32>
        %gather3A_730 = tpu.vector_load_idx %arg12[%add3A_685, %broadcast_in_dim3A_586] : memref<640x32xf32, #tpu.memory_space<vmem>>[vector<16xi32>, vector<16xi32>], vector<16xf32>,
        %mul3A_731 = arith.mulf %gather3A_730, %gather3A_645 : vector<16xf32>
        %add3A_732 = arith.addf %add3A_729, %mul3A_731 : vector<16xf32>
        %gather3A_733 = tpu.vector_load_idx %arg12[%add3A_685, %broadcast_in_dim3A_588] : memref<640x32xf32, #tpu.memory_space<vmem>>[vector<16xi32>, vector<16xi32>], vector<16xf32>,
        %mul3A_734 = arith.mulf %gather3A_733, %gather3A_646 : vector<16xf32>
        %add3A_735 = arith.addf %add3A_732, %mul3A_734 : vector<16xf32>
        %gather3A_736 = tpu.vector_load_idx %arg12[%add3A_685, %broadcast_in_dim3A_590] : memref<640x32xf32, #tpu.memory_space<vmem>>[vector<16xi32>, vector<16xi32>], vector<16xf32>,
        %mul3A_737 = arith.mulf %gather3A_736, %gather3A_647 : vector<16xf32>
        %add3A_738 = arith.addf %add3A_735, %mul3A_737 : vector<16xf32>
        %gather3A_739 = tpu.vector_load_idx %arg12[%add3A_685, %broadcast_in_dim3A_592] : memref<640x32xf32, #tpu.memory_space<vmem>>[vector<16xi32>, vector<16xi32>], vector<16xf32>,
        %mul3A_740 = arith.mulf %gather3A_739, %gather3A_648 : vector<16xf32>
        %add3A_741 = arith.addf %add3A_738, %mul3A_740 : vector<16xf32>
        %gather3A_742 = tpu.vector_load_idx %arg12[%add3A_685, %broadcast_in_dim3A_594] : memref<640x32xf32, #tpu.memory_space<vmem>>[vector<16xi32>, vector<16xi32>], vector<16xf32>,
        %mul3A_743 = arith.mulf %gather3A_742, %gather3A_649 : vector<16xf32>
        %add3A_744 = arith.addf %add3A_741, %mul3A_743 : vector<16xf32>
        %gather3A_745 = tpu.vector_load_idx %arg12[%add3A_685, %broadcast_in_dim3A_596] : memref<640x32xf32, #tpu.memory_space<vmem>>[vector<16xi32>, vector<16xi32>], vector<16xf32>,
        %mul3A_746 = arith.mulf %gather3A_745, %gather3A_650 : vector<16xf32>
        %add3A_747 = arith.addf %add3A_744, %mul3A_746 : vector<16xf32>
        %gather3A_748 = tpu.vector_load_idx %arg12[%add3A_685, %broadcast_in_dim3A_598] : memref<640x32xf32, #tpu.memory_space<vmem>>[vector<16xi32>, vector<16xi32>], vector<16xf32>,
        %mul3A_749 = arith.mulf %gather3A_748, %gather3A_651 : vector<16xf32>
        %add3A_750 = arith.addf %add3A_747, %mul3A_749 : vector<16xf32>
        %gather3A_751 = tpu.vector_load_idx %arg12[%add3A_685, %broadcast_in_dim3A_600] : memref<640x32xf32, #tpu.memory_space<vmem>>[vector<16xi32>, vector<16xi32>], vector<16xf32>,
        %mul3A_752 = arith.mulf %gather3A_751, %gather3A_652 : vector<16xf32>
        %add3A_753 = arith.addf %add3A_750, %mul3A_752 : vector<16xf32>
        %gather3A_754 = tpu.vector_load_idx %arg12[%add3A_685, %broadcast_in_dim3A_602] : memref<640x32xf32, #tpu.memory_space<vmem>>[vector<16xi32>, vector<16xi32>], vector<16xf32>,
        %mul3A_755 = arith.mulf %gather3A_754, %gather3A_653 : vector<16xf32>
        %add3A_756 = arith.addf %add3A_753, %mul3A_755 : vector<16xf32>
        %gather3A_757 = tpu.vector_load_idx %arg12[%add3A_685, %broadcast_in_dim3A_604] : memref<640x32xf32, #tpu.memory_space<vmem>>[vector<16xi32>, vector<16xi32>], vector<16xf32>,
        %mul3A_758 = arith.mulf %gather3A_757, %gather3A_654 : vector<16xf32>
        %add3A_759 = arith.addf %add3A_756, %mul3A_758 : vector<16xf32>
        %gather3A_760 = tpu.vector_load_idx %arg12[%add3A_685, %broadcast_in_dim3A_606] : memref<640x32xf32, #tpu.memory_space<vmem>>[vector<16xi32>, vector<16xi32>], vector<16xf32>,
        %mul3A_761 = arith.mulf %gather3A_760, %gather3A_655 : vector<16xf32>
        %add3A_762 = arith.addf %add3A_759, %mul3A_761 : vector<16xf32>
        %gather3A_763 = tpu.vector_load_idx %arg12[%add3A_685, %broadcast_in_dim3A_608] : memref<640x32xf32, #tpu.memory_space<vmem>>[vector<16xi32>, vector<16xi32>], vector<16xf32>,
        %mul3A_764 = arith.mulf %gather3A_763, %gather3A_656 : vector<16xf32>
        %add3A_765 = arith.addf %add3A_762, %mul3A_764 : vector<16xf32>
        %gather3A_766 = tpu.vector_load_idx %arg12[%add3A_685, %broadcast_in_dim3A_610] : memref<640x32xf32, #tpu.memory_space<vmem>>[vector<16xi32>, vector<16xi32>], vector<16xf32>,
        %mul3A_767 = arith.mulf %gather3A_766, %gather3A_657 : vector<16xf32>
        %add3A_768 = arith.addf %add3A_765, %mul3A_767 : vector<16xf32>
        %gather3A_769 = tpu.vector_load_idx %arg12[%add3A_685, %broadcast_in_dim3A_612] : memref<640x32xf32, #tpu.memory_space<vmem>>[vector<16xi32>, vector<16xi32>], vector<16xf32>,
        %mul3A_770 = arith.mulf %gather3A_769, %gather3A_658 : vector<16xf32>
        %add3A_771 = arith.addf %add3A_768, %mul3A_770 : vector<16xf32>
        %gather3A_772 = tpu.vector_load_idx %arg12[%add3A_685, %broadcast_in_dim3A_614] : memref<640x32xf32, #tpu.memory_space<vmem>>[vector<16xi32>, vector<16xi32>], vector<16xf32>,
        %mul3A_773 = arith.mulf %gather3A_772, %gather3A_659 : vector<16xf32>
        %add3A_774 = arith.addf %add3A_771, %mul3A_773 : vector<16xf32>
        %gather3A_775 = tpu.vector_load_idx %arg12[%add3A_685, %broadcast_in_dim3A_616] : memref<640x32xf32, #tpu.memory_space<vmem>>[vector<16xi32>, vector<16xi32>], vector<16xf32>,
        %mul3A_776 = arith.mulf %gather3A_775, %gather3A_660 : vector<16xf32>
        %add3A_777 = arith.addf %add3A_774, %mul3A_776 : vector<16xf32>
        %gather3A_778 = tpu.vector_load_idx %arg12[%add3A_685, %broadcast_in_dim3A_618] : memref<640x32xf32, #tpu.memory_space<vmem>>[vector<16xi32>, vector<16xi32>], vector<16xf32>,
        %mul3A_779 = arith.mulf %gather3A_778, %gather3A_661 : vector<16xf32>
        %add3A_780 = arith.addf %add3A_777, %mul3A_779 : vector<16xf32>
        %neg3A = arith.constant 0.000000e+00 : f32
        %neg3A_781 = vector.broadcast %neg3A : f32 to vector<16xf32>
        %neg3A_782 = arith.subf %neg3A_781, %add3A_780 : vector<16xf32>
        %abs3A = math.absf %neg3A_782 : vector<16xf32>
        %neg3A_783 = arith.constant 0.000000e+00 : f32
        %neg3A_784 = vector.broadcast %neg3A_783 : f32 to vector<16xf32>
        %neg3A_785 = arith.subf %neg3A_784, %abs3A : vector<16xf32>
        %exp3A = math.exp %neg3A_785 : vector<16xf32>
        %add3A_786 = arith.constant 2.000000e+00 : f32
        %add3A_787 = vector.broadcast %add3A_786 : f32 to vector<16xf32>
        %add3A_788 = arith.addf %exp3A, %add3A_787 : vector<16xf32>
        %div3A = arith.divf %exp3A, %add3A_788 : vector<16xf32>
        %mul3A_789 = arith.mulf %div3A, %div3A : vector<16xf32>
        %mul3A_790 = arith.constant 0.0909090936 : f32
        %mul3A_791 = vector.broadcast %mul3A_790 : f32 to vector<16xf32>
        %mul3A_792 = arith.mulf %mul3A_791, %mul3A_789 : vector<16xf32>
        %add3A_793 = arith.constant 0.111111112 : f32
        %add3A_794 = vector.broadcast %add3A_793 : f32 to vector<16xf32>
        %add3A_795 = arith.addf %mul3A_792, %add3A_794 : vector<16xf32>
        %mul3A_796 = arith.mulf %add3A_795, %mul3A_789 : vector<16xf32>
        %add3A_797 = arith.constant 0.142857149 : f32
        %add3A_798 = vector.broadcast %add3A_797 : f32 to vector<16xf32>
        %add3A_799 = arith.addf %mul3A_796, %add3A_798 : vector<16xf32>
        %mul3A_800 = arith.mulf %add3A_799, %mul3A_789 : vector<16xf32>
        %add3A_801 = arith.constant 2.000000e-01 : f32
        %add3A_802 = vector.broadcast %add3A_801 : f32 to vector<16xf32>
        %add3A_803 = arith.addf %mul3A_800, %add3A_802 : vector<16xf32>
        %mul3A_804 = arith.mulf %add3A_803, %mul3A_789 : vector<16xf32>
        %add3A_805 = arith.constant 0.333333343 : f32
        %add3A_806 = vector.broadcast %add3A_805 : f32 to vector<16xf32>
        %add3A_807 = arith.addf %mul3A_804, %add3A_806 : vector<16xf32>
        %mul3A_808 = arith.mulf %add3A_807, %mul3A_789 : vector<16xf32>
        %add3A_809 = arith.constant 1.000000e+00 : f32
        %add3A_810 = vector.broadcast %add3A_809 : f32 to vector<16xf32>
        %add3A_811 = arith.addf %mul3A_808, %add3A_810 : vector<16xf32>
        %max3A = arith.constant 0.000000e+00 : f32
        %max3A_812 = vector.broadcast %max3A : f32 to vector<16xf32>
        %max3A_813 = arith.maximumf %neg3A_782, %max3A_812 : vector<16xf32>
        %mul3A_814 = arith.constant 2.000000e+00 : f32
        %mul3A_815 = vector.broadcast %mul3A_814 : f32 to vector<16xf32>
        %mul3A_816 = arith.mulf %mul3A_815, %div3A : vector<16xf32>
        %mul3A_817 = arith.mulf %mul3A_816, %add3A_811 : vector<16xf32>
        %add3A_818 = arith.addf %max3A_813, %mul3A_817 : vector<16xf32>
        %add3A_819 = arith.addf %scan3A_681, %add3A_818 : vector<16xf32>
        scf.yield %add3A_819 : vector<16xf32>
      }
      %scan3A_669 = arith.constant 5 : i32
      %scan3A_670 = arith.constant 0 : i32
      %scan3A_671 = arith.constant 20 : i32
      %scan3A_672 = arith.addi %scan3A_670, %scan3A_671 : i32
      %scan3A_673 = arith.constant 1 : i32
      %scan3A_674 = scf.for %scan3A_680 = %scan3A_670 to %scan3A_672 step %scan3A_673 iter_args(%scan3A_681 = %scan3A_668) -> (vector<16xf32>)  : i32 {
        %mul3A_682 = arith.constant 128 : i32
        %mul3A_683 = arith.muli %scan3A_680, %mul3A_682 : i32
        %add3A_684 = vector.broadcast %mul3A_683 : i32 to vector<16xi32>
        %add3A_685 = arith.addi %add3A_684, %add3A_630 : vector<16xi32>
        %gather3A_686 = tpu.vector_load_idx %arg13[%add3A_685, %broadcast_in_dim3A_556] : memref<2560x32xf32, #tpu.memory_space<vmem>>[vector<16xi32>, vector<16xi32>], vector<16xf32>,
        %mul3A_687 = arith.mulf %gather3A_686, %gather3A : vector<16xf32>
        %gather3A_688 = tpu.vector_load_idx %arg13[%add3A_685, %broadcast_in_dim3A_558] : memref<2560x32xf32, #tpu.memory_space<vmem>>[vector<16xi32>, vector<16xi32>], vector<16xf32>,
        %mul3A_689 = arith.mulf %gather3A_688, %gather3A_631 : vector<16xf32>
        %add3A_690 = arith.addf %mul3A_687, %mul3A_689 : vector<16xf32>
        %gather3A_691 = tpu.vector_load_idx %arg13[%add3A_685, %broadcast_in_dim3A_560] : memref<2560x32xf32, #tpu.memory_space<vmem>>[vector<16xi32>, vector<16xi32>], vector<16xf32>,
        %mul3A_692 = arith.mulf %gather3A_691, %gather3A_632 : vector<16xf32>
        %add3A_693 = arith.addf %add3A_690, %mul3A_692 : vector<16xf32>
        %gather3A_694 = tpu.vector_load_idx %arg13[%add3A_685, %broadcast_in_dim3A_562] : memref<2560x32xf32, #tpu.memory_space<vmem>>[vector<16xi32>, vector<16xi32>], vector<16xf32>,
        %mul3A_695 = arith.mulf %gather3A_694, %gather3A_633 : vector<16xf32>
        %add3A_696 = arith.addf %add3A_693, %mul3A_695 : vector<16xf32>
        %gather3A_697 = tpu.vector_load_idx %arg13[%add3A_685, %broadcast_in_dim3A_564] : memref<2560x32xf32, #tpu.memory_space<vmem>>[vector<16xi32>, vector<16xi32>], vector<16xf32>,
        %mul3A_698 = arith.mulf %gather3A_697, %gather3A_634 : vector<16xf32>
        %add3A_699 = arith.addf %add3A_696, %mul3A_698 : vector<16xf32>
        %gather3A_700 = tpu.vector_load_idx %arg13[%add3A_685, %broadcast_in_dim3A_566] : memref<2560x32xf32, #tpu.memory_space<vmem>>[vector<16xi32>, vector<16xi32>], vector<16xf32>,
        %mul3A_701 = arith.mulf %gather3A_700, %gather3A_635 : vector<16xf32>
        %add3A_702 = arith.addf %add3A_699, %mul3A_701 : vector<16xf32>
        %gather3A_703 = tpu.vector_load_idx %arg13[%add3A_685, %broadcast_in_dim3A_568] : memref<2560x32xf32, #tpu.memory_space<vmem>>[vector<16xi32>, vector<16xi32>], vector<16xf32>,
        %mul3A_704 = arith.mulf %gather3A_703, %gather3A_636 : vector<16xf32>
        %add3A_705 = arith.addf %add3A_702, %mul3A_704 : vector<16xf32>
        %gather3A_706 = tpu.vector_load_idx %arg13[%add3A_685, %broadcast_in_dim3A_570] : memref<2560x32xf32, #tpu.memory_space<vmem>>[vector<16xi32>, vector<16xi32>], vector<16xf32>,
        %mul3A_707 = arith.mulf %gather3A_706, %gather3A_637 : vector<16xf32>
        %add3A_708 = arith.addf %add3A_705, %mul3A_707 : vector<16xf32>
        %gather3A_709 = tpu.vector_load_idx %arg13[%add3A_685, %broadcast_in_dim3A_572] : memref<2560x32xf32, #tpu.memory_space<vmem>>[vector<16xi32>, vector<16xi32>], vector<16xf32>,
        %mul3A_710 = arith.mulf %gather3A_709, %gather3A_638 : vector<16xf32>
        %add3A_711 = arith.addf %add3A_708, %mul3A_710 : vector<16xf32>
        %gather3A_712 = tpu.vector_load_idx %arg13[%add3A_685, %broadcast_in_dim3A_574] : memref<2560x32xf32, #tpu.memory_space<vmem>>[vector<16xi32>, vector<16xi32>], vector<16xf32>,
        %mul3A_713 = arith.mulf %gather3A_712, %gather3A_639 : vector<16xf32>
        %add3A_714 = arith.addf %add3A_711, %mul3A_713 : vector<16xf32>
        %gather3A_715 = tpu.vector_load_idx %arg13[%add3A_685, %broadcast_in_dim3A_576] : memref<2560x32xf32, #tpu.memory_space<vmem>>[vector<16xi32>, vector<16xi32>], vector<16xf32>,
        %mul3A_716 = arith.mulf %gather3A_715, %gather3A_640 : vector<16xf32>
        %add3A_717 = arith.addf %add3A_714, %mul3A_716 : vector<16xf32>
        %gather3A_718 = tpu.vector_load_idx %arg13[%add3A_685, %broadcast_in_dim3A_578] : memref<2560x32xf32, #tpu.memory_space<vmem>>[vector<16xi32>, vector<16xi32>], vector<16xf32>,
        %mul3A_719 = arith.mulf %gather3A_718, %gather3A_641 : vector<16xf32>
        %add3A_720 = arith.addf %add3A_717, %mul3A_719 : vector<16xf32>
        %gather3A_721 = tpu.vector_load_idx %arg13[%add3A_685, %broadcast_in_dim3A_580] : memref<2560x32xf32, #tpu.memory_space<vmem>>[vector<16xi32>, vector<16xi32>], vector<16xf32>,
        %mul3A_722 = arith.mulf %gather3A_721, %gather3A_642 : vector<16xf32>
        %add3A_723 = arith.addf %add3A_720, %mul3A_722 : vector<16xf32>
        %gather3A_724 = tpu.vector_load_idx %arg13[%add3A_685, %broadcast_in_dim3A_582] : memref<2560x32xf32, #tpu.memory_space<vmem>>[vector<16xi32>, vector<16xi32>], vector<16xf32>,
        %mul3A_725 = arith.mulf %gather3A_724, %gather3A_643 : vector<16xf32>
        %add3A_726 = arith.addf %add3A_723, %mul3A_725 : vector<16xf32>
        %gather3A_727 = tpu.vector_load_idx %arg13[%add3A_685, %broadcast_in_dim3A_584] : memref<2560x32xf32, #tpu.memory_space<vmem>>[vector<16xi32>, vector<16xi32>], vector<16xf32>,
        %mul3A_728 = arith.mulf %gather3A_727, %gather3A_644 : vector<16xf32>
        %add3A_729 = arith.addf %add3A_726, %mul3A_728 : vector<16xf32>
        %gather3A_730 = tpu.vector_load_idx %arg13[%add3A_685, %broadcast_in_dim3A_586] : memref<2560x32xf32, #tpu.memory_space<vmem>>[vector<16xi32>, vector<16xi32>], vector<16xf32>,
        %mul3A_731 = arith.mulf %gather3A_730, %gather3A_645 : vector<16xf32>
        %add3A_732 = arith.addf %add3A_729, %mul3A_731 : vector<16xf32>
        %gather3A_733 = tpu.vector_load_idx %arg13[%add3A_685, %broadcast_in_dim3A_588] : memref<2560x32xf32, #tpu.memory_space<vmem>>[vector<16xi32>, vector<16xi32>], vector<16xf32>,
        %mul3A_734 = arith.mulf %gather3A_733, %gather3A_646 : vector<16xf32>
        %add3A_735 = arith.addf %add3A_732, %mul3A_734 : vector<16xf32>
        %gather3A_736 = tpu.vector_load_idx %arg13[%add3A_685, %broadcast_in_dim3A_590] : memref<2560x32xf32, #tpu.memory_space<vmem>>[vector<16xi32>, vector<16xi32>], vector<16xf32>,
        %mul3A_737 = arith.mulf %gather3A_736, %gather3A_647 : vector<16xf32>
        %add3A_738 = arith.addf %add3A_735, %mul3A_737 : vector<16xf32>
        %gather3A_739 = tpu.vector_load_idx %arg13[%add3A_685, %broadcast_in_dim3A_592] : memref<2560x32xf32, #tpu.memory_space<vmem>>[vector<16xi32>, vector<16xi32>], vector<16xf32>,
        %mul3A_740 = arith.mulf %gather3A_739, %gather3A_648 : vector<16xf32>
        %add3A_741 = arith.addf %add3A_738, %mul3A_740 : vector<16xf32>
        %gather3A_742 = tpu.vector_load_idx %arg13[%add3A_685, %broadcast_in_dim3A_594] : memref<2560x32xf32, #tpu.memory_space<vmem>>[vector<16xi32>, vector<16xi32>], vector<16xf32>,
        %mul3A_743 = arith.mulf %gather3A_742, %gather3A_649 : vector<16xf32>
        %add3A_744 = arith.addf %add3A_741, %mul3A_743 : vector<16xf32>
        %gather3A_745 = tpu.vector_load_idx %arg13[%add3A_685, %broadcast_in_dim3A_596] : memref<2560x32xf32, #tpu.memory_space<vmem>>[vector<16xi32>, vector<16xi32>], vector<16xf32>,
        %mul3A_746 = arith.mulf %gather3A_745, %gather3A_650 : vector<16xf32>
        %add3A_747 = arith.addf %add3A_744, %mul3A_746 : vector<16xf32>
        %gather3A_748 = tpu.vector_load_idx %arg13[%add3A_685, %broadcast_in_dim3A_598] : memref<2560x32xf32, #tpu.memory_space<vmem>>[vector<16xi32>, vector<16xi32>], vector<16xf32>,
        %mul3A_749 = arith.mulf %gather3A_748, %gather3A_651 : vector<16xf32>
        %add3A_750 = arith.addf %add3A_747, %mul3A_749 : vector<16xf32>
        %gather3A_751 = tpu.vector_load_idx %arg13[%add3A_685, %broadcast_in_dim3A_600] : memref<2560x32xf32, #tpu.memory_space<vmem>>[vector<16xi32>, vector<16xi32>], vector<16xf32>,
        %mul3A_752 = arith.mulf %gather3A_751, %gather3A_652 : vector<16xf32>
        %add3A_753 = arith.addf %add3A_750, %mul3A_752 : vector<16xf32>
        %gather3A_754 = tpu.vector_load_idx %arg13[%add3A_685, %broadcast_in_dim3A_602] : memref<2560x32xf32, #tpu.memory_space<vmem>>[vector<16xi32>, vector<16xi32>], vector<16xf32>,
        %mul3A_755 = arith.mulf %gather3A_754, %gather3A_653 : vector<16xf32>
        %add3A_756 = arith.addf %add3A_753, %mul3A_755 : vector<16xf32>
        %gather3A_757 = tpu.vector_load_idx %arg13[%add3A_685, %broadcast_in_dim3A_604] : memref<2560x32xf32, #tpu.memory_space<vmem>>[vector<16xi32>, vector<16xi32>], vector<16xf32>,
        %mul3A_758 = arith.mulf %gather3A_757, %gather3A_654 : vector<16xf32>
        %add3A_759 = arith.addf %add3A_756, %mul3A_758 : vector<16xf32>
        %gather3A_760 = tpu.vector_load_idx %arg13[%add3A_685, %broadcast_in_dim3A_606] : memref<2560x32xf32, #tpu.memory_space<vmem>>[vector<16xi32>, vector<16xi32>], vector<16xf32>,
        %mul3A_761 = arith.mulf %gather3A_760, %gather3A_655 : vector<16xf32>
        %add3A_762 = arith.addf %add3A_759, %mul3A_761 : vector<16xf32>
        %gather3A_763 = tpu.vector_load_idx %arg13[%add3A_685, %broadcast_in_dim3A_608] : memref<2560x32xf32, #tpu.memory_space<vmem>>[vector<16xi32>, vector<16xi32>], vector<16xf32>,
        %mul3A_764 = arith.mulf %gather3A_763, %gather3A_656 : vector<16xf32>
        %add3A_765 = arith.addf %add3A_762, %mul3A_764 : vector<16xf32>
        %gather3A_766 = tpu.vector_load_idx %arg13[%add3A_685, %broadcast_in_dim3A_610] : memref<2560x32xf32, #tpu.memory_space<vmem>>[vector<16xi32>, vector<16xi32>], vector<16xf32>,
        %mul3A_767 = arith.mulf %gather3A_766, %gather3A_657 : vector<16xf32>
        %add3A_768 = arith.addf %add3A_765, %mul3A_767 : vector<16xf32>
        %gather3A_769 = tpu.vector_load_idx %arg13[%add3A_685, %broadcast_in_dim3A_612] : memref<2560x32xf32, #tpu.memory_space<vmem>>[vector<16xi32>, vector<16xi32>], vector<16xf32>,
        %mul3A_770 = arith.mulf %gather3A_769, %gather3A_658 : vector<16xf32>
        %add3A_771 = arith.addf %add3A_768, %mul3A_770 : vector<16xf32>
        %gather3A_772 = tpu.vector_load_idx %arg13[%add3A_685, %broadcast_in_dim3A_614] : memref<2560x32xf32, #tpu.memory_space<vmem>>[vector<16xi32>, vector<16xi32>], vector<16xf32>,
        %mul3A_773 = arith.mulf %gather3A_772, %gather3A_659 : vector<16xf32>
        %add3A_774 = arith.addf %add3A_771, %mul3A_773 : vector<16xf32>
        %gather3A_775 = tpu.vector_load_idx %arg13[%add3A_685, %broadcast_in_dim3A_616] : memref<2560x32xf32, #tpu.memory_space<vmem>>[vector<16xi32>, vector<16xi32>], vector<16xf32>,
        %mul3A_776 = arith.mulf %gather3A_775, %gather3A_660 : vector<16xf32>
        %add3A_777 = arith.addf %add3A_774, %mul3A_776 : vector<16xf32>
        %gather3A_778 = tpu.vector_load_idx %arg13[%add3A_685, %broadcast_in_dim3A_618] : memref<2560x32xf32, #tpu.memory_space<vmem>>[vector<16xi32>, vector<16xi32>], vector<16xf32>,
        %mul3A_779 = arith.mulf %gather3A_778, %gather3A_661 : vector<16xf32>
        %add3A_780 = arith.addf %add3A_777, %mul3A_779 : vector<16xf32>
        %abs3A = math.absf %add3A_780 : vector<16xf32>
        %neg3A = arith.constant 0.000000e+00 : f32
        %neg3A_781 = vector.broadcast %neg3A : f32 to vector<16xf32>
        %neg3A_782 = arith.subf %neg3A_781, %abs3A : vector<16xf32>
        %exp3A = math.exp %neg3A_782 : vector<16xf32>
        %add3A_783 = arith.constant 2.000000e+00 : f32
        %add3A_784 = vector.broadcast %add3A_783 : f32 to vector<16xf32>
        %add3A_785 = arith.addf %exp3A, %add3A_784 : vector<16xf32>
        %div3A = arith.divf %exp3A, %add3A_785 : vector<16xf32>
        %mul3A_786 = arith.mulf %div3A, %div3A : vector<16xf32>
        %mul3A_787 = arith.constant 0.0909090936 : f32
        %mul3A_788 = vector.broadcast %mul3A_787 : f32 to vector<16xf32>
        %mul3A_789 = arith.mulf %mul3A_788, %mul3A_786 : vector<16xf32>
        %add3A_790 = arith.constant 0.111111112 : f32
        %add3A_791 = vector.broadcast %add3A_790 : f32 to vector<16xf32>
        %add3A_792 = arith.addf %mul3A_789, %add3A_791 : vector<16xf32>
        %mul3A_793 = arith.mulf %add3A_792, %mul3A_786 : vector<16xf32>
        %add3A_794 = arith.constant 0.142857149 : f32
        %add3A_795 = vector.broadcast %add3A_794 : f32 to vector<16xf32>
        %add3A_796 = arith.addf %mul3A_793, %add3A_795 : vector<16xf32>
        %mul3A_797 = arith.mulf %add3A_796, %mul3A_786 : vector<16xf32>
        %add3A_798 = arith.constant 2.000000e-01 : f32
        %add3A_799 = vector.broadcast %add3A_798 : f32 to vector<16xf32>
        %add3A_800 = arith.addf %mul3A_797, %add3A_799 : vector<16xf32>
        %mul3A_801 = arith.mulf %add3A_800, %mul3A_786 : vector<16xf32>
        %add3A_802 = arith.constant 0.333333343 : f32
        %add3A_803 = vector.broadcast %add3A_802 : f32 to vector<16xf32>
        %add3A_804 = arith.addf %mul3A_801, %add3A_803 : vector<16xf32>
        %mul3A_805 = arith.mulf %add3A_804, %mul3A_786 : vector<16xf32>
        %add3A_806 = arith.constant 1.000000e+00 : f32
        %add3A_807 = vector.broadcast %add3A_806 : f32 to vector<16xf32>
        %add3A_808 = arith.addf %mul3A_805, %add3A_807 : vector<16xf32>
        %max3A = arith.constant 0.000000e+00 : f32
        %max3A_809 = vector.broadcast %max3A : f32 to vector<16xf32>
        %max3A_810 = arith.maximumf %add3A_780, %max3A_809 : vector<16xf32>
        %mul3A_811 = arith.constant 2.000000e+00 : f32
        %mul3A_812 = vector.broadcast %mul3A_811 : f32 to vector<16xf32>
        %mul3A_813 = arith.mulf %mul3A_812, %div3A : vector<16xf32>
        %mul3A_814 = arith.mulf %mul3A_813, %add3A_808 : vector<16xf32>
        %add3A_815 = arith.addf %max3A_810, %mul3A_814 : vector<16xf32>
        %add3A_816 = arith.addf %scan3A_681, %add3A_815 : vector<16xf32>
        scf.yield %add3A_816 : vector<16xf32>
      }
      %scan3A_675 = arith.constant 20 : i32
      %mul3A_676 = arith.constant 16 : i32
      %mul3A_677 = arith.muli %scan3A_625, %mul3A_676 : i32
      %multiple_of3A = tpu.assume_multiple %mul3A_677, 16 : i32
      %swap3A = arith.index_cast %multiple_of3A : i32 to index
      %swap3A_678 = tpu.vector_load %arg14[%swap3A] {strides = array<i32>} : memref<128xf32, #tpu.memory_space<vmem>>, vector<16xf32>,
      tpu.vector_store %arg14[%swap3A], %scan3A_674 {strides = array<i32>} : memref<128xf32, #tpu.memory_space<vmem>>, vector<16xf32>,
      %scan3A_679 = arith.constant 0 : i32
      scf.yield %scan3A_679 : i32
    }
    %scan3A_624 = arith.constant 8 : i32
    "tpu.region"() ({
      %run_scoped3A_625 = tpu.sem_alloc : memref<!tpu.dma_semaphore, #tpu.memory_space<semaphore_mem>>
      %dma_start3A_626 = tpu.memref_slice %arg7[%mul3A_2] : memref<4096xf32, #tpu.memory_space<hbm>> -> memref<128xf32, #tpu.memory_space<hbm>>
      %dma_start3A_627 = tpu.memref_slice %arg7[%mul3A_2] : memref<4096xf32, #tpu.memory_space<hbm>> -> memref<128xf32, #tpu.memory_space<hbm>>
      tpu.enqueue_dma source(%arg14 : memref<128xf32, #tpu.memory_space<vmem>>) target(%dma_start3A_627 : memref<128xf32, #tpu.memory_space<hbm>>) target_semaphore(%run_scoped3A_625 : memref<!tpu.dma_semaphore, #tpu.memory_space<semaphore_mem>>)
      %dma_wait3A_628 = tpu.memref_slice %arg7[%mul3A_2] : memref<4096xf32, #tpu.memory_space<hbm>> -> memref<128xf32, #tpu.memory_space<hbm>>
      %dma_wait3A_629 = tpu.memref_slice %arg7[%mul3A_2] : memref<4096xf32, #tpu.memory_space<hbm>> -> memref<128xf32, #tpu.memory_space<hbm>>
      tpu.wait_dma2 semaphore(%run_scoped3A_625 : memref<!tpu.dma_semaphore, #tpu.memory_space<semaphore_mem>>) src(%arg14 : memref<128xf32, #tpu.memory_space<vmem>>) dst(%dma_wait3A_629 : memref<128xf32, #tpu.memory_space<hbm>>)
      tpu.yield
    }) : () -> ()
    return
  }
}

</mosaic_0001>

<sc_bundles>
// kernel: kernel.3.cloned.1.call-start
scs
__scs_entry_jumppad:
0x0: {  	(pc) =	sbr.rel $0x88, $3  }
0x1: {  	(tag) =	ssettag $0x0;
	lr =	simm.s32 $0x1  }
0x2: {  	[smem:$0x3F9C] =	sst lr;
	_ =	strace $0xD0000000  }
0x3: {  	_ = 	snop  }
0x4: {  	_ = 	snop  }
0x5: {  	_ = 	snop  }
0x6: {  	_ = 	snop  }
0x7: {  	_ = 	snop  }
__scs_overlays_trampoline_lowered:
0x8: {  	[smem:$0x3FAB] =	sst s0  }
0x9: {  	[smem:$0x3FAC] =	sst s1  }
0xa: {  	[smem:$0x3FAD] =	sst s2  }
0xb: {  	[smem:$0x3FAE] =	sst s3  }
0xc: {  	[smem:$0x3FAF] =	sst s4  }
0xd: {  	[smem:$0x3FB0] =	sst s5  }
0xe: {  	[smem:$0x3FB1] =	sst s6  }
0xf: {  	[smem:$0x3FB2] =	sst s7  }
0x10: {  	[smem:$0x3FB3] =	sst s8  }
0x11: {  	[smem:$0x3FB4] =	sst s9;
	s0 =	simm.s32 @!p0 $0x0  }
0x12: {  	s1 =	sld [smem:$0x3F9A];
	s0 =	simm.s32 @p0 $0x1  }
0x13: {  	[smem:$0x3FB5] =	sst s0;
	s0 =	simm.s32 @!p1 $0x0  }
0x14: {  	s2 =	sld [smem:$0x3F99];
	s0 =	simm.s32 @p1 $0x1  }
0x15: {  	[smem:$0x3FB6] =	sst s0;
	s0 =	simm.s32 @!p2 $0x0  }
0x16: {  	s3 =	sld [smem:$0x3FDB];
	s0 =	simm.s32 @p2 $0x1  }
0x17: {  	s4 =	simm.s32 $0x1BF5;
	[smem:$0x3FB8] =	sst s0  }
0x18: {  	s0 =	sld [smem:$0x3F9B];
	_ =	swait.ge [sflag:s4], $0x0  }
0x19: {  	s7 =	sld [smem:$0x3F9C]  }
0x1a: {  	s8 =	sadd.s32 $0xFFFFE003, lr  }
0x1b: {  	s9 =	sadd.s32 $0xFFFFFEF7, lr;
	s5 =	simm.s32 $0xFFFFFFFF;
	p2 =	slt.u32 s8, $0xFFFFF086  }
0x1c: {  	p1 =	slt.u32 s9, $0xF7A;
	s5 =	simm.s32 @!p2 $0x0  }
0x1d: {  	s5 =	simm.s32 @p1 $0x1;
	p0 =	seq.s32 s7, s2  }
0x1e: {  	s7 =	smul.u32 @!p0 $0xF7A, s2;
	p2 =	seq.s32 @!p0 s5, $0x0  }
0x1f: {  	s9 =	smul.u32 $0xF7A, s1;
	s8 =	simm.s32 @!p0 $0x1BF5;
	p2 =	por !p2, p0  }
0x20: {  	[sflag:s8] =	ssyncset.s32 @!p0 $0xFFFFF086;
	s6 =	sadd.s32 @!p0 s3, s7;
	s7 =	simm.s32 @!p0 $0x108  }
0x21: {  	s3 =	sadd.s32 s3, s9;
	s6 =	sadd.s32 @!p0 $0x88, s6;
	s7 =	simm.s32 @p2 $0x1082  }
0x22: {  	[simem:s7], [sflag:s8] =	dma.local @!p0 [hbm:s6], $0xF7A  }
0x23: {  	s9 =	sor.u32 $0xD0000000, s2;
	s6 =	simm.s32 $0x108;
	_ =	swait.ge @!p0 [sflag:s8], $0x0  }
0x24: {  	s3 =	sadd.s32 $0x88, s3;
	s6 =	simm.s32 @!p1 $0x1082;
	[sflag:s4] =	ssyncset.s32 $0xFFFFF086  }
0x25: {  	[simem:s6], [sflag:s4] =	dma.local [hbm:s3], $0xF7A  }
0x26: {  	[smem:$0x3F9C] =	sst s1;
	(tag) =	ssettag s2;
	_ =	strace s9  }
0x27: {  	s1 =	sld [smem:$0x3FAC]  }
0x28: {  	s2 =	sld [smem:$0x3FAD]  }
0x29: {  	s4 =	sld [smem:$0x3FAF]  }
0x2a: {  	p0 =	seq.s32 s5, $0x0;
	s5 =	sld [smem:$0x3FB0]  }
0x2b: {  	s6 =	sld [smem:$0x3FB1]  }
0x2c: {  	s7 =	sld [smem:$0x3FB2]  }
0x2d: {  	s3 =	simm.s32 $0x108;
	s8 =	sld [smem:$0x3FB3]  }
0x2e: {  	s3 =	simm.s32 @!p0 $0x1082;
	s9 =	sld [smem:$0x3FB4]  }
0x2f: {  	lr =	sadd.s32 s0, s3;
	s0 =	sld [smem:$0x3FAB]  }
0x30: {  	s3 =	sld [smem:$0x3FAE]  }
0x31: {  	[smem:$0x3FB7] =	sst s10  }
0x32: {  	s10 =	sld [smem:$0x3FB5];
	_ =	sdelay $0x3  }
0x33: {  	p0 =	seq.s32 s10, $0x1;
	s10 =	sld [smem:$0x3FB7];
	_ =	sdelay $0x3  }
0x34: {  	[smem:$0x3FB7] =	sst s10  }
0x35: {  	s10 =	sld [smem:$0x3FB6];
	_ =	sdelay $0x3  }
0x36: {  	p1 =	seq.s32 s10, $0x1;
	s10 =	sld [smem:$0x3FB7];
	_ =	sdelay $0x3  }
0x37: {  	[smem:$0x3FB7] =	sst s10  }
0x38: {  	s10 =	sld [smem:$0x3FB8]  }
0x39: {  	_ = 	snop;
	(pc) =	sbr.ind lr, $3  }
0x3a: {  	_ = 	snop  }
0x3b: {  	_ = 	snop  }
0x3c: {  	p2 =	seq.s32 s10, $0x1;
	s10 =	sld [smem:$0x3FB7]  }
0x3d: {  	_ =	shalt  }
0x3e: {  	_ =	shalt  }
0x3f: {  	_ =	shalt  }
0x40: {  	_ =	shalt  }
0x41: {  	_ =	shalt  }
0x42: {  	_ =	shalt  }
0x43: {  	_ =	shalt  }
0x44: {  	_ =	shalt  }
0x45: {  	_ =	shalt  }
0x46: {  	_ =	shalt  }
0x47: {  	_ =	shalt  }
0x48: {  	_ =	shalt  }
0x49: {  	_ =	shalt  }
0x4a: {  	_ =	shalt  }
0x4b: {  	_ =	shalt  }
0x4c: {  	_ =	shalt  }
0x4d: {  	_ =	shalt  }
0x4e: {  	_ =	shalt  }
0x4f: {  	_ =	shalt  }
0x50: {  	_ =	shalt  }
0x51: {  	_ =	shalt  }
0x52: {  	_ =	shalt  }
0x53: {  	_ =	shalt  }
0x54: {  	_ =	shalt  }
0x55: {  	_ =	shalt  }
0x56: {  	_ =	shalt  }
0x57: {  	_ =	shalt  }
0x58: {  	_ =	shalt  }
0x59: {  	_ =	shalt  }
0x5a: {  	_ =	shalt  }
0x5b: {  	_ =	shalt  }
0x5c: {  	_ =	shalt  }
0x5d: {  	_ =	shalt  }
0x5e: {  	_ =	shalt  }
0x5f: {  	_ =	shalt  }
0x60: {  	_ =	shalt  }
0x61: {  	_ =	shalt  }
0x62: {  	_ =	shalt  }
0x63: {  	_ =	shalt  }
0x64: {  	_ =	shalt  }
0x65: {  	_ =	shalt  }
0x66: {  	_ =	shalt  }
0x67: {  	_ =	shalt  }
0x68: {  	_ =	shalt  }
0x69: {  	_ =	shalt  }
0x6a: {  	_ =	shalt  }
0x6b: {  	_ =	shalt  }
0x6c: {  	_ =	shalt  }
0x6d: {  	_ =	shalt  }
0x6e: {  	_ =	shalt  }
0x6f: {  	_ =	shalt  }
0x70: {  	_ =	shalt  }
0x71: {  	_ =	shalt  }
0x72: {  	_ =	shalt  }
0x73: {  	_ =	shalt  }
0x74: {  	_ =	shalt  }
0x75: {  	_ =	shalt  }
0x76: {  	_ =	shalt  }
0x77: {  	_ =	shalt  }
0x78: {  	_ =	shalt  }
0x79: {  	_ =	shalt  }
0x7a: {  	_ =	shalt  }
0x7b: {  	_ =	shalt  }
0x7c: {  	_ =	shalt  }
0x7d: {  	_ =	shalt  }
0x7e: {  	_ =	shalt  }
0x7f: {  	_ =	shalt  }
0x80: {  	_ =	shalt  }
0x81: {  	_ =	shalt  }
0x82: {  	_ =	shalt  }
0x83: {  	_ =	shalt  }
0x84: {  	_ =	shalt  }
0x85: {  	_ =	shalt  }
0x86: {  	_ =	shalt  }
0x87: {  	_ =	shalt  }
.Lfunc_end0:
.L_simem_size_0:
called_computation_lowered:
.L_overlay_start_0:
0x88: {  	s2 =	sld [smem:$0x3FD9]  }
0x89: {  	s3 =	sld [smem:$0x3FFE];
	_ =	sdelay $0x1  }
0x8a: {  	s1 =	srdreg.scid  }
0x8b: {  	s0 =	sand.u32 $0x1, s1  }
0x8c: {  	s17 =	sshll.u32 s0, $0xA;
	s2 =	sadd.s32 s3, s2  }
0x8d: {  	s2 =	sadd.s32 s2, s17  }
0x8e: {  	[smem:$0x3FC3] =	sst s2  }
0x8f: {  	_ = 	snop  }
0x90: {  	s2 =	sld [smem:$0x3FC9]  }
0x91: {  	s18 =	sld [smem:$0x3FD0];
	(tm) =	ssettm $0x1  }
0x92: {  	s4 =	sld [smem:$0x3FFB];
	_ =	sdelay $0x3  }
0x93: {  	_ =	strace s4  }
0x94: {  	s4 =	sld [smem:$0x3FFC];
	_ =	sdelay $0x3  }
0x95: {  	_ =	strace s4  }
0x96: {  	s4 =	sld [smem:$0x3FFD];
	_ =	sdelay $0x3  }
0x97: {  	_ =	strace s4  }
0x98: {  	_ =	strace $0x8FFFFFFF  }
0x99: {  	s19 =	sld [smem:$0x3FDB];
	_ =	sdelay $0x1  }
0x9a: {  	s5 =	simm.s32 $_scs_section_size  }
0x9b: {  	s6 =	simm.s32 $_size__tile_overlayer_lowered;
	s7 =	simm.s32 $_tile_overlayer_lowered  }
0x9c: {  	s22 =	simm.s32 $0x1BFF;
	s21 =	sshll.u32 s7, $0x1;
	s4 =	sadd.s32 s5, s19  }
0x9d: {  	s8 =	simm.s32 $0x0;
	s20 =	sshll.u32 s6, $0x1;
	s6 =	sadd.s32 s21, s4  }
0x9e: {  	[timem:s8], [sflag:s22] =	dma.local [hbm:s6], s20  }
0x9f: {  	_ =	swait.ge [sflag:s22], s20  }
0xa0: {  	s5 =	ssub.s32 $0x0, s20;
	[sflag:s22] =	ssyncset.done $0x0  }
0xa1: {  	[sflag:s22] =	ssyncadd.s32 s5;
	_ =	sdelay $0x1  }
0xa2: {  	s23 =	simm.s32 $0x1B8B  }
0xa3: {  	_ =	swait.ge [sflag:s23], $0x1  }
0xa4: {  	[sflag:s23] =	ssyncset.done $0x0  }
0xa5: {  	s25 =	simm.s32 $0x1B8E;
	s24 =	sld [smem:$0x3FFE];
	[sflag:s23] =	ssyncadd.s32 $0xFFFFFFFF  }
0xa6: {  	s26 =	simm.s32 $execute0_lowered;
	[smem:$0x3FD2] =	sst s25  }
0xa7: {  	s6 =	sshll.u32 s26, $0x1;
	_ =	strace $0x80000046;
	[dreg:$0x1] =	wrdreg $0xFFFFFFFF  }
0xa8: {  	s28 =	simm.s32 $_size_execute0_lowered;
	s4 =	sadd.s32 s4, s6;
	[dreg:$0x0] =	wrdreg $0x0  }
0xa9: {  	s6 =	sshll.u32 s28, $0x1;
	[dreg:$0x2] =	wrdreg s4  }
0xaa: {  	[dreg:$0x3] =	wrdreg s6  }
0xab: {  	[dreg:$0x4] =	wrdreg $0xC0  }
0xac: {  	_ =	task [dreg:s8], $0x5FFFF  }
0xad: {  	[dreg:$0x1] =	wrdreg $0xFFFFFFFF  }
0xae: {  	[dreg:$0x0] =	wrdreg $0x60  }
0xaf: {  	[dreg:$0x2] =	wrdreg s2  }
0xb0: {  	[dreg:$0x3] =	wrdreg s24  }
0xb1: {  	[dreg:$0x4] =	wrdreg s18  }
0xb2: {  	[dreg:$0x5] =	wrdreg $0x9  }
0xb3: {  	_ =	task.clear_ibuf [dreg:s8], $0x6FFFF;
	_ =	strace $0x90000046  }
0xb4: {  	s29 =	simm.s32 $0x9;
	_ =	strace $0x80000048  }
0xb5: {  	_ =	swait.ge [sflag:s29], $0x1  }
0xb6: {  	[sflag:s29] =	ssyncadd.s32 $0xFFFFFFFF  }
0xb7: {  	_ =	strace $0x90000048  }
0xb8: {  	_ =	sfence  }
0xb9: {  	s30 =	sld [smem:$0x0];
	_ =	sdelay $0x2  }
0xba: {  	s31 =	sshll.u32 s1, $0xD;
	s1 =	sshrl.u32 s1, $0x2  }
0xbb: {  	s3 =	sand.u32 $0x4000, s31;
	s1 =	sadd.s32 s1, s30  }
0xbc: {  	s0 =	sor.u32 s3, s0;
	s1 =	sshll.u32 s1, $0x11  }
0xbd: {  	s0 =	sor.u32 s1, s0  }
0xbe: {  	s0 =	sadd.s32 $0x8F2B, s0  }
0xbf: {  	[sflag:s0] =	ssyncadd.remote.s32 $0x1  }
0xc0: {  	_ =	sfence.sel $0xFFFF  }
0xc1: {  	[dreg:$0x0] =	wrdreg $0xFFFFFFFF;
	(pc) =	sbr.abs _section_cstart, $3  }
0xc2: {  	[dreg:$0x1] =	wrdreg $0xFFFFFFFF  }
0xc3: {  	_ =	task.clear_ibuf [dreg:s8], $0x2FFFF;
	_ =	strace $0x9FFFFFFF  }
0xc4: {  	(tm) =	ssettm $0x7FFFFFFF  }
0xc5: {  	_ =	shalt  }
tec
execute0_lowered:
.L_overlay_start_1:
0x0: {  	(tag) =	ssettag $0x1  }
0x1: {  	s0 =	rddreg [dreg:$0x0]  }
0x2: {  	s2 =	rddreg [dreg:$0x1]  }
0x3: {  	s3 =	rddreg [dreg:$0x2];
	s1 =	simm.s32 $0x0;
	s4 =	srdreg.scid  }
0x4: {  	s9 =	stileid.u32;
	[smem:$0x7FF] =	sst s1;
	s5 =	sadd.s32 $0x3000, s2  }
0x5: {  	s6 =	sadd.s32 $0x800, s2;
	s4 =	sand.u32 $0x1, s4;
	s7 =	sadd.s32 $0x1313600, s2  }
0x6: {  	s9 =	sshll.u32 s9, $0x5;
	s15 =	sadd.s32 $0xF42C00, s2;
	s10 =	sshll.u32 s4, $0x4  }
0x7: {  	_ =	strace $0x80000047;
	s17 =	ssub.s32 $0x2, s4;
	s18 =	sor.u32 s10, s9  }
0x8: {  	[dreg:$0x4] =	wrdreg s7;
	s8 =	sshrl.u32 s17, $0x1;
	s0 =	sadd.s32 s0, s18  }
0x9: {  	s2 =	ssub.s32 s17, s8;
	s19 =	sadd.s32 s5, s18;
	[dreg:$0x5] =	wrdreg s0  }
0xa: {  	s20 =	sor.u32 $0x200, s18;
	s17 =	sadd.s32 s3, s18;
	[dreg:$0x6] =	wrdreg s19  }
0xb: {  	s22 =	sor.u32 $0x400, s18;
	s21 =	sadd.s32 s5, s20;
	[dreg:$0x16] =	wrdreg s17  }
0xc: {  	s9 =	sor.u32 $0x600, s18;
	s23 =	sadd.s32 s5, s22;
	[dreg:$0x7] =	wrdreg s21  }
0xd: {  	s25 =	sor.u32 $0x800, s18;
	s24 =	sadd.s32 s5, s9;
	[dreg:$0x8] =	wrdreg s23  }
0xe: {  	s5 =	sadd.s32 s5, s25;
	[dreg:$0x9] =	wrdreg s24  }
0xf: {  	s0 =	sadd.s32 s6, s20;
	[dreg:$0xa] =	wrdreg s5  }
0x10: {  	s26 =	sadd.s32 s6, s22;
	[dreg:$0xb] =	wrdreg s0  }
0x11: {  	s4 =	sadd.s32 s6, s9;
	[dreg:$0xc] =	wrdreg s26  }
0x12: {  	s8 =	sadd.s32 s6, s25;
	[dreg:$0xd] =	wrdreg s4  }
0x13: {  	s19 =	smax.u32 s2, $0x1;
	[dreg:$0xe] =	wrdreg s8  }
0x14: {  	s5 =	sadd.s32 s6, s18;
	[dreg:$0x18] =	wrdreg s19  }
0x15: {  	s9 =	sadd.s32 $0xA00, s5;
	[smem:$0x7FD] =	sst s5  }
0x16: {  	s10 =	sadd.s32 $0xC00, s5;
	[dreg:$0xf] =	wrdreg s9  }
0x17: {  	s11 =	sadd.s32 $0xE00, s5;
	[dreg:$0x10] =	wrdreg s10  }
0x18: {  	s12 =	sadd.s32 $0x1000, s5;
	[dreg:$0x11] =	wrdreg s11  }
0x19: {  	s13 =	sadd.s32 $0x1200, s5;
	[dreg:$0x12] =	wrdreg s12  }
0x1a: {  	s28 =	simm.s32 $0x600;
	s14 =	sadd.s32 $0x1400, s5;
	[dreg:$0x13] =	wrdreg s13  }
0x1b: {  	s29 =	simm.s32 $0x700;
	s16 =	sadd.s32 $0x1600, s5;
	[dreg:$0x14] =	wrdreg s14  }
0x1c: {  	s30 =	simm.s32 $0x800;
	s18 =	sadd.s32 $0x1800, s5;
	[dreg:$0x15] =	wrdreg s16  }
0x1d: {  	s31 =	simm.s32 $0x900;
	s20 =	sadd.s32 $0x1A00, s5;
	[dreg:$0x17] =	wrdreg s18  }
0x1e: {  	s7 =	simm.s32 $0x580;
	s21 =	sadd.s32 $0x1C00, s5;
	[dreg:$0x19] =	wrdreg s20  }
0x1f: {  	s3 =	simm.s32 $0x2;
	s22 =	sadd.s32 $0x1E00, s5;
	[dreg:$0x1a] =	wrdreg s21  }
0x20: {  	s17 =	simm.s32 $0x680;
	s23 =	sadd.s32 $0x2000, s5;
	[dreg:$0x1b] =	wrdreg s22  }
0x21: {  	s2 =	simm.s32 $0xA80;
	s24 =	sadd.s32 $0x2200, s5;
	[dreg:$0x1c] =	wrdreg s23  }
0x22: {  	s19 =	simm.s32 $0xD00;
	s25 =	sadd.s32 $0x2400, s5;
	[dreg:$0x1d] =	wrdreg s24  }
0x23: {  	s6 =	simm.s32 $0x1;
	s26 =	sadd.s32 $0x2600, s5;
	[dreg:$0x1e] =	wrdreg s25  }
0x24: {  	s0 =	simm.s32 $0x0;
	s5 =	simm.s32 $0xC00;
	[dreg:$0x1f] =	wrdreg s26  }
0x25: {  	s13 =	simm.s32 $0x1D00;
	s20 =	simm.s32 $0x6D00;
	s24 =	simm.s32 $0x300  }
0x26: {  	s25 =	simm.s32 $0x400;
	s16 =	simm.s32 $0x480;
	s26 =	simm.s32 $0x500  }
0x27: {  	s12 =	simm.s32 $0x780;
	s18 =	simm.s32 $0x880;
	s9 =	simm.s32 $0x980  }
0x28: {  	s11 =	simm.s32 $0xB00;
	s21 =	simm.s32 $0xB80;
	s23 =	simm.s32 $0xC80  }
.LBB2_1:
0x29: {  	[smem:$0x7FC] =	sst s0  }
0x2a: {  	s10 =	rddreg [dreg:$0x5]  }
0x2b: {  	[tilespmem:s1], [sflag:$0x2] =	stream.linear.gather [hbm4b:s10+s1], $0x80, $0x38;
	[tilespmem:$0x1AD80] =	vst v63  }
0x2c: {  	_ =	swait.ge [sflag:s3], $0x80  }
0x2d: {  	s4 =	simm.s32 $0x0;
	[sflag:s3] =	ssyncset.done $0x0  }
0x2e: {  	s1 =	simm.s32 $0x80;
	s22 =	rddreg [dreg:$0x6];
	[sflag:s3] =	ssyncadd.s32 $0xFFFFFF80  }
0x2f: {  	[tilespmem:s1], [sflag:$0x2] =	stream.linear.gather [hbm4b:s22+s4], $0x80, $0x38;
	[tilespmem:$0x1AD80] =	vst v63  }
0x30: {  	_ =	swait.ge [sflag:s3], $0x80  }
0x31: {  	[sflag:s3] =	ssyncset.done $0x0  }
0x32: {  	s8 =	simm.s32 $0x100;
	s0 =	rddreg [dreg:$0x7];
	[sflag:s3] =	ssyncadd.s32 $0xFFFFFF80  }
0x33: {  	[tilespmem:s8], [sflag:$0x2] =	stream.linear.gather [hbm4b:s0+s4], $0x80, $0x38;
	[tilespmem:$0x1AD80] =	vst v63  }
0x34: {  	_ =	swait.ge [sflag:s3], $0x80  }
0x35: {  	[sflag:s3] =	ssyncset.done $0x0  }
0x36: {  	s22 =	simm.s32 $0x180;
	s14 =	rddreg [dreg:$0x8];
	[sflag:s3] =	ssyncadd.s32 $0xFFFFFF80  }
0x37: {  	[tilespmem:s22], [sflag:$0x2] =	stream.linear.gather [hbm4b:s14+s4], $0x80, $0x38;
	[tilespmem:$0x1AD80] =	vst v63  }
0x38: {  	_ =	swait.ge [sflag:s3], $0x80  }
0x39: {  	[sflag:s3] =	ssyncset.done $0x0  }
0x3a: {  	s22 =	simm.s32 $0x200;
	s0 =	rddreg [dreg:$0x9];
	[sflag:s3] =	ssyncadd.s32 $0xFFFFFF80  }
0x3b: {  	[tilespmem:s22], [sflag:$0x2] =	stream.linear.gather [hbm4b:s0+s4], $0x80, $0x38;
	[tilespmem:$0x1AD80] =	vst v63  }
0x3c: {  	_ =	swait.ge [sflag:s3], $0x80  }
0x3d: {  	[sflag:s3] =	ssyncset.done $0x0  }
0x3e: {  	s14 =	simm.s32 $0x280;
	s8 =	rddreg [dreg:$0xa];
	[sflag:s3] =	ssyncadd.s32 $0xFFFFFF80  }
0x3f: {  	[tilespmem:s14], [sflag:$0x2] =	stream.linear.gather [hbm4b:s8+s4], $0x80, $0x38;
	[tilespmem:$0x1AD80] =	vst v63  }
0x40: {  	_ =	swait.ge [sflag:s3], $0x80  }
0x41: {  	s10 =	sld [smem:$0x7FD]  }
0x42: {  	[sflag:s3] =	ssyncset.done $0x0  }
0x43: {  	[sflag:s3] =	ssyncadd.s32 $0xFFFFFF80  }
0x44: {  	[tilespmem:s24], [sflag:$0x2] =	stream.linear.gather [hbm4b:s10+s4], $0x80, $0x38;
	[tilespmem:$0x1AD80] =	vst v63  }
0x45: {  	_ =	swait.ge [sflag:s3], $0x80  }
0x46: {  	[sflag:s3] =	ssyncset.done $0x0  }
0x47: {  	s8 =	simm.s32 $0x380;
	s0 =	rddreg [dreg:$0xb];
	[sflag:s3] =	ssyncadd.s32 $0xFFFFFF80  }
0x48: {  	[tilespmem:s8], [sflag:$0x2] =	stream.linear.gather [hbm4b:s0+s4], $0x80, $0x38;
	[tilespmem:$0x1AD80] =	vst v63  }
0x49: {  	_ =	swait.ge [sflag:s3], $0x80  }
0x4a: {  	[sflag:s3] =	ssyncset.done $0x0  }
0x4b: {  	s0 =	rddreg [dreg:$0xc];
	[sflag:s3] =	ssyncadd.s32 $0xFFFFFF80  }
0x4c: {  	[tilespmem:s25], [sflag:$0x2] =	stream.linear.gather [hbm4b:s0+s4], $0x80, $0x38;
	[tilespmem:$0x1AD80] =	vst v63  }
0x4d: {  	_ =	swait.ge [sflag:s3], $0x80  }
0x4e: {  	[sflag:s3] =	ssyncset.done $0x0  }
0x4f: {  	s0 =	rddreg [dreg:$0xd];
	[sflag:s3] =	ssyncadd.s32 $0xFFFFFF80  }
0x50: {  	[tilespmem:s16], [sflag:$0x2] =	stream.linear.gather [hbm4b:s0+s4], $0x80, $0x38;
	[tilespmem:$0x1AD80] =	vst v63  }
0x51: {  	_ =	swait.ge [sflag:s3], $0x80  }
0x52: {  	[sflag:s3] =	ssyncset.done $0x0  }
0x53: {  	s0 =	rddreg [dreg:$0xe];
	[sflag:s3] =	ssyncadd.s32 $0xFFFFFF80  }
0x54: {  	[tilespmem:s26], [sflag:$0x2] =	stream.linear.gather [hbm4b:s0+s4], $0x80, $0x38;
	[tilespmem:$0x1AD80] =	vst v63  }
0x55: {  	_ =	swait.ge [sflag:s3], $0x80  }
0x56: {  	[sflag:s3] =	ssyncset.done $0x0  }
0x57: {  	s0 =	rddreg [dreg:$0xf];
	[sflag:s3] =	ssyncadd.s32 $0xFFFFFF80  }
0x58: {  	[tilespmem:s7], [sflag:$0x2] =	stream.linear.gather [hbm4b:s0+s4], $0x80, $0x38;
	[tilespmem:$0x1AD80] =	vst v63  }
0x59: {  	_ =	swait.ge [sflag:s3], $0x80  }
0x5a: {  	[sflag:s3] =	ssyncset.done $0x0  }
0x5b: {  	s0 =	rddreg [dreg:$0x10];
	[sflag:s3] =	ssyncadd.s32 $0xFFFFFF80  }
0x5c: {  	[tilespmem:s28], [sflag:$0x2] =	stream.linear.gather [hbm4b:s0+s4], $0x80, $0x38;
	[tilespmem:$0x1AD80] =	vst v63  }
0x5d: {  	_ =	swait.ge [sflag:s3], $0x80  }
0x5e: {  	[sflag:s3] =	ssyncset.done $0x0  }
0x5f: {  	s0 =	rddreg [dreg:$0x11];
	[sflag:s3] =	ssyncadd.s32 $0xFFFFFF80  }
0x60: {  	[tilespmem:s17], [sflag:$0x2] =	stream.linear.gather [hbm4b:s0+s4], $0x80, $0x38;
	[tilespmem:$0x1AD80] =	vst v63  }
0x61: {  	_ =	swait.ge [sflag:s3], $0x80  }
0x62: {  	[sflag:s3] =	ssyncset.done $0x0  }
0x63: {  	s0 =	rddreg [dreg:$0x12];
	[sflag:s3] =	ssyncadd.s32 $0xFFFFFF80  }
0x64: {  	[tilespmem:s29], [sflag:$0x2] =	stream.linear.gather [hbm4b:s0+s4], $0x80, $0x38;
	[tilespmem:$0x1AD80] =	vst v63  }
0x65: {  	_ =	swait.ge [sflag:s3], $0x80  }
0x66: {  	[sflag:s3] =	ssyncset.done $0x0  }
0x67: {  	s0 =	rddreg [dreg:$0x13];
	[sflag:s3] =	ssyncadd.s32 $0xFFFFFF80  }
0x68: {  	[tilespmem:s12], [sflag:$0x2] =	stream.linear.gather [hbm4b:s0+s4], $0x80, $0x38;
	[tilespmem:$0x1AD80] =	vst v63  }
0x69: {  	_ =	swait.ge [sflag:s3], $0x80  }
0x6a: {  	[sflag:s3] =	ssyncset.done $0x0  }
0x6b: {  	s0 =	rddreg [dreg:$0x14];
	[sflag:s3] =	ssyncadd.s32 $0xFFFFFF80  }
0x6c: {  	[tilespmem:s30], [sflag:$0x2] =	stream.linear.gather [hbm4b:s0+s4], $0x80, $0x38;
	[tilespmem:$0x1AD80] =	vst v63  }
0x6d: {  	_ =	swait.ge [sflag:s3], $0x80  }
0x6e: {  	[sflag:s3] =	ssyncset.done $0x0  }
0x6f: {  	s0 =	rddreg [dreg:$0x15];
	[sflag:s3] =	ssyncadd.s32 $0xFFFFFF80  }
0x70: {  	[tilespmem:s18], [sflag:$0x2] =	stream.linear.gather [hbm4b:s0+s4], $0x80, $0x38;
	[tilespmem:$0x1AD80] =	vst v63  }
0x71: {  	_ =	swait.ge [sflag:s3], $0x80  }
0x72: {  	[sflag:s3] =	ssyncset.done $0x0  }
0x73: {  	s0 =	rddreg [dreg:$0x17];
	[sflag:s3] =	ssyncadd.s32 $0xFFFFFF80  }
0x74: {  	[tilespmem:s31], [sflag:$0x2] =	stream.linear.gather [hbm4b:s0+s4], $0x80, $0x38;
	[tilespmem:$0x1AD80] =	vst v63  }
0x75: {  	_ =	swait.ge [sflag:s3], $0x80  }
0x76: {  	[sflag:s3] =	ssyncset.done $0x0  }
0x77: {  	s0 =	rddreg [dreg:$0x19];
	[sflag:s3] =	ssyncadd.s32 $0xFFFFFF80  }
0x78: {  	[tilespmem:s9], [sflag:$0x2] =	stream.linear.gather [hbm4b:s0+s4], $0x80, $0x38;
	[tilespmem:$0x1AD80] =	vst v63  }
0x79: {  	_ =	swait.ge [sflag:s3], $0x80  }
0x7a: {  	[sflag:s3] =	ssyncset.done $0x0  }
0x7b: {  	s0 =	simm.s32 $0xA00;
	s10 =	rddreg [dreg:$0x1a];
	[sflag:s3] =	ssyncadd.s32 $0xFFFFFF80  }
0x7c: {  	[tilespmem:s0], [sflag:$0x2] =	stream.linear.gather [hbm4b:s10+s4], $0x80, $0x38;
	[tilespmem:$0x1AD80] =	vst v63  }
0x7d: {  	_ =	swait.ge [sflag:s3], $0x80  }
0x7e: {  	[sflag:s3] =	ssyncset.done $0x0  }
0x7f: {  	s10 =	rddreg [dreg:$0x1b];
	[sflag:s3] =	ssyncadd.s32 $0xFFFFFF80  }
0x80: {  	[tilespmem:s2], [sflag:$0x2] =	stream.linear.gather [hbm4b:s10+s4], $0x80, $0x38;
	[tilespmem:$0x1AD80] =	vst v63  }
0x81: {  	_ =	swait.ge [sflag:s3], $0x80  }
0x82: {  	[sflag:s3] =	ssyncset.done $0x0  }
0x83: {  	s10 =	rddreg [dreg:$0x1c];
	[sflag:s3] =	ssyncadd.s32 $0xFFFFFF80  }
0x84: {  	[tilespmem:s11], [sflag:$0x2] =	stream.linear.gather [hbm4b:s10+s4], $0x80, $0x38;
	[tilespmem:$0x1AD80] =	vst v63  }
0x85: {  	_ =	swait.ge [sflag:s3], $0x80  }
0x86: {  	[sflag:s3] =	ssyncset.done $0x0  }
0x87: {  	s10 =	rddreg [dreg:$0x1d];
	[sflag:s3] =	ssyncadd.s32 $0xFFFFFF80  }
0x88: {  	[tilespmem:s21], [sflag:$0x2] =	stream.linear.gather [hbm4b:s10+s4], $0x80, $0x38;
	[tilespmem:$0x1AD80] =	vst v63  }
0x89: {  	_ =	swait.ge [sflag:s3], $0x80  }
0x8a: {  	[sflag:s3] =	ssyncset.done $0x0  }
0x8b: {  	s10 =	rddreg [dreg:$0x1e];
	[sflag:s3] =	ssyncadd.s32 $0xFFFFFF80  }
0x8c: {  	[tilespmem:s5], [sflag:$0x2] =	stream.linear.gather [hbm4b:s10+s4], $0x80, $0x38;
	[tilespmem:$0x1AD80] =	vst v63  }
0x8d: {  	_ =	swait.ge [sflag:s3], $0x80  }
0x8e: {  	[sflag:s3] =	ssyncset.done $0x0  }
0x8f: {  	s10 =	rddreg [dreg:$0x1f];
	[sflag:s3] =	ssyncadd.s32 $0xFFFFFF80  }
0x90: {  	[tilespmem:s23], [sflag:$0x2] =	stream.linear.gather [hbm4b:s10+s4], $0x80, $0x38;
	[tilespmem:$0x1AD80] =	vst v63  }
0x91: {  	_ =	swait.ge [sflag:s3], $0x80  }
0x92: {  	[sflag:s3] =	ssyncset.done $0x0  }
0x93: {  	s10 =	rddreg [dreg:$0x4];
	[sflag:s3] =	ssyncadd.s32 $0xFFFFFF80  }
0x94: {  	[tilespmem:s19], [sflag:$0x1] =	stream.indirect.gather [hbm4b:s10+s1], $0x20, s4, s1, $0xb8;
	[tilespmem:$0x1AD80] =	vst v63  }
0x95: {  	_ = 	snop  }
0x96: {  	[tilespmem:s13], [sflag:$0x1] =	stream.indirect.gather [hbm4b:s15+s1], $0x20, s1, s1, $0xb8;
	[tilespmem:$0x1AD80] =	vst v63  }
0x97: {  	s4 =	simm.s32 $0x2D00;
	s10 =	simm.s32 $0x100  }
0x98: {  	[tilespmem:s4], [sflag:$0x1] =	stream.indirect.gather [hbm4b:s15+s1], $0x20, s10, s1, $0xb8;
	[tilespmem:$0x1AD80] =	vst v63  }
0x99: {  	s4 =	simm.s32 $0x3D00;
	s10 =	simm.s32 $0x180  }
0x9a: {  	[tilespmem:s4], [sflag:$0x1] =	stream.indirect.gather [hbm4b:s15+s1], $0x20, s10, s1, $0xb8;
	[tilespmem:$0x1AD80] =	vst v63  }
0x9b: {  	s10 =	simm.s32 $0x4D00  }
0x9c: {  	[tilespmem:s10], [sflag:$0x1] =	stream.indirect.gather [hbm4b:s15+s1], $0x20, s22, s1, $0xb8;
	[tilespmem:$0x1AD80] =	vst v63  }
0x9d: {  	s10 =	simm.s32 $0x5D00  }
0x9e: {  	[tilespmem:s10], [sflag:$0x1] =	stream.indirect.gather [hbm4b:s15+s1], $0x20, s14, s1, $0xb8;
	[tilespmem:$0x1AD80] =	vst v63  }
0x9f: {  	_ = 	snop  }
0xa0: {  	[tilespmem:s20], [sflag:$0x1] =	stream.indirect.gather [hbm4b:s15+s1], $0x20, s24, s1, $0xb8;
	[tilespmem:$0x1AD80] =	vst v63  }
0xa1: {  	s14 =	simm.s32 $0x7D00  }
0xa2: {  	[tilespmem:s14], [sflag:$0x1] =	stream.indirect.gather [hbm4b:s15+s1], $0x20, s8, s1, $0xb8;
	[tilespmem:$0x1AD80] =	vst v63  }
0xa3: {  	s22 =	simm.s32 $0x8D00  }
0xa4: {  	[tilespmem:s22], [sflag:$0x1] =	stream.indirect.gather [hbm4b:s15+s1], $0x20, s25, s1, $0xb8;
	[tilespmem:$0x1AD80] =	vst v63  }
0xa5: {  	s8 =	simm.s32 $0x9D00  }
0xa6: {  	[tilespmem:s8], [sflag:$0x1] =	stream.indirect.gather [hbm4b:s15+s1], $0x20, s16, s1, $0xb8;
	[tilespmem:$0x1AD80] =	vst v63  }
0xa7: {  	s10 =	simm.s32 $0xAD00  }
0xa8: {  	[tilespmem:s10], [sflag:$0x1] =	stream.indirect.gather [hbm4b:s15+s1], $0x20, s26, s1, $0xb8;
	[tilespmem:$0x1AD80] =	vst v63  }
0xa9: {  	s14 =	simm.s32 $0xBD00  }
0xaa: {  	[tilespmem:s14], [sflag:$0x1] =	stream.indirect.gather [hbm4b:s15+s1], $0x20, s7, s1, $0xb8;
	[tilespmem:$0x1AD80] =	vst v63  }
0xab: {  	s22 =	simm.s32 $0xCD00  }
0xac: {  	[tilespmem:s22], [sflag:$0x1] =	stream.indirect.gather [hbm4b:s15+s1], $0x20, s28, s1, $0xb8;
	[tilespmem:$0x1AD80] =	vst v63  }
0xad: {  	s8 =	simm.s32 $0xDD00  }
0xae: {  	[tilespmem:s8], [sflag:$0x1] =	stream.indirect.gather [hbm4b:s15+s1], $0x20, s17, s1, $0xb8;
	[tilespmem:$0x1AD80] =	vst v63  }
0xaf: {  	s10 =	simm.s32 $0xED00  }
0xb0: {  	[tilespmem:s10], [sflag:$0x1] =	stream.indirect.gather [hbm4b:s15+s1], $0x20, s29, s1, $0xb8;
	[tilespmem:$0x1AD80] =	vst v63  }
0xb1: {  	s14 =	simm.s32 $0xFD00  }
0xb2: {  	[tilespmem:s14], [sflag:$0x1] =	stream.indirect.gather [hbm4b:s15+s1], $0x20, s12, s1, $0xb8;
	[tilespmem:$0x1AD80] =	vst v63  }
0xb3: {  	s22 =	simm.s32 $0x10D00  }
0xb4: {  	[tilespmem:s22], [sflag:$0x1] =	stream.indirect.gather [hbm4b:s15+s1], $0x20, s30, s1, $0xb8;
	[tilespmem:$0x1AD80] =	vst v63  }
0xb5: {  	s8 =	simm.s32 $0x11D00  }
0xb6: {  	[tilespmem:s8], [sflag:$0x1] =	stream.indirect.gather [hbm4b:s15+s1], $0x20, s18, s1, $0xb8;
	[tilespmem:$0x1AD80] =	vst v63  }
0xb7: {  	s10 =	simm.s32 $0x12D00  }
0xb8: {  	[tilespmem:s10], [sflag:$0x1] =	stream.indirect.gather [hbm4b:s15+s1], $0x20, s31, s1, $0xb8;
	[tilespmem:$0x1AD80] =	vst v63  }
0xb9: {  	s14 =	simm.s32 $0x13D00  }
0xba: {  	[tilespmem:s14], [sflag:$0x1] =	stream.indirect.gather [hbm4b:s15+s1], $0x20, s9, s1, $0xb8;
	[tilespmem:$0x1AD80] =	vst v63  }
0xbb: {  	s22 =	simm.s32 $0x14D00  }
0xbc: {  	[tilespmem:s22], [sflag:$0x1] =	stream.indirect.gather [hbm4b:s15+s1], $0x20, s0, s1, $0xb8;
	[tilespmem:$0x1AD80] =	vst v63  }
0xbd: {  	s4 =	simm.s32 $0x15D00  }
0xbe: {  	[tilespmem:s4], [sflag:$0x1] =	stream.indirect.gather [hbm4b:s15+s1], $0x20, s2, s1, $0xb8;
	[tilespmem:$0x1AD80] =	vst v63  }
0xbf: {  	s8 =	simm.s32 $0x16D00  }
0xc0: {  	[tilespmem:s8], [sflag:$0x1] =	stream.indirect.gather [hbm4b:s15+s1], $0x20, s11, s1, $0xb8;
	[tilespmem:$0x1AD80] =	vst v63  }
0xc1: {  	s10 =	simm.s32 $0x17D00  }
0xc2: {  	[tilespmem:s10], [sflag:$0x1] =	stream.indirect.gather [hbm4b:s15+s1], $0x20, s21, s1, $0xb8;
	[tilespmem:$0x1AD80] =	vst v63  }
0xc3: {  	s14 =	simm.s32 $0x18D00  }
0xc4: {  	[tilespmem:s14], [sflag:$0x1] =	stream.indirect.gather [hbm4b:s15+s1], $0x20, s5, s1, $0xb8;
	[tilespmem:$0x1AD80] =	vst v63  }
0xc5: {  	s22 =	simm.s32 $0x19D00  }
0xc6: {  	[tilespmem:s22], [sflag:$0x1] =	stream.indirect.gather [hbm4b:s15+s1], $0x20, s23, s1, $0xb8;
	[tilespmem:$0x1AD80] =	vst v63  }
0xc7: {  	_ =	swait.ge [sflag:s6], $0x1000  }
0xc8: {  	[sflag:s6] =	ssyncset.done $0x0  }
0xc9: {  	[sflag:s6] =	ssyncadd.s32 $0xFFFFF000  }
0xca: {  	_ =	swait.ge [sflag:s6], $0x1000  }
0xcb: {  	[sflag:s6] =	ssyncset.done $0x0  }
0xcc: {  	[sflag:s6] =	ssyncadd.s32 $0xFFFFF000  }
0xcd: {  	_ =	swait.ge [sflag:s6], $0x1000  }
0xce: {  	[sflag:s6] =	ssyncset.done $0x0  }
0xcf: {  	[sflag:s6] =	ssyncadd.s32 $0xFFFFF000  }
0xd0: {  	_ =	swait.ge [sflag:s6], $0x1000  }
0xd1: {  	[sflag:s6] =	ssyncset.done $0x0  }
0xd2: {  	[sflag:s6] =	ssyncadd.s32 $0xFFFFF000  }
0xd3: {  	_ =	swait.ge [sflag:s6], $0x1000  }
0xd4: {  	[sflag:s6] =	ssyncset.done $0x0  }
0xd5: {  	[sflag:s6] =	ssyncadd.s32 $0xFFFFF000  }
0xd6: {  	_ =	swait.ge [sflag:s6], $0x1000  }
0xd7: {  	[sflag:s6] =	ssyncset.done $0x0  }
0xd8: {  	[sflag:s6] =	ssyncadd.s32 $0xFFFFF000  }
0xd9: {  	_ =	swait.ge [sflag:s6], $0x1000  }
0xda: {  	[sflag:s6] =	ssyncset.done $0x0  }
0xdb: {  	[sflag:s6] =	ssyncadd.s32 $0xFFFFF000  }
0xdc: {  	_ =	swait.ge [sflag:s6], $0x1000  }
0xdd: {  	[sflag:s6] =	ssyncset.done $0x0  }
0xde: {  	[sflag:s6] =	ssyncadd.s32 $0xFFFFF000  }
0xdf: {  	_ =	swait.ge [sflag:s6], $0x1000  }
0xe0: {  	[sflag:s6] =	ssyncset.done $0x0  }
0xe1: {  	[sflag:s6] =	ssyncadd.s32 $0xFFFFF000  }
0xe2: {  	_ =	swait.ge [sflag:s6], $0x1000  }
0xe3: {  	[sflag:s6] =	ssyncset.done $0x0  }
0xe4: {  	[sflag:s6] =	ssyncadd.s32 $0xFFFFF000  }
0xe5: {  	_ =	swait.ge [sflag:s6], $0x1000  }
0xe6: {  	[sflag:s6] =	ssyncset.done $0x0  }
0xe7: {  	[sflag:s6] =	ssyncadd.s32 $0xFFFFF000  }
0xe8: {  	_ =	swait.ge [sflag:s6], $0x1000  }
0xe9: {  	[sflag:s6] =	ssyncset.done $0x0  }
0xea: {  	[sflag:s6] =	ssyncadd.s32 $0xFFFFF000  }
0xeb: {  	_ =	swait.ge [sflag:s6], $0x1000  }
0xec: {  	[sflag:s6] =	ssyncset.done $0x0  }
0xed: {  	[sflag:s6] =	ssyncadd.s32 $0xFFFFF000  }
0xee: {  	_ =	swait.ge [sflag:s6], $0x1000  }
0xef: {  	[sflag:s6] =	ssyncset.done $0x0  }
0xf0: {  	[sflag:s6] =	ssyncadd.s32 $0xFFFFF000  }
0xf1: {  	_ =	swait.ge [sflag:s6], $0x1000  }
0xf2: {  	[sflag:s6] =	ssyncset.done $0x0  }
0xf3: {  	[sflag:s6] =	ssyncadd.s32 $0xFFFFF000  }
0xf4: {  	_ =	swait.ge [sflag:s6], $0x1000  }
0xf5: {  	[sflag:s6] =	ssyncset.done $0x0  }
0xf6: {  	[sflag:s6] =	ssyncadd.s32 $0xFFFFF000  }
0xf7: {  	_ =	swait.ge [sflag:s6], $0x1000  }
0xf8: {  	[sflag:s6] =	ssyncset.done $0x0  }
0xf9: {  	[sflag:s6] =	ssyncadd.s32 $0xFFFFF000  }
0xfa: {  	_ =	swait.ge [sflag:s6], $0x1000  }
0xfb: {  	[sflag:s6] =	ssyncset.done $0x0  }
0xfc: {  	[sflag:s6] =	ssyncadd.s32 $0xFFFFF000  }
0xfd: {  	_ =	swait.ge [sflag:s6], $0x1000  }
0xfe: {  	[sflag:s6] =	ssyncset.done $0x0  }
0xff: {  	[sflag:s6] =	ssyncadd.s32 $0xFFFFF000  }
0x100: {  	_ =	swait.ge [sflag:s6], $0x1000  }
0x101: {  	[sflag:s6] =	ssyncset.done $0x0  }
0x102: {  	[sflag:s6] =	ssyncadd.s32 $0xFFFFF000  }
0x103: {  	_ =	swait.ge [sflag:s6], $0x1000  }
0x104: {  	[sflag:s6] =	ssyncset.done $0x0  }
0x105: {  	[sflag:s6] =	ssyncadd.s32 $0xFFFFF000  }
0x106: {  	_ =	swait.ge [sflag:s6], $0x1000  }
0x107: {  	[sflag:s6] =	ssyncset.done $0x0  }
0x108: {  	[sflag:s6] =	ssyncadd.s32 $0xFFFFF000  }
0x109: {  	_ =	swait.ge [sflag:s6], $0x1000  }
0x10a: {  	[sflag:s6] =	ssyncset.done $0x0  }
0x10b: {  	[sflag:s6] =	ssyncadd.s32 $0xFFFFF000  }
0x10c: {  	_ =	swait.ge [sflag:s6], $0x1000  }
0x10d: {  	[sflag:s6] =	ssyncset.done $0x0  }
0x10e: {  	[sflag:s6] =	ssyncadd.s32 $0xFFFFF000  }
0x10f: {  	_ =	swait.ge [sflag:s6], $0x1000  }
0x110: {  	[sflag:s6] =	ssyncset.done $0x0  }
0x111: {  	[sflag:s6] =	ssyncadd.s32 $0xFFFFF000  }
0x112: {  	_ =	swait.ge [sflag:s6], $0x1000  }
0x113: {  	[sflag:s6] =	ssyncset.done $0x0  }
0x114: {  	s14 =	simm.s32 $0x0;
	[sflag:s6] =	ssyncadd.s32 $0xFFFFF000  }
.LBB2_2:
0x115: {  	s22 =	sshll.u32 s14, $0x4;
	v0 =	vlaneseq.u32  }
0x116: {  	v33 =	vor.u32 s22, v0  }
0x117: {  	v0 =	vshll.u32 v33, $0x5  }
0x118: {  	v1 =	vor.u32 $0x1, v0  }
0x119: {  	v2 =	vor.u32 $0x2, v0  }
0x11a: {  	s10 =	simm.s32 $0x0;
	v3 =	vor.u32 $0x3, v0  }
0x11b: {  	v6 =	vor.u32 s10, v33;
	v4 =	vor.u32 $0x4, v0  }
0x11c: {  	v5 =	vor.u32 $0x5, v0;
	v35 =	vshll.u32 v6, $0x5;
	v31 =	vld.idx.msk [tilespmem:v0+s19+$0x0], $0xffff  }
0x11d: {  	v39 =	vor.u32 $0x2, v35;
	v32 =	vld.idx.msk [tilespmem:v1+s19+$0x0], $0xffff  }
0x11e: {  	v1 =	vor.u32 $0x6, v0;
	v30 =	vld.idx.msk [tilespmem:v2+s19+$0x0], $0xffff  }
0x11f: {  	v2 =	vor.u32 $0x7, v0;
	v29 =	vld.idx.msk [tilespmem:v3+s19+$0x0], $0xffff  }
0x120: {  	v3 =	vor.u32 $0x8, v0;
	v28 =	vld.idx.msk [tilespmem:v4+s19+$0x0], $0xffff  }
0x121: {  	v4 =	vor.u32 $0x9, v0;
	v27 =	vld.idx.msk [tilespmem:v5+s19+$0x0], $0xffff  }
0x122: {  	v5 =	vor.u32 $0xA, v0;
	v6 =	vld.idx.msk [tilespmem:v39+s13+$0x0], $0xffff  }
0x123: {  	v40 =	vor.u32 $0x1, v35;
	v26 =	vld.idx.msk [tilespmem:v1+s19+$0x0], $0xffff  }
0x124: {  	v1 =	vor.u32 $0xB, v0;
	v25 =	vld.idx.msk [tilespmem:v2+s19+$0x0], $0xffff  }
0x125: {  	v2 =	vor.u32 $0xC, v0;
	v24 =	vld.idx.msk [tilespmem:v3+s19+$0x0], $0xffff  }
0x126: {  	v3 =	vor.u32 $0xD, v0;
	v23 =	vld.idx.msk [tilespmem:v4+s19+$0x0], $0xffff  }
0x127: {  	v22 =	vld.idx.msk [tilespmem:v5+s19+$0x0], $0xffff  }
0x128: {  	v38 =	vor.u32 $0x3, v35;
	v5 =	vld.idx.msk [tilespmem:v40+s13+$0x0], $0xffff  }
0x129: {  	v21 =	vld.idx.msk [tilespmem:v1+s19+$0x0], $0xffff;
	v1 =	vor.u32 $0xE, v0  }
0x12a: {  	v37 =	vor.u32 $0x4, v35;
	v20 =	vld.idx.msk [tilespmem:v2+s19+$0x0], $0xffff  }
0x12b: {  	v19 =	vld.idx.msk [tilespmem:v3+s19+$0x0], $0xffff;
	v2 =	vor.u32 $0xF, v0  }
0x12c: {  	v4 =	vor.u32 $0x10, v0;
	v3 =	vld.idx.msk [tilespmem:v35+s13+$0x0], $0xffff  }
0x12d: {  	v36 =	vor.u32 $0x5, v35;
	v7 =	vld.idx.msk [tilespmem:v38+s13+$0x0], $0xffff  }
0x12e: {  	v18 =	vld.idx.msk [tilespmem:v1+s19+$0x0], $0xffff;
	v1 =	vor.u32 $0x11, v0  }
0x12f: {  	v10 =	vor.u32 $0x6, v35;
	v8 =	vld.idx.msk [tilespmem:v37+s13+$0x0], $0xffff  }
0x130: {  	v16 =	vld.idx.msk [tilespmem:v2+s19+$0x0], $0xffff;
	v2 =	vor.u32 $0x12, v0  }
0x131: {  	v34 =	vor.u32 $0xB, v35;
	v14 =	vld.idx.msk [tilespmem:v4+s19+$0x0], $0xffff;
	v4 =	vmul.f32 v5, v32;
	v3 =	vmul.f32 v3, v31  }
0x132: {  	v9 =	vld.idx.msk [tilespmem:v36+s13+$0x0], $0xffff;
	v5 =	vor.u32 $0x13, v0  }
0x133: {  	v3 =	vadd.f32 v4, v3;
	v4 =	vmul.f32 v6, v30;
	v13 =	vld.idx.msk [tilespmem:v1+s19+$0x0], $0xffff;
	v1 =	vor.u32 $0x7, v35  }
0x134: {  	[tilespmem:$0x1FE50] =	vst v10;
	v10 =	vld.idx.msk [tilespmem:v10+s13+$0x0], $0xffff;
	v6 =	vor.u32 $0x14, v0  }
0x135: {  	v3 =	vadd.f32 v4, v3;
	v4 =	vmul.f32 v7, v29;
	v12 =	vld.idx.msk [tilespmem:v2+s19+$0x0], $0xffff;
	v2 =	vor.u32 $0x8, v35  }
0x136: {  	[tilespmem:$0x1FE60] =	vst v34;
	v34 =	vld.idx.msk [tilespmem:v34+s13+$0x0], $0xffff;
	v7 =	vor.u32 $0x15, v0  }
0x137: {  	v11 =	vld.idx.msk [tilespmem:v5+s19+$0x0], $0xffff;
	v5 =	vor.u32 $0x9, v35;
	v3 =	vadd.f32 v4, v3;
	v4 =	vmul.f32 v8, v28  }
0x138: {  	v41 =	vor.u32 $0xC, v35;
	v1 =	vld.idx.msk [tilespmem:v1+s13+$0x0], $0xffff  }
0x139: {  	v9 =	vmul.f32 v9, v27;
	v8 =	vld.idx.msk [tilespmem:v6+s19+$0x0], $0xffff;
	v6 =	vor.u32 $0xA, v35;
	v3 =	vadd.f32 v4, v3  }
0x13a: {  	v15 =	vor.u32 $0x16, v0;
	v2 =	vld.idx.msk [tilespmem:v2+s13+$0x0], $0xffff  }
0x13b: {  	v17 =	vor.u32 $0x17, v0;
	v4 =	vld.idx.msk [tilespmem:v7+s19+$0x0], $0xffff;
	v7 =	vmul.f32 v10, v26;
	v3 =	vadd.f32 v9, v3  }
0x13c: {  	v10 =	vld.idx.msk [tilespmem:v5+s13+$0x0], $0xffff;
	v9 =	vor.u32 $0x18, v0  }
0x13d: {  	v42 =	vor.u32 $0xD, v35;
	[tilespmem:$0x1FE70] =	vst v41;
	v41 =	vld.idx.msk [tilespmem:v41+s13+$0x0], $0xffff;
	v3 =	vadd.f32 v7, v3;
	v7 =	vmul.f32 v1, v25  }
0x13e: {  	v43 =	vor.u32 $0xE, v35;
	v6 =	vld.idx.msk [tilespmem:v6+s13+$0x0], $0xffff  }
0x13f: {  	v5 =	vld.idx.msk [tilespmem:v15+s19+$0x0], $0xffff;
	v15 =	vor.u32 $0x19, v0;
	v3 =	vadd.f32 v7, v3;
	v7 =	vmul.f32 v2, v24  }
0x140: {  	v1 =	vld.idx.msk [tilespmem:v17+s19+$0x0], $0xffff;
	v17 =	vor.u32 $0x1A, v0  }
0x141: {  	v44 =	vor.u32 $0xF, v35;
	v2 =	vld.idx.msk [tilespmem:v9+s19+$0x0], $0xffff;
	v9 =	vmul.f32 v10, v23;
	v7 =	vadd.f32 v7, v3  }
0x142: {  	[tilespmem:$0x1FE80] =	vst v42;
	v42 =	vld.idx.msk [tilespmem:v42+s13+$0x0], $0xffff;
	v10 =	vor.u32 $0x1B, v0  }
0x143: {  	v45 =	vor.u32 $0x10, v35;
	[tilespmem:$0x1FE90] =	vst v43;
	v43 =	vld.idx.msk [tilespmem:v43+s13+$0x0], $0xffff;
	v7 =	vadd.f32 v9, v7;
	v9 =	vmul.f32 v6, v22  }
0x144: {  	v3 =	vld.idx.msk [tilespmem:v15+s19+$0x0], $0xffff;
	v15 =	vor.u32 $0x1C, v0  }
0x145: {  	s4 =	simm.s32 $0x80;
	v46 =	vor.u32 $0x11, v35;
	v6 =	vld.idx.msk [tilespmem:v17+s19+$0x0], $0xffff;
	v17 =	vmul.f32 v34, v21;
	v9 =	vadd.f32 v9, v7  }
0x146: {  	v57 =	vor.u32 s4, v33;
	v47 =	vor.u32 $0x12, v35;
	[tilespmem:$0x1FEA0] =	vst v44;
	v44 =	vld.idx.msk [tilespmem:v44+s13+$0x0], $0xffff  }
0x147: {  	v56 =	vor.u32 $0x14, v35;
	v7 =	vld.idx.msk [tilespmem:v10+s19+$0x0], $0xffff;
	v10 =	vadd.f32 v17, v9;
	v17 =	vmul.f32 v41, v20  }
0x148: {  	v53 =	vld.idx.msk [tilespmem:v45+s13+$0x0], $0xffff;
	v54 =	vmul.f32 v43, v18;
	v43 =	vshll.u32 v57, $0x5  }
0x149: {  	v51 =	vor.u32 $0x1D, v0;
	v9 =	vld.idx.msk [tilespmem:v15+s19+$0x0], $0xffff;
	v15 =	vadd.f32 v17, v10;
	v17 =	vmul.f32 v42, v19  }
0x14a: {  	v52 =	vor.u32 $0x1E, v0;
	v55 =	vld.idx.msk [tilespmem:v46+s13+$0x0], $0xffff;
	v0 =	vor.u32 $0x1F, v0  }
0x14b: {  	v48 =	vor.u32 $0x13, v35;
	v59 =	vld.idx.msk [tilespmem:v47+s13+$0x0], $0xffff;
	v17 =	vadd.f32 v17, v15  }
0x14c: {  	v62 =	vld.idx.msk [tilespmem:v56+s13+$0x0], $0xffff;
	v57 =	vor.u32 $0x16, v35  }
0x14d: {  	[tilespmem:$0x1FEB0] =	vst v45;
	v58 =	vmul.f32 v44, v16;
	v63 =	vor.u32 $0x1, v43;
	v45 =	vld.idx.msk [tilespmem:v43+s13+$0x0], $0xffff;
	v34 =	vadd.f32 v54, v17  }
0x14e: {  	v10 =	vld.idx.msk [tilespmem:v51+s19+$0x0], $0xffff;
	v51 =	vor.u32 $0x3, v43  }
0x14f: {  	v49 =	vor.u32 $0x15, v35;
	v53 =	vmul.f32 v53, v14;
	v17 =	vld.idx.msk [tilespmem:v0+s19+$0x0], $0xffff;
	v0 =	vadd.f32 v58, v34  }
0x150: {  	[tilespmem:$0x1FED0] =	vst v47;
	v50 =	vor.u32 $0x2, v43;
	v54 =	vld.idx.msk [tilespmem:v48+s13+$0x0], $0xffff  }
0x151: {  	[tilespmem:$0x1FEE0] =	vst v48;
	v61 =	vmul.f32 v55, v13;
	v47 =	vld.idx.msk [tilespmem:v57+s13+$0x0], $0xffff;
	v0 =	vadd.f32 v53, v0  }
0x152: {  	[tilespmem:$0x1FEF0] =	vst v56;
	v56 =	vld.idx.msk [tilespmem:v63+s13+$0x0], $0xffff  }
0x153: {  	[tilespmem:$0x1FF20] =	vst v57;
	v55 =	vmul.f32 v59, v12;
	v48 =	vor.u32 $0x17, v35;
	v57 =	vld.idx.msk [tilespmem:v51+s13+$0x0], $0xffff;
	v0 =	vadd.f32 v61, v0  }
0x154: {  	[tilespmem:$0x1FF30] =	vst v51;
	v51 =	vor.u32 $0x1A, v35;
	v58 =	vld.idx.msk [tilespmem:v49+s13+$0x0], $0xffff  }
0x155: {  	v60 =	vld.idx.msk [tilespmem:v50+s13+$0x0], $0xffff;
	v53 =	vor.u32 $0x18, v35;
	v59 =	vmul.f32 v54, v11;
	v0 =	vadd.f32 v55, v0  }
0x156: {  	[tilespmem:$0x1FF00] =	vst v49;
	v49 =	vor.u32 $0x4, v43  }
0x157: {  	v62 =	vmul.f32 v62, v8;
	v15 =	vld.idx.msk [tilespmem:v52+s19+$0x0], $0xffff;
	v52 =	vor.u32 $0x19, v35;
	v0 =	vadd.f32 v59, v0  }
0x158: {  	v45 =	vmul.f32 v45, v31;
	v44 =	vmul.f32 v56, v32;
	[tilespmem:$0x1FF40] =	vst v48;
	v48 =	vld.idx.msk [tilespmem:v48+s13+$0x0], $0xffff;
	v61 =	vor.u32 $0x5, v43  }
0x159: {  	[tilespmem:$0x1FEC0] =	vst v46;
	v54 =	vor.u32 $0x6, v43;
	v46 =	vld.idx.msk [tilespmem:v51+s13+$0x0], $0xffff;
	v58 =	vmul.f32 v58, v4;
	v0 =	vadd.f32 v62, v0  }
0x15a: {  	[tilespmem:$0x1FF10] =	vst v50;
	v56 =	vor.u32 $0x7, v43;
	v44 =	vadd.f32 v44, v45;
	v41 =	vmul.f32 v60, v30;
	v45 =	vld.idx.msk [tilespmem:v53+s13+$0x0], $0xffff  }
0x15b: {  	v60 =	vmul.f32 v47, v5;
	[tilespmem:$0x1FF60] =	vst v53;
	v53 =	vor.u32 $0x1B, v35;
	v59 =	vld.idx.msk [tilespmem:v49+s13+$0x0], $0xffff;
	v0 =	vadd.f32 v58, v0  }
0x15c: {  	v50 =	vor.u32 $0x8, v43;
	[tilespmem:$0x1FF80] =	vst v52;
	v42 =	vmul.f32 v57, v29;
	v62 =	vld.idx.msk [tilespmem:v52+s13+$0x0], $0xffff  }
0x15d: {  	[tilespmem:$0x1FF70] =	vst v61;
	v57 =	vmul.f32 v48, v1;
	v61 =	vld.idx.msk [tilespmem:v61+s13+$0x0], $0xffff;
	v52 =	vor.u32 $0x1C, v35;
	v0 =	vadd.f32 v60, v0  }
0x15e: {  	v41 =	vadd.f32 v41, v44;
	[tilespmem:$0x1FFA0] =	vst v51;
	v51 =	vor.u32 $0x9, v43;
	v58 =	vld.idx.msk [tilespmem:v54+s13+$0x0], $0xffff  }
0x15f: {  	[tilespmem:$0x1FF90] =	vst v54;
	v54 =	vor.u32 $0x1D, v35;
	v60 =	vmul.f32 v45, v2;
	v45 =	vld.idx.msk [tilespmem:v56+s13+$0x0], $0xffff;
	v0 =	vadd.f32 v57, v0  }
0x160: {  	[tilespmem:$0x1FF50] =	vst v49;
	v41 =	vadd.f32 v42, v41;
	v49 =	vor.u32 $0xA, v43;
	v47 =	vld.idx.msk [tilespmem:v53+s13+$0x0], $0xffff;
	v59 =	vmul.f32 v59, v28  }
0x161: {  	v56 =	vld.idx.msk [tilespmem:v50+s13+$0x0], $0xffff;
	v62 =	vmul.f32 v62, v3;
	v57 =	vor.u32 $0x1E, v35;
	v0 =	vadd.f32 v60, v0  }
0x162: {  	v61 =	vmul.f32 v61, v27;
	v50 =	vor.u32 $0xB, v43;
	v41 =	vadd.f32 v59, v41;
	v59 =	vld.idx.msk [tilespmem:v52+s13+$0x0], $0xffff  }
0x163: {  	[tilespmem:$0x1FFC0] =	vst v52;
	v52 =	vor.u32 $0x1F, v35;
	v60 =	vmul.f32 v46, v6;
	v0 =	vadd.f32 v62, v0  }
0x164: {  	v41 =	vadd.f32 v61, v41;
	v58 =	vmul.f32 v58, v26;
	v62 =	vmul.f32 v45, v25;
	v45 =	vld.idx.msk [tilespmem:v54+s13+$0x0], $0xffff  }
0x165: {  	[tilespmem:$0x1FFD0] =	vst v54;
	v61 =	vld.idx.msk [tilespmem:v51+s13+$0x0], $0xffff;
	v54 =	vmul.f32 v47, v7;
	v0 =	vadd.f32 v60, v0  }
0x166: {  	[tilespmem:$0x1FFE0] =	vst v57;
	v41 =	vadd.f32 v58, v41;
	v57 =	vld.idx.msk [tilespmem:v57+s13+$0x0], $0xffff  }
0x167: {  	v59 =	vmul.f32 v59, v9;
	v60 =	vld.idx.msk [tilespmem:v50+s13+$0x0], $0xffff;
	v0 =	vadd.f32 v54, v0  }
0x168: {  	v51 =	vor.u32 $0xC, v43;
	v56 =	vmul.f32 v56, v24;
	v41 =	vadd.f32 v62, v41;
	v62 =	vld.idx.msk [tilespmem:v52+s13+$0x0], $0xffff  }
0x169: {  	[tilespmem:$0x1FFB0] =	vst v53;
	v55 =	vld.idx.msk [tilespmem:v49+s13+$0x0], $0xffff;
	v58 =	vor.u32 $0xD, v43;
	v53 =	vmul.f32 v45, v10;
	v0 =	vadd.f32 v59, v0;
	_ =	sdelay $0x1  }
0x16a: {  	v41 =	vadd.f32 v56, v41;
	v56 =	vmul.f32 v57, v15;
	v0 =	vadd.f32 v53, v0  }
0x16b: {  	[tilespmem:$0x1FFF0] =	vst v52;
	v61 =	vmul.f32 v61, v23;
	v52 =	vor.u32 $0xE, v43  }
0x16c: {  	v54 =	vld.idx.msk [tilespmem:v51+s13+$0x0], $0xffff;
	v59 =	vmul.f32 v60, v21;
	v60 =	vmul.f32 v62, v17;
	v0 =	vadd.f32 v56, v0  }
0x16d: {  	v55 =	vmul.f32 v55, v22;
	v41 =	vadd.f32 v61, v41;
	v57 =	vld.idx.msk [tilespmem:v58+s13+$0x0], $0xffff;
	v58 =	vor.u32 $0xF, v43  }
0x16e: {  	v0 =	vadd.f32 v60, v0  }
0x16f: {  	v41 =	vadd.f32 v55, v41  }
0x170: {  	v61 =	vld.idx.msk [tilespmem:v52+s13+$0x0], $0xffff;
	v62 =	vor.u32 $0x10, v43;
	v42 =	vsub.f32 $0.0e+00, v0  }
0x171: {  	v52 =	vmul.f32 v54, v20;
	v41 =	vadd.f32 v59, v41  }
0x172: {  	v56 =	vor.u32 $0x11, v43;
	v54 =	vld.idx.msk [tilespmem:v58+s13+$0x0], $0xffff;
	v58 =	vand.u32 $0x7FFFFFFF, v42  }
0x173: {  	v55 =	vmul.f32 v57, v19;
	v53 =	vadd.f32 v52, v41;
	v45 =	vsub.f32 $0.0e+00, v58  }
0x174: {  	v59 =	vor.u32 $0x12, v43  }
0x175: {  	v57 =	vmul.f32 v61, v18;
	v34 =	vadd.f32 v55, v53;
	v0 =	vld.idx.msk [tilespmem:v62+s13+$0x0], $0xffff;
	v62 =	vmul.f32 $1.442695020e+00, v45  }
0x176: {  	v60 =	vor.u32 $0x13, v43  }
0x177: {  	v34 =	vadd.f32 v57, v34;
	v41 =	vmul.f32 v54, v16;
	(erf) = vpow2.f32 v62  }
0x178: {  	v61 =	vor.u32 $0x14, v43;
	v44 =	vld.idx.msk [tilespmem:v56+s13+$0x0], $0xffff  }
0x179: {  	v34 =	vadd.f32 v41, v34  }
0x17a: {  	v49 =	vor.u32 $0x15, v43;
	v47 =	vld.idx.msk [tilespmem:v59+s13+$0x0], $0xffff;
	v0 =	vmul.f32 v0, v14  }
0x17b: {  	s8 =	simm.s32 $0x100  }
0x17c: {  	v48 =	vor.u32 $0x16, v43;
	v46 =	vld.idx.msk [tilespmem:v60+s13+$0x0], $0xffff;
	v50 =	vadd.f32 v0, v34;
	v0 =	vor.u32 s8, v33  }
0x17d: {  	s10 =	simm.s32 $0x180;
	v41 =	vimm.f32 $0.0e+00;
	v45 =	vld.idx.msk [tilespmem:v61+s13+$0x0], $0xffff;
	v51 =	vmul.f32 v44, v13;
	v44 =	vshll.u32 v0, $0x5;
	v34 =	vmovc v43  }
.LBB2_3:
0x17e: {  	p0 =	sne.s32 s10, $0x200;
	v52 =	vor.u32 $0x17, v34  }
0x17f: {  	v53 =	vor.u32 $0x1, v44;
	v47 =	vmul.f32 v47, v12;
	v50 =	vadd.f32 v51, v50;
	v49 =	vld.idx.msk [tilespmem:v49+s13+$0x0], $0xffff  }
0x180: {  	v54 =	vor.u32 $0x18, v34;
	v51 =	vor.u32 $0x2, v44;
	v55 =	vpop (erf)  }
0x181: {  	v46 =	vmul.f32 v46, v11;
	v47 =	vadd.f32 v47, v50;
	v48 =	vld.idx.msk [tilespmem:v48+s13+$0x0], $0xffff;
	v50 =	vadd.f32 $2.000000000e+00, v55  }
0x182: {  	v57 =	vor.u32 $0x3, v44;
	v58 =	vor.u32 $0x19, v34;
	v56 =	vld.idx.msk [tilespmem:v44+s13+$0x0], $0xffff  }
0x183: {  	v45 =	vmul.f32 v45, v8;
	v46 =	vadd.f32 v46, v47;
	v47 =	vld.idx.msk [tilespmem:v52+s13+$0x0], $0xffff;
	(erf) = vrcp.f32 v50  }
0x184: {  	v52 =	vor.u32 $0x1A, v34;
	v50 =	vld.idx.msk [tilespmem:v53+s13+$0x0], $0xffff  }
0x185: {  	v53 =	vor.u32 $0x4, v44;
	v45 =	vadd.f32 v45, v46;
	v46 =	vmul.f32 v49, v4;
	v49 =	vld.idx.msk [tilespmem:v54+s13+$0x0], $0xffff  }
0x186: {  	v54 =	vor.u32 $0x1B, v34;
	v51 =	vld.idx.msk [tilespmem:v51+s13+$0x0], $0xffff  }
0x187: {  	v59 =	vor.u32 $0x5, v44;
	v45 =	vadd.f32 v46, v45;
	v46 =	vmul.f32 v48, v5;
	v48 =	vld.idx.msk [tilespmem:v58+s13+$0x0], $0xffff  }
0x188: {  	v60 =	vor.u32 $0x1E, v34;
	v61 =	vor.u32 $0x1F, v34;
	v58 =	vor.u32 $0x1C, v34;
	v57 =	vld.idx.msk [tilespmem:v57+s13+$0x0], $0xffff  }
0x189: {  	v62 =	vor.u32 $0x6, v44;
	v45 =	vadd.f32 v46, v45;
	v46 =	vmul.f32 v47, v1;
	v47 =	vld.idx.msk [tilespmem:v52+s13+$0x0], $0xffff  }
0x18a: {  	v52 =	vmul.f32 v56, v31;
	v50 =	vmul.f32 v50, v32;
	v56 =	vor.u32 $0x1D, v34;
	v34 =	vmovc v44;
	v53 =	vld.idx.msk [tilespmem:v53+s13+$0x0], $0xffff  }
0x18b: {  	v44 =	vor.u32 $0x7, v34;
	v45 =	vadd.f32 v46, v45;
	v46 =	vmul.f32 v49, v2;
	v49 =	vld.idx.msk [tilespmem:v54+s13+$0x0], $0xffff  }
0x18c: {  	v50 =	vadd.f32 v50, v52;
	v51 =	vmul.f32 v51, v30;
	v54 =	vor.u32 $0x8, v34;
	v52 =	vld.idx.msk [tilespmem:v59+s13+$0x0], $0xffff;
	v59 =	vpop (erf)  }
0x18d: {  	v45 =	vadd.f32 v46, v45;
	v46 =	vmul.f32 v48, v3;
	v48 =	vld.idx.msk [tilespmem:v58+s13+$0x0], $0xffff;
	v55 =	vmul.f32 v59, v55  }
0x18e: {  	v50 =	vadd.f32 v51, v50;
	v51 =	vmul.f32 v57, v29;
	v58 =	vor.u32 $0x9, v34;
	v57 =	vld.idx.msk [tilespmem:v62+s13+$0x0], $0xffff  }
0x18f: {  	v45 =	vadd.f32 v46, v45;
	v46 =	vmul.f32 v47, v6;
	v47 =	vld.idx.msk [tilespmem:v56+s13+$0x0], $0xffff;
	v56 =	vmul.f32 v55, v55  }
0x190: {  	v50 =	vadd.f32 v51, v50;
	v51 =	vmul.f32 v53, v28;
	v53 =	vor.u32 $0xA, v34;
	v44 =	vld.idx.msk [tilespmem:v44+s13+$0x0], $0xffff  }
0x191: {  	v45 =	vadd.f32 v46, v45;
	v46 =	vmul.f32 v49, v7;
	v49 =	vld.idx.msk [tilespmem:v60+s13+$0x0], $0xffff;
	v59 =	vmul.f32 $9.090909360e-02, v56  }
0x192: {  	v50 =	vadd.f32 v51, v50;
	v51 =	vmul.f32 v52, v27;
	v52 =	vld.idx.msk [tilespmem:v54+s13+$0x0], $0xffff;
	v54 =	vor.u32 $0xB, v34  }
0x193: {  	v45 =	vadd.f32 v46, v45;
	v46 =	vmul.f32 v48, v9;
	v48 =	vld.idx.msk [tilespmem:v61+s13+$0x0], $0xffff;
	v59 =	vadd.f32 $1.111111120e-01, v59  }
0x194: {  	v50 =	vadd.f32 v51, v50;
	v51 =	vmul.f32 v57, v26;
	v57 =	vld.idx.msk [tilespmem:v58+s13+$0x0], $0xffff;
	v58 =	vor.u32 $0xC, v34  }
0x195: {  	v45 =	vadd.f32 v46, v45;
	v46 =	vmul.f32 v47, v10;
	v47 =	vmul.f32 v59, v56  }
0x196: {  	v50 =	vadd.f32 v51, v50;
	v44 =	vmul.f32 v44, v25;
	v51 =	vld.idx.msk [tilespmem:v53+s13+$0x0], $0xffff;
	v53 =	vor.u32 $0xD, v34  }
0x197: {  	v45 =	vadd.f32 v46, v45;
	v46 =	vmul.f32 v49, v15;
	v47 =	vadd.f32 $1.428571490e-01, v47  }
0x198: {  	v44 =	vadd.f32 v44, v50;
	v49 =	vmul.f32 v52, v24;
	v52 =	vor.u32 $0xE, v34;
	v50 =	vld.idx.msk [tilespmem:v54+s13+$0x0], $0xffff  }
0x199: {  	v45 =	vadd.f32 v46, v45;
	v46 =	vmul.f32 v48, v17;
	v47 =	vmul.f32 v47, v56  }
0x19a: {  	v44 =	vadd.f32 v49, v44;
	v48 =	vmul.f32 v57, v23;
	v49 =	vld.idx.msk [tilespmem:v58+s13+$0x0], $0xffff  }
0x19b: {  	v54 =	vor.u32 $0xF, v34;
	v45 =	vadd.f32 v46, v45;
	v46 =	vadd.f32 $2.000000030e-01, v47  }
0x19c: {  	v44 =	vadd.f32 v48, v44;
	v47 =	vmul.f32 v51, v22;
	v48 =	vld.idx.msk [tilespmem:v53+s13+$0x0], $0xffff  }
0x19d: {  	v51 =	vor.u32 $0x10, v34;
	v45 =	vsub.f32 $0.0e+00, v45;
	v46 =	vmul.f32 v46, v56  }
0x19e: {  	v44 =	vadd.f32 v47, v44;
	v47 =	vmul.f32 v50, v21;
	v50 =	vld.idx.msk [tilespmem:v52+s13+$0x0], $0xffff  }
0x19f: {  	v52 =	vor.u32 $0x11, v34;
	v53 =	vand.u32 $0x7FFFFFFF, v45;
	v46 =	vadd.f32 $3.333333430e-01, v46  }
0x1a0: {  	v44 =	vadd.f32 v47, v44;
	v47 =	vmul.f32 v49, v20;
	v49 =	vld.idx.msk [tilespmem:v54+s13+$0x0], $0xffff;
	v53 =	vsub.f32 $0.0e+00, v53  }
0x1a1: {  	v54 =	vor.u32 $0x12, v34;
	v46 =	vmul.f32 v46, v56  }
0x1a2: {  	v44 =	vadd.f32 v47, v44;
	v47 =	vmul.f32 v48, v19;
	v48 =	vld.idx.msk [tilespmem:v51+s13+$0x0], $0xffff;
	v51 =	vmul.f32 $1.442695020e+00, v53  }
0x1a3: {  	v55 =	vadd.f32 v55, v55;
	v53 =	vor.u32 $0x13, v34;
	v46 =	vadd.f32 $1.000000000e+00, v46  }
0x1a4: {  	v44 =	vadd.f32 v47, v44;
	v47 =	vmul.f32 v50, v18;
	v52 =	vld.idx.msk [tilespmem:v52+s13+$0x0], $0xffff;
	(erf) = vpow2.f32 v51  }
0x1a5: {  	v56 =	vor.u32 $0x14, v34;
	v46 =	vmul.f32 v46, v55  }
.Ltmp0:
0x1a6: {  	v51 =	vmax.f32 v42, $0.0e+00;
	v42 =	vmovc v45;
	v44 =	vadd.f32 v47, v44;
	v50 =	vmul.f32 v49, v16;
	v47 =	vld.idx.msk [tilespmem:v54+s13+$0x0], $0xffff;
	(pc) =	sbr.rel @p0 .LBB2_3-.Ltmp0, $4  }
0x1a7: {  	v49 =	vor.u32 $0x15, v34;
	v45 =	vadd.f32 v46, v51  }
0x1a8: {  	v50 =	vadd.f32 v50, v44;
	v51 =	vmul.f32 v48, v14;
	v46 =	vld.idx.msk [tilespmem:v53+s13+$0x0], $0xffff  }
0x1a9: {  	v44 =	vor.u32 s10, v33;
	v48 =	vor.u32 $0x16, v34;
	v41 =	vadd.f32 v45, v41  }
0x1aa: {  	s10 =	sadd.s32 $0x80, s10;
	v44 =	vshll.u32 v44, $0x5;
	v50 =	vadd.f32 v51, v50;
	v51 =	vmul.f32 v52, v13;
	v45 =	vld.idx.msk [tilespmem:v56+s13+$0x0], $0xffff  }
0x1ab: {  	v52 =	vor.u32 $0x1, v44;
	_ =	sdelay $0x1  }
0x1ac: {  	v53 =	vor.u32 $0x2, v44;
	_ =	sdelay $0x1  }
0x1ad: {  	v54 =	vld.idx.msk [tilespmem:v44+s13+$0x0], $0xffff;
	v55 =	vor.u32 $0x3, v44  }
0x1ae: {  	v52 =	vld.idx.msk [tilespmem:v52+s13+$0x0], $0xffff  }
0x1af: {  	v56 =	vor.u32 $0x4, v44  }
0x1b0: {  	v53 =	vld.idx.msk [tilespmem:v53+s13+$0x0], $0xffff  }
0x1b1: {  	v57 =	vor.u32 $0x5, v44  }
0x1b2: {  	v55 =	vld.idx.msk [tilespmem:v55+s13+$0x0], $0xffff  }
0x1b3: {  	v58 =	vor.u32 $0x6, v44;
	v54 =	vmul.f32 v54, v31;
	v52 =	vmul.f32 v52, v32  }
0x1b4: {  	v56 =	vld.idx.msk [tilespmem:v56+s13+$0x0], $0xffff  }
0x1b5: {  	v61 =	vor.u32 $0x7, v44;
	v53 =	vmul.f32 v53, v30;
	v52 =	vadd.f32 v52, v54  }
0x1b6: {  	v57 =	vld.idx.msk [tilespmem:v57+s13+$0x0], $0xffff  }
0x1b7: {  	v62 =	vor.u32 $0x8, v44;
	v55 =	vmul.f32 v55, v29;
	v52 =	vadd.f32 v53, v52  }
0x1b8: {  	v58 =	vld.idx.msk [tilespmem:v58+s13+$0x0], $0xffff  }
0x1b9: {  	v60 =	vor.u32 $0x9, v44;
	v56 =	vmul.f32 v56, v28;
	v52 =	vadd.f32 v55, v52  }
0x1ba: {  	v54 =	vld.idx.msk [tilespmem:v61+s13+$0x0], $0xffff  }
0x1bb: {  	v57 =	vmul.f32 v57, v27;
	v61 =	vor.u32 $0xA, v44;
	v52 =	vadd.f32 v56, v52  }
0x1bc: {  	v53 =	vld.idx.msk [tilespmem:v62+s13+$0x0], $0xffff  }
0x1bd: {  	v58 =	vmul.f32 v58, v26;
	v62 =	vor.u32 $0xB, v44;
	v52 =	vadd.f32 v57, v52  }
0x1be: {  	v55 =	vld.idx.msk [tilespmem:v60+s13+$0x0], $0xffff  }
0x1bf: {  	v49 =	vld.idx.msk [tilespmem:v49+s13+$0x0], $0xffff;
	v54 =	vmul.f32 v54, v25;
	v52 =	vadd.f32 v58, v52;
	v58 =	vor.u32 $0xC, v44  }
0x1c0: {  	v47 =	vmul.f32 v47, v12;
	v50 =	vadd.f32 v51, v50;
	v56 =	vld.idx.msk [tilespmem:v61+s13+$0x0], $0xffff;
	v61 =	vor.u32 $0x17, v34  }
0x1c1: {  	v48 =	vld.idx.msk [tilespmem:v48+s13+$0x0], $0xffff;
	v60 =	vor.u32 $0xD, v44;
	v53 =	vmul.f32 v53, v24;
	v52 =	vadd.f32 v54, v52  }
0x1c2: {  	v46 =	vmul.f32 v46, v11;
	v47 =	vadd.f32 v47, v50;
	v57 =	vld.idx.msk [tilespmem:v62+s13+$0x0], $0xffff;
	v62 =	vor.u32 $0x18, v34  }
0x1c3: {  	v40 =	vld.idx.msk [tilespmem:v40+s20+$0x0], $0xffff;
	v55 =	vmul.f32 v55, v23;
	v52 =	vadd.f32 v53, v52;
	v53 =	vor.u32 $0xE, v44  }
0x1c4: {  	v45 =	vmul.f32 v45, v8;
	v46 =	vadd.f32 v46, v47;
	v47 =	vor.u32 $0x19, v34;
	v58 =	vld.idx.msk [tilespmem:v58+s13+$0x0], $0xffff  }
0x1c5: {  	v56 =	vmul.f32 v56, v22;
	v51 =	vld.idx.msk [tilespmem:v61+s13+$0x0], $0xffff;
	v52 =	vadd.f32 v55, v52;
	v55 =	vor.u32 $0xF, v44  }
0x1c6: {  	v49 =	vmul.f32 v49, v4;
	v45 =	vadd.f32 v45, v46;
	v61 =	vor.u32 $0x1A, v34;
	v54 =	vld.idx.msk [tilespmem:v60+s13+$0x0], $0xffff  }
0x1c7: {  	v60 =	vor.u32 $0x10, v44;
	v57 =	vmul.f32 v57, v21;
	v50 =	vld.idx.msk [tilespmem:v62+s13+$0x0], $0xffff;
	v52 =	vadd.f32 v56, v52  }
0x1c8: {  	v48 =	vmul.f32 v48, v5;
	v45 =	vadd.f32 v49, v45;
	v62 =	vor.u32 $0x1B, v34;
	v53 =	vld.idx.msk [tilespmem:v53+s13+$0x0], $0xffff  }
0x1c9: {  	v47 =	vld.idx.msk [tilespmem:v47+s13+$0x0], $0xffff;
	v52 =	vadd.f32 v57, v52;
	v57 =	vor.u32 $0x11, v44;
	v58 =	vmul.f32 v58, v20  }
0x1ca: {  	v45 =	vadd.f32 v48, v45;
	v48 =	vor.u32 $0x1C, v34;
	v51 =	vmul.f32 v51, v1;
	v55 =	vld.idx.msk [tilespmem:v55+s13+$0x0], $0xffff  }
0x1cb: {  	v46 =	vld.idx.msk [tilespmem:v61+s13+$0x0], $0xffff;
	v54 =	vmul.f32 v54, v19;
	v52 =	vadd.f32 v58, v52;
	v58 =	vor.u32 $0x12, v44  }
0x1cc: {  	v56 =	vld.idx.msk [tilespmem:v60+s13+$0x0], $0xffff;
	v45 =	vadd.f32 v51, v45;
	v50 =	vmul.f32 v50, v2  }
0x1cd: {  	v61 =	vor.u32 $0x1D, v34;
	v49 =	vld.idx.msk [tilespmem:v62+s13+$0x0], $0xffff;
	v52 =	vadd.f32 v54, v52;
	v53 =	vmul.f32 v53, v18  }
0x1ce: {  	v47 =	vmul.f32 v47, v3;
	v60 =	vor.u32 $0x13, v44;
	v45 =	vadd.f32 v50, v45;
	v57 =	vld.idx.msk [tilespmem:v57+s13+$0x0], $0xffff  }
0x1cf: {  	v48 =	vld.idx.msk [tilespmem:v48+s13+$0x0], $0xffff;
	v62 =	vor.u32 $0x1E, v34;
	v52 =	vadd.f32 v53, v52;
	v55 =	vmul.f32 v55, v16  }
0x1d0: {  	v46 =	vmul.f32 v46, v6;
	v45 =	vadd.f32 v47, v45;
	v53 =	vor.u32 $0x14, v44;
	v58 =	vld.idx.msk [tilespmem:v58+s13+$0x0], $0xffff  }
0x1d1: {  	v39 =	vld.idx.msk [tilespmem:v39+s20+$0x0], $0xffff;
	v56 =	vmul.f32 v56, v14;
	v52 =	vadd.f32 v55, v52  }
0x1d2: {  	v51 =	vld.idx.msk [tilespmem:v61+s13+$0x0], $0xffff;
	v61 =	vmul.f32 v49, v7;
	v54 =	vor.u32 $0x16, v44;
	v45 =	vadd.f32 v46, v45  }
0x1d3: {  	v47 =	vld.idx.msk [tilespmem:v60+s13+$0x0], $0xffff;
	v55 =	vor.u32 $0x15, v44;
	v52 =	vadd.f32 v56, v52;
	v60 =	vmul.f32 v57, v13  }
0x1d4: {  	v34 =	vor.u32 $0x1F, v34;
	v50 =	vld.idx.msk [tilespmem:v62+s13+$0x0], $0xffff;
	v45 =	vadd.f32 v61, v45;
	v57 =	vmul.f32 v48, v9  }
0x1d5: {  	v49 =	vld.idx.msk [tilespmem:v53+s13+$0x0], $0xffff;
	v52 =	vadd.f32 v60, v52;
	v62 =	vmul.f32 v58, v12  }
0x1d6: {  	v53 =	vor.u32 $0x17, v44;
	v45 =	vadd.f32 v57, v45;
	v57 =	vld.idx.msk [tilespmem:v35+s20+$0x0], $0xffff  }
0x1d7: {  	v61 =	vld.idx.msk [tilespmem:v54+s13+$0x0], $0xffff;
	v52 =	vadd.f32 v62, v52;
	v62 =	vor.u32 $0x19, v44  }
0x1d8: {  	v59 =	vor.u32 $0x18, v44;
	v47 =	vmul.f32 v47, v11;
	v58 =	vld.idx.msk [tilespmem:v55+s13+$0x0], $0xffff  }
0x1d9: {  	v34 =	vld.idx.msk [tilespmem:v34+s13+$0x0], $0xffff  }
0x1da: {  	v38 =	vld.idx.msk [tilespmem:v38+s20+$0x0], $0xffff;
	v56 =	vmul.f32 v50, v15;
	v60 =	vmul.f32 v51, v10;
	v47 =	vadd.f32 v47, v52  }
0x1db: {  	v49 =	vmul.f32 v49, v8;
	v53 =	vld.idx.msk [tilespmem:v53+s13+$0x0], $0xffff;
	v50 =	vmul.f32 v57, v31;
	v57 =	vor.u32 $0x1C, v44  }
0x1dc: {  	v45 =	vadd.f32 v60, v45;
	v51 =	vmul.f32 v61, v5;
	v61 =	vld.idx.msk [tilespmem:v62+s13+$0x0], $0xffff;
	v62 =	vor.u32 $0x1B, v44  }
0x1dd: {  	v59 =	vld.idx.msk [tilespmem:v59+s13+$0x0], $0xffff;
	v40 =	vmul.f32 v40, v32;
	v47 =	vadd.f32 v49, v47;
	v48 =	vmul.f32 v58, v4  }
0x1de: {  	v37 =	vld.idx.msk [tilespmem:v37+s20+$0x0], $0xffff;
	v34 =	vmul.f32 v34, v17;
	v60 =	vor.u32 $0x1A, v44;
	v45 =	vadd.f32 v56, v45  }
0x1df: {  	v36 =	vld.idx.msk [tilespmem:v36+s20+$0x0], $0xffff;
	v39 =	vmul.f32 v39, v30;
	v38 =	vmul.f32 v38, v29;
	v49 =	vpop (erf);
	v47 =	vadd.f32 v48, v47  }
0x1e0: {  	v34 =	vadd.f32 v34, v45;
	v58 =	vadd.f32 $2.000000000e+00, v49;
	v52 =	vld.idx.msk [tilespmem:v57+s13+$0x0], $0xffff;
	v57 =	vor.u32 $0x9, v35  }
0x1e1: {  	v40 =	vadd.f32 v40, v50;
	v56 =	vmul.f32 v53, v1;
	v47 =	vadd.f32 v51, v47;
	v46 =	vld.idx.msk [tilespmem:v62+s13+$0x0], $0xffff  }
0x1e2: {  	(erf) = vrcp.f32 v58;
	v58 =	vmul.f32 v59, v2;
	v59 =	vor.u32 $0x7, v35;
	v62 =	vld [tilespmem:$0x1FE50]  }
0x1e3: {  	v48 =	vld.idx.msk [tilespmem:v60+s13+$0x0], $0xffff;
	v60 =	vor.u32 $0x1D, v44;
	v39 =	vadd.f32 v39, v40;
	v47 =	vadd.f32 v56, v47  }
0x1e4: {  	v34 =	vsub.f32 $0.0e+00, v34;
	v51 =	vor.u32 $0x8, v35;
	v56 =	vld [tilespmem:$0x1FE60]  }
0x1e5: {  	v38 =	vadd.f32 v38, v39;
	v45 =	vmul.f32 v61, v3;
	v47 =	vadd.f32 v58, v47;
	v39 =	vld.idx.msk [tilespmem:v57+s20+$0x0], $0xffff  }
0x1e6: {  	v58 =	vor.u32 $0x1F, v44;
	v57 =	vld [tilespmem:$0x1FE70]  }
0x1e7: {  	v61 =	vand.u32 $0x7FFFFFFF, v34;
	v45 =	vadd.f32 v45, v47;
	v47 =	vor.u32 $0x1E, v44;
	v53 =	vld.idx.msk [tilespmem:v59+s20+$0x0], $0xffff  }
0x1e8: {  	v40 =	vsub.f32 $0.0e+00, v61;
	v48 =	vmul.f32 v48, v6;
	v59 =	vld.idx.msk [tilespmem:v60+s13+$0x0], $0xffff;
	v60 =	vor.u32 $0xA, v35  }
0x1e9: {  	v61 =	vld.idx.msk [tilespmem:v51+s20+$0x0], $0xffff  }
0x1ea: {  	v40 =	vmul.f32 $1.442695020e+00, v40;
	v46 =	vmul.f32 v46, v7;
	v45 =	vadd.f32 v48, v45;
	v54 =	vld.idx.msk [tilespmem:v62+s20+$0x0], $0xffff  }
0x1eb: {  	v37 =	vmul.f32 v37, v28;
	v44 =	vld.idx.msk [tilespmem:v58+s13+$0x0], $0xffff  }
0x1ec: {  	v52 =	vmul.f32 v52, v9;
	(erf) = vpow2.f32 v40;
	v51 =	vadd.f32 v46, v45;
	v62 =	vld.idx.msk [tilespmem:v47+s13+$0x0], $0xffff  }
0x1ed: {  	v36 =	vmul.f32 v36, v27;
	v37 =	vadd.f32 v37, v38;
	v35 =	vld.idx.msk [tilespmem:v60+s20+$0x0], $0xffff  }
0x1ee: {  	v38 =	vmul.f32 v59, v10;
	v59 =	vld [tilespmem:$0x1FE80];
	v40 =	vadd.f32 v52, v51  }
0x1ef: {  	v36 =	vadd.f32 v36, v37;
	v52 =	vld [tilespmem:$0x1FEB0];
	v50 =	vmul.f32 v54, v26  }
0x1f0: {  	v53 =	vmul.f32 v53, v25;
	v46 =	vld.idx.msk [tilespmem:v57+s20+$0x0], $0xffff;
	v38 =	vadd.f32 v38, v40;
	v44 =	vmul.f32 v44, v17;
	v54 =	vpop (erf)  }
0x1f1: {  	v45 =	vmul.f32 v54, v49;
	v37 =	vmul.f32 v62, v15;
	v62 =	vld [tilespmem:$0x1FE90];
	v36 =	vadd.f32 v50, v36  }
0x1f2: {  	v55 =	vmul.f32 v61, v24;
	v40 =	vld.idx.msk [tilespmem:v56+s20+$0x0], $0xffff  }
0x1f3: {  	v49 =	vld [tilespmem:$0x1FEA0];
	v37 =	vadd.f32 v37, v38;
	v38 =	vmul.f32 v45, v45;
	v36 =	vadd.f32 v53, v36  }
0x1f4: {  	v39 =	vmul.f32 v39, v23;
	v56 =	vld [tilespmem:$0x1FED0]  }
0x1f5: {  	v54 =	vld [tilespmem:$0x1FEC0];
	v58 =	vmul.f32 $9.090909360e-02, v38;
	v37 =	vadd.f32 v44, v37;
	v44 =	vpop (erf);
	v36 =	vadd.f32 v55, v36  }
0x1f6: {  	v47 =	vld.idx.msk [tilespmem:v59+s20+$0x0], $0xffff;
	v61 =	vadd.f32 $2.000000000e+00, v44  }
0x1f7: {  	v36 =	vadd.f32 v39, v36;
	v39 =	vadd.f32 $1.111111120e-01, v58;
	v58 =	vld [tilespmem:$0x1FEE0]  }
0x1f8: {  	(erf) = vrcp.f32 v61;
	v61 =	vld [tilespmem:$0x1FEF0]  }
0x1f9: {  	v48 =	vld.idx.msk [tilespmem:v62+s20+$0x0], $0xffff;
	v39 =	vmul.f32 v39, v38  }
0x1fa: {  	v35 =	vmul.f32 v35, v22  }
0x1fb: {  	v60 =	vmul.f32 v40, v21;
	v40 =	vld.idx.msk [tilespmem:v49+s20+$0x0], $0xffff;
	v39 =	vadd.f32 $1.428571490e-01, v39  }
0x1fc: {  	v51 =	vmul.f32 v47, v19;
	v47 =	vld.idx.msk [tilespmem:v52+s20+$0x0], $0xffff;
	v35 =	vadd.f32 v35, v36  }
0x1fd: {  	v37 =	vsub.f32 $0.0e+00, v37;
	v62 =	vld [tilespmem:$0x1FF00];
	v39 =	vmul.f32 v39, v38  }
0x1fe: {  	v46 =	vmul.f32 v46, v20;
	v35 =	vadd.f32 v60, v35;
	v53 =	vmul.f32 v48, v18;
	v48 =	vld.idx.msk [tilespmem:v54+s20+$0x0], $0xffff  }
0x1ff: {  	v50 =	vand.u32 $0x7FFFFFFF, v37;
	v55 =	vadd.f32 $2.000000030e-01, v39;
	v39 =	vld.idx.msk [tilespmem:v56+s20+$0x0], $0xffff  }
0x200: {  	v36 =	vsub.f32 $0.0e+00, v50;
	v35 =	vadd.f32 v46, v35;
	v46 =	vld.idx.msk [tilespmem:v58+s20+$0x0], $0xffff  }
0x201: {  	v49 =	vld.idx.msk [tilespmem:v61+s20+$0x0], $0xffff  }
0x202: {  	v36 =	vmul.f32 $1.442695020e+00, v36;
	v56 =	vld [tilespmem:$0x1FF10]  }
0x203: {  	v58 =	vld [tilespmem:$0x1FF20]  }
0x204: {  	(erf) = vpow2.f32 v36;
	v61 =	vld [tilespmem:$0x1FF30];
	v36 =	vmul.f32 v55, v38  }
0x205: {  	v35 =	vadd.f32 v51, v35  }
0x206: {  	v40 =	vmul.f32 v40, v16;
	v57 =	vmul.f32 v47, v14;
	v47 =	vld.idx.msk [tilespmem:v43+s20+$0x0], $0xffff;
	v60 =	vpop (erf);
	v36 =	vadd.f32 $3.333333430e-01, v36  }
0x207: {  	v35 =	vadd.f32 v53, v35;
	v44 =	vmul.f32 v60, v44;
	v59 =	vmul.f32 v48, v13;
	v48 =	vld.idx.msk [tilespmem:v63+s20+$0x0], $0xffff  }
0x208: {  	v36 =	vmul.f32 v36, v38;
	v38 =	vld.idx.msk [tilespmem:v62+s20+$0x0], $0xffff  }
0x209: {  	v35 =	vadd.f32 v40, v35;
	v40 =	vmul.f32 v44, v44;
	v62 =	vld [tilespmem:$0x1FF40]  }
0x20a: {  	v63 =	vmul.f32 v46, v11;
	v46 =	vld.idx.msk [tilespmem:v56+s20+$0x0], $0xffff  }
0x20b: {  	v35 =	vadd.f32 v57, v35;
	v57 =	vmul.f32 $9.090909360e-02, v40;
	v52 =	vld.idx.msk [tilespmem:v58+s20+$0x0], $0xffff  }
0x20c: {  	v53 =	vld.idx.msk [tilespmem:v61+s20+$0x0], $0xffff  }
0x20d: {  	v56 =	vadd.f32 $1.111111120e-01, v57;
	v57 =	vld [tilespmem:$0x1FF50]  }
0x20e: {  	v39 =	vmul.f32 v39, v12;
	v35 =	vadd.f32 v59, v35;
	v58 =	vld [tilespmem:$0x1FF60]  }
0x20f: {  	v61 =	vld [tilespmem:$0x1FF70]  }
0x210: {  	v47 =	vmul.f32 v47, v31;
	v48 =	vmul.f32 v48, v32;
	v35 =	vadd.f32 v39, v35  }
0x211: {  	v59 =	vmul.f32 v49, v8  }
0x212: {  	v35 =	vadd.f32 v63, v35;
	v63 =	vadd.f32 v48, v47;
	v47 =	vmul.f32 v56, v40;
	v56 =	vld [tilespmem:$0x1FF90]  }
0x213: {  	v45 =	vadd.f32 v45, v45;
	v51 =	vpop (erf);
	v36 =	vadd.f32 $1.000000000e+00, v36;
	v39 =	vld.idx.msk [tilespmem:v62+s20+$0x0], $0xffff  }
0x214: {  	v60 =	vadd.f32 $2.000000000e+00, v51;
	v35 =	vadd.f32 v59, v35;
	v59 =	vor.u32 $0x7, v43;
	v62 =	vld [tilespmem:$0x1FF80]  }
0x215: {  	v36 =	vmul.f32 v36, v45;
	v46 =	vmul.f32 v46, v30;
	v48 =	vld.idx.msk [tilespmem:v57+s20+$0x0], $0xffff  }
0x216: {  	(erf) = vrcp.f32 v60;
	v38 =	vmul.f32 v38, v4;
	v49 =	vld.idx.msk [tilespmem:v58+s20+$0x0], $0xffff  }
0x217: {  	v60 =	vmul.f32 v52, v5;
	v45 =	vadd.f32 v46, v63;
	v63 =	vor.u32 $0x8, v43;
	v52 =	vld.idx.msk [tilespmem:v61+s20+$0x0], $0xffff  }
0x218: {  	v57 =	vld [tilespmem:$0x1FFA0]  }
0x219: {  	v35 =	vadd.f32 v38, v35;
	v38 =	vld.idx.msk [tilespmem:v59+s20+$0x0], $0xffff  }
0x21a: {  	v42 =	vmax.f32 v42, $0.0e+00;
	v61 =	vor.u32 $0xA, v43;
	v59 =	vld [tilespmem:$0x1FFB0]  }
0x21b: {  	v36 =	vadd.f32 v36, v42;
	v35 =	vadd.f32 v60, v35;
	v39 =	vmul.f32 v39, v1;
	v42 =	vld.idx.msk [tilespmem:v56+s20+$0x0], $0xffff  }
0x21c: {  	v53 =	vmul.f32 v53, v29;
	v46 =	vld.idx.msk [tilespmem:v63+s20+$0x0], $0xffff  }
0x21d: {  	v56 =	vld [tilespmem:$0x1FFC0];
	v35 =	vadd.f32 v39, v35;
	v49 =	vmul.f32 v49, v2  }
0x21e: {  	v45 =	vadd.f32 v53, v45;
	v48 =	vmul.f32 v48, v28;
	v39 =	vor.u32 $0x9, v43;
	v54 =	vld.idx.msk [tilespmem:v62+s20+$0x0], $0xffff  }
0x21f: {  	v62 =	vpop (erf);
	v35 =	vadd.f32 v49, v35;
	v49 =	vld.idx.msk [tilespmem:v61+s20+$0x0], $0xffff  }
0x220: {  	v60 =	vmul.f32 v52, v27;
	v58 =	vadd.f32 v48, v45;
	v48 =	vmul.f32 v62, v51;
	v62 =	vld [tilespmem:$0x1FFE0]  }
0x221: {  	v47 =	vadd.f32 $1.428571490e-01, v47;
	v50 =	vld.idx.msk [tilespmem:v57+s20+$0x0], $0xffff;
	v57 =	vor.u32 $0xB, v43  }
0x222: {  	v41 =	vadd.f32 v36, v41;
	v36 =	vadd.f32 v60, v58;
	v58 =	vld [tilespmem:$0x1FFD0]  }
0x223: {  	v47 =	vmul.f32 v47, v40;
	v39 =	vld.idx.msk [tilespmem:v39+s20+$0x0], $0xffff  }
0x224: {  	v42 =	vmul.f32 v42, v26;
	v45 =	vld.idx.msk [tilespmem:v59+s20+$0x0], $0xffff  }
0x225: {  	v38 =	vmul.f32 v38, v25;
	v60 =	vadd.f32 $2.000000030e-01, v47;
	v51 =	vld.idx.msk [tilespmem:v56+s20+$0x0], $0xffff  }
0x226: {  	v63 =	vmul.f32 v54, v3;
	v36 =	vadd.f32 v42, v36;
	v42 =	vmul.f32 v48, v48;
	v56 =	vld.idx.msk [tilespmem:v57+s20+$0x0], $0xffff  }
0x227: {  	v54 =	vor.u32 $0xC, v43;
	v59 =	vmul.f32 v46, v24;
	v46 =	vmul.f32 v60, v40;
	v57 =	vld [tilespmem:$0x1FFF0]  }
0x228: {  	v50 =	vmul.f32 v50, v6;
	v35 =	vadd.f32 v63, v35;
	v36 =	vadd.f32 v38, v36  }
0x229: {  	v55 =	vor.u32 $0xD, v43;
	v61 =	vmul.f32 $9.090909360e-02, v42;
	v46 =	vadd.f32 $3.333333430e-01, v46  }
0x22a: {  	v35 =	vadd.f32 v50, v35;
	v36 =	vadd.f32 v59, v36;
	v45 =	vmul.f32 v45, v7  }
0x22b: {  	v47 =	vadd.f32 $1.111111120e-01, v61;
	v39 =	vmul.f32 v39, v23;
	v61 =	vmul.f32 v49, v22;
	v52 =	vld.idx.msk [tilespmem:v58+s20+$0x0], $0xffff  }
0x22c: {  	v59 =	vld.idx.msk [tilespmem:v54+s20+$0x0], $0xffff;
	v63 =	vmul.f32 v51, v9;
	v58 =	vor.u32 $0xE, v43;
	v35 =	vadd.f32 v45, v35  }
0x22d: {  	v50 =	vld.idx.msk [tilespmem:v62+s20+$0x0], $0xffff;
	v62 =	vor.u32 $0xF, v43;
	v36 =	vadd.f32 v39, v36;
	v60 =	vmul.f32 v47, v42  }
0x22e: {  	v40 =	vmul.f32 v46, v40;
	v45 =	vmul.f32 v56, v21;
	v35 =	vadd.f32 v63, v35;
	v63 =	vld.idx.msk [tilespmem:v55+s20+$0x0], $0xffff  }
0x22f: {  	v56 =	vor.u32 $0x10, v43;
	v36 =	vadd.f32 v61, v36;
	v39 =	vadd.f32 $1.428571490e-01, v60;
	v51 =	vld.idx.msk [tilespmem:v57+s20+$0x0], $0xffff  }
0x230: {  	v44 =	vadd.f32 v44, v44;
	v40 =	vadd.f32 $1.000000000e+00, v40;
	v52 =	vmul.f32 v52, v10  }
0x231: {  	v36 =	vadd.f32 v45, v36;
	v39 =	vmul.f32 v39, v42;
	v38 =	vld.idx.msk [tilespmem:v58+s20+$0x0], $0xffff;
	v58 =	vmul.f32 v59, v20  }
0x232: {  	v50 =	vmul.f32 v50, v15;
	v49 =	vld.idx.msk [tilespmem:v62+s20+$0x0], $0xffff;
	v59 =	vor.u32 $0x11, v43;
	v35 =	vadd.f32 v52, v35  }
0x233: {  	v61 =	vor.u32 $0x12, v43;
	v39 =	vadd.f32 $2.000000030e-01, v39;
	v36 =	vadd.f32 v58, v36  }
0x234: {  	v47 =	vld.idx.msk [tilespmem:v56+s20+$0x0], $0xffff;
	v60 =	vmul.f32 v63, v19;
	v35 =	vadd.f32 v50, v35;
	v57 =	vmul.f32 v51, v17  }
0x235: {  	v40 =	vmul.f32 v40, v44;
	v55 =	vor.u32 $0x14, v43;
	v39 =	vmul.f32 v39, v42  }
0x236: {  	v36 =	vadd.f32 v60, v36;
	v38 =	vmul.f32 v38, v18;
	v35 =	vadd.f32 v57, v35  }
0x237: {  	v58 =	vor.u32 $0x15, v43;
	v63 =	vor.u32 $0x13, v43;
	v49 =	vmul.f32 v49, v16;
	v54 =	vld.idx.msk [tilespmem:v59+s20+$0x0], $0xffff  }
0x238: {  	v39 =	vadd.f32 $3.333333430e-01, v39;
	v38 =	vadd.f32 v38, v36;
	v62 =	vand.u32 $0x7FFFFFFF, v35  }
0x239: {  	v47 =	vmul.f32 v47, v14;
	v36 =	vshll.u32 v0, $0x5;
	v51 =	vsub.f32 $0.0e+00, v62  }
0x23a: {  	v39 =	vmul.f32 v39, v42;
	v56 =	vor.u32 $0x1, v36;
	v38 =	vadd.f32 v49, v38  }
0x23b: {  	v59 =	vadd.f32 v48, v48;
	v0 =	vld.idx.msk [tilespmem:v61+s20+$0x0], $0xffff;
	v60 =	vor.u32 $0x2, v36;
	v51 =	vmul.f32 $1.442695020e+00, v51  }
0x23c: {  	v57 =	vld.idx.msk [tilespmem:v63+s20+$0x0], $0xffff;
	v39 =	vadd.f32 $1.000000000e+00, v39;
	v44 =	vmul.f32 v54, v13;
	v38 =	vadd.f32 v47, v38  }
0x23d: {  	v34 =	vmax.f32 v34, $0.0e+00;
	v46 =	vld.idx.msk [tilespmem:v55+s20+$0x0], $0xffff;
	v61 =	vor.u32 $0x16, v43;
	(erf) = vpow2.f32 v51  }
0x23e: {  	v55 =	vor.u32 $0x4, v36;
	v39 =	vmul.f32 v39, v59;
	v38 =	vadd.f32 v44, v38;
	v44 =	vld.idx.msk [tilespmem:v36+s20+$0x0], $0xffff  }
0x23f: {  	v37 =	vmax.f32 v37, $0.0e+00;
	v34 =	vadd.f32 v40, v34;
	v62 =	vor.u32 $0x3, v36;
	v40 =	vld.idx.msk [tilespmem:v56+s20+$0x0], $0xffff  }
0x240: {  	v63 =	vor.u32 $0x17, v43;
	v37 =	vadd.f32 v39, v37;
	v39 =	vld.idx.msk [tilespmem:v58+s20+$0x0], $0xffff  }
0x241: {  	v59 =	vor.u32 $0x5, v36;
	v0 =	vmul.f32 v0, v12;
	v54 =	vmul.f32 v57, v11;
	v57 =	vld.idx.msk [tilespmem:v60+s20+$0x0], $0xffff  }
0x242: {  	v58 =	vld.idx.msk [tilespmem:v61+s20+$0x0], $0xffff  }
0x243: {  	v34 =	vadd.f32 v34, v41;
	v41 =	vld.idx.msk [tilespmem:v55+s20+$0x0], $0xffff;
	v0 =	vadd.f32 v0, v38  }
0x244: {  	v46 =	vmul.f32 v46, v8;
	v56 =	vor.u32 $0x18, v43;
	v60 =	vor.u32 $0x19, v43;
	v47 =	vld.idx.msk [tilespmem:v62+s20+$0x0], $0xffff  }
0x245: {  	v55 =	vor.u32 $0x7, v36;
	v62 =	vld.idx.msk [tilespmem:v63+s20+$0x0], $0xffff;
	v63 =	vor.u32 $0x6, v36;
	v38 =	vadd.f32 v54, v0  }
0x246: {  	v0 =	vadd.f32 v37, v34;
	v54 =	vor.u32 $0x1A, v43;
	v37 =	vld.idx.msk [tilespmem:v59+s20+$0x0], $0xffff;
	v59 =	vor.u32 $0x1D, v43;
	v48 =	vpop (erf)  }
0x247: {  	v44 =	vmul.f32 v44, v31;
	v40 =	vmul.f32 v40, v32;
	v61 =	vadd.f32 $2.000000000e+00, v48  }
0x248: {  	v39 =	vmul.f32 v39, v4;
	v45 =	vmul.f32 v57, v30;
	v38 =	vadd.f32 v46, v38  }
0x249: {  	v42 =	vld.idx.msk [tilespmem:v56+s20+$0x0], $0xffff;
	v56 =	vor.u32 $0x1B, v43;
	v34 =	vmul.f32 v58, v5;
	(erf) = vrcp.f32 v61  }
0x24a: {  	v49 =	vld.idx.msk [tilespmem:v60+s20+$0x0], $0xffff;
	v57 =	vor.u32 $0x8, v36;
	v40 =	vadd.f32 v40, v44;
	v38 =	vadd.f32 v39, v38  }
0x24b: {  	v58 =	vor.u32 $0x1C, v43;
	v41 =	vmul.f32 v41, v28;
	v47 =	vmul.f32 v47, v29;
	v50 =	vld.idx.msk [tilespmem:v63+s20+$0x0], $0xffff  }
0x24c: {  	v46 =	vmul.f32 v62, v1;
	v44 =	vld.idx.msk [tilespmem:v55+s20+$0x0], $0xffff;
	v40 =	vadd.f32 v45, v40;
	v34 =	vadd.f32 v34, v38  }
0x24d: {  	v60 =	vor.u32 $0x9, v36;
	v62 =	vor.u32 $0xA, v36;
	v63 =	vor.u32 $0x1F, v43;
	v51 =	vld.idx.msk [tilespmem:v54+s20+$0x0], $0xffff  }
0x24e: {  	v42 =	vmul.f32 v42, v2;
	v39 =	vld.idx.msk [tilespmem:v56+s20+$0x0], $0xffff;
	v40 =	vadd.f32 v47, v40;
	v34 =	vadd.f32 v46, v34  }
0x24f: {  	v55 =	vor.u32 $0xB, v36;
	v37 =	vmul.f32 v37, v27;
	v49 =	vmul.f32 v49, v3;
	v45 =	vld.idx.msk [tilespmem:v57+s20+$0x0], $0xffff  }
0x250: {  	v38 =	vld.idx.msk [tilespmem:v58+s20+$0x0], $0xffff;
	v61 =	vor.u32 $0x1E, v43;
	v40 =	vadd.f32 v41, v40;
	v34 =	vadd.f32 v42, v34  }
0x251: {  	v57 =	vor.u32 $0xC, v36;
	v54 =	vmul.f32 v50, v26;
	v47 =	vld.idx.msk [tilespmem:v59+s20+$0x0], $0xffff;
	v44 =	vmul.f32 v44, v25  }
0x252: {  	v46 =	vld.idx.msk [tilespmem:v60+s20+$0x0], $0xffff;
	v51 =	vmul.f32 v51, v6;
	v37 =	vadd.f32 v37, v40;
	v49 =	vadd.f32 v49, v34;
	v56 =	vpop (erf)  }
0x253: {  	v59 =	vor.u32 $0xD, v36;
	v43 =	vld.idx.msk [tilespmem:v63+s20+$0x0], $0xffff;
	v39 =	vmul.f32 v39, v7;
	v34 =	vmul.f32 v56, v48  }
0x254: {  	v42 =	vld.idx.msk [tilespmem:v62+s20+$0x0], $0xffff;
	v58 =	vmul.f32 v45, v24;
	v40 =	vadd.f32 v54, v37;
	v49 =	vadd.f32 v51, v49  }
0x255: {  	v38 =	vmul.f32 v38, v9;
	v41 =	vld.idx.msk [tilespmem:v61+s20+$0x0], $0xffff;
	v37 =	vmul.f32 v34, v34  }
0x256: {  	v60 =	vld.idx.msk [tilespmem:v55+s20+$0x0], $0xffff;
	v47 =	vmul.f32 v47, v10;
	v40 =	vadd.f32 v44, v40;
	v39 =	vadd.f32 v39, v49  }
0x257: {  	v61 =	vor.u32 $0xE, v36;
	v46 =	vmul.f32 v46, v23;
	v62 =	vmul.f32 $9.090909360e-02, v37  }
0x258: {  	v63 =	vld.idx.msk [tilespmem:v57+s20+$0x0], $0xffff;
	v54 =	vor.u32 $0xF, v36;
	v40 =	vadd.f32 v58, v40;
	v38 =	vadd.f32 v38, v39  }
0x259: {  	v45 =	vld.idx.msk [tilespmem:v59+s20+$0x0], $0xffff;
	v43 =	vmul.f32 v43, v17;
	v42 =	vmul.f32 v42, v22;
	v44 =	vadd.f32 $1.111111120e-01, v62  }
0x25a: {  	v41 =	vmul.f32 v41, v15;
	v40 =	vadd.f32 v46, v40;
	v38 =	vadd.f32 v47, v38  }
0x25b: {  	v55 =	vmul.f32 v60, v21;
	v44 =	vmul.f32 v44, v37  }
0x25c: {  	v47 =	vor.u32 $0x10, v36;
	v40 =	vadd.f32 v42, v40;
	v38 =	vadd.f32 v41, v38  }
0x25d: {  	v57 =	vor.u32 $0x11, v36;
	v58 =	vmul.f32 v63, v20;
	v41 =	vld.idx.msk [tilespmem:v61+s20+$0x0], $0xffff;
	v44 =	vadd.f32 $1.428571490e-01, v44  }
0x25e: {  	v60 =	vmul.f32 v45, v19;
	v40 =	vadd.f32 v55, v40;
	v38 =	vadd.f32 v43, v38  }
0x25f: {  	s10 =	simm.s32 $0x180;
	v45 =	vor.u32 $0x14, v36;
	v48 =	vld.idx.msk [tilespmem:v54+s20+$0x0], $0xffff;
	v46 =	vor.u32 $0x12, v36;
	v59 =	vmul.f32 v44, v37  }
0x260: {  	v56 =	vor.u32 s10, v33;
	v40 =	vadd.f32 v58, v40;
	v61 =	vand.u32 $0x7FFFFFFF, v38  }
0x261: {  	v47 =	vld.idx.msk [tilespmem:v47+s20+$0x0], $0xffff;
	v62 =	vsub.f32 $0.0e+00, v61;
	v44 =	vor.u32 $0x13, v36;
	v63 =	vadd.f32 $2.000000030e-01, v59  }
0x262: {  	v39 =	vshll.u32 v56, $0x5;
	v49 =	vadd.f32 v60, v40;
	v50 =	vmul.f32 v41, v18  }
0x263: {  	s10 =	simm.s32 $0x200;
	v43 =	vld.idx.msk [tilespmem:v57+s20+$0x0], $0xffff;
	v41 =	vor.u32 $0x1C, v36;
	v42 =	vmul.f32 $1.442695020e+00, v62;
	v40 =	vmul.f32 v63, v37  }
.LBB2_5:
0x264: {  	p0 =	sne.s32 s10, $0x980;
	v49 =	vadd.f32 v50, v49;
	v48 =	vmul.f32 v48, v16;
	v46 =	vld.idx.msk [tilespmem:v46+s20+$0x0], $0xffff;
	v50 =	vor.u32 $0x15, v36  }
0x265: {  	v51 =	vor.u32 $0x1, v39;
	(erf) = vpow2.f32 v42;
	v40 =	vadd.f32 $3.333333430e-01, v40  }
0x266: {  	v47 =	vmul.f32 v47, v14;
	v42 =	vadd.f32 v48, v49;
	v44 =	vld.idx.msk [tilespmem:v44+s20+$0x0], $0xffff;
	v48 =	vor.u32 $0x16, v36  }
0x267: {  	v52 =	vor.u32 $0x2, v39;
	v53 =	vor.u32 $0x1B, v36;
	v49 =	vld.idx.msk [tilespmem:v39+s20+$0x0], $0xffff;
	v37 =	vmul.f32 v40, v37  }
0x268: {  	v40 =	vadd.f32 v47, v42;
	v42 =	vmul.f32 v43, v13;
	v43 =	vld.idx.msk [tilespmem:v45+s20+$0x0], $0xffff;
	v45 =	vor.u32 $0x17, v36  }
0x269: {  	v34 =	vadd.f32 v34, v34;
	v47 =	vor.u32 $0x3, v39;
	v50 =	vld.idx.msk [tilespmem:v50+s20+$0x0], $0xffff;
	v37 =	vadd.f32 $1.000000000e+00, v37  }
0x26a: {  	v51 =	vld.idx.msk [tilespmem:v51+s20+$0x0], $0xffff;
	v40 =	vadd.f32 v42, v40;
	v42 =	vmul.f32 v46, v12;
	v46 =	vor.u32 $0x18, v36  }
0x26b: {  	v54 =	vor.u32 $0x4, v39;
	v55 =	vor.u32 $0x19, v36;
	v48 =	vld.idx.msk [tilespmem:v48+s20+$0x0], $0xffff;
	v34 =	vmul.f32 v37, v34  }
0x26c: {  	v37 =	vld.idx.msk [tilespmem:v52+s20+$0x0], $0xffff;
	v40 =	vadd.f32 v42, v40;
	v42 =	vmul.f32 v44, v11;
	v44 =	vmax.f32 v35, $0.0e+00;
	v35 =	vmovc v38  }
0x26d: {  	v38 =	vor.u32 $0x5, v39;
	v52 =	vor.u32 $0x1A, v36;
	v45 =	vld.idx.msk [tilespmem:v45+s20+$0x0], $0xffff;
	v34 =	vadd.f32 v34, v44  }
0x26e: {  	v44 =	vld.idx.msk [tilespmem:v47+s20+$0x0], $0xffff;
	v47 =	vor.u32 $0x6, v39;
	v40 =	vadd.f32 v42, v40;
	v42 =	vmul.f32 v43, v8;
	v43 =	vpop (erf)  }
0x26f: {  	v49 =	vmul.f32 v49, v31;
	v46 =	vld.idx.msk [tilespmem:v46+s20+$0x0], $0xffff;
	v56 =	vadd.f32 $2.000000000e+00, v43;
	v0 =	vadd.f32 v34, v0  }
0x270: {  	v34 =	vmul.f32 v51, v32;
	v51 =	vld.idx.msk [tilespmem:v54+s20+$0x0], $0xffff;
	v40 =	vadd.f32 v42, v40;
	v42 =	vmul.f32 v50, v4  }
0x271: {  	v50 =	vor.u32 $0x7, v39;
	v48 =	vmul.f32 v48, v5;
	v54 =	vld.idx.msk [tilespmem:v55+s20+$0x0], $0xffff;
	(erf) = vrcp.f32 v56  }
0x272: {  	v34 =	vadd.f32 v34, v49;
	v37 =	vmul.f32 v37, v30;
	v38 =	vld.idx.msk [tilespmem:v38+s20+$0x0], $0xffff;
	v40 =	vadd.f32 v42, v40  }
0x273: {  	v42 =	vor.u32 $0x8, v39;
	v45 =	vmul.f32 v45, v1;
	v49 =	vld.idx.msk [tilespmem:v52+s20+$0x0], $0xffff;
	v52 =	vor.u32 $0x1D, v36  }
0x274: {  	v34 =	vadd.f32 v37, v34;
	v37 =	vmul.f32 v44, v29;
	v44 =	vld.idx.msk [tilespmem:v47+s20+$0x0], $0xffff;
	v40 =	vadd.f32 v48, v40  }
0x275: {  	v47 =	vor.u32 $0x9, v39;
	v46 =	vmul.f32 v46, v2;
	v48 =	vld.idx.msk [tilespmem:v53+s20+$0x0], $0xffff;
	v53 =	vor.u32 $0x1E, v36  }
0x276: {  	v34 =	vadd.f32 v37, v34;
	v37 =	vmul.f32 v51, v28;
	v50 =	vld.idx.msk [tilespmem:v50+s20+$0x0], $0xffff;
	v40 =	vadd.f32 v45, v40  }
0x277: {  	v45 =	vor.u32 $0xA, v39;
	v51 =	vmul.f32 v54, v3;
	v54 =	vor.u32 $0x1F, v36;
	v36 =	vmovc v39;
	v41 =	vld.idx.msk [tilespmem:v41+s20+$0x0], $0xffff  }
0x278: {  	v55 =	vadd.f32 v37, v34;
	v37 =	vmul.f32 v38, v27;
	v38 =	vld.idx.msk [tilespmem:v42+s20+$0x0], $0xffff;
	v39 =	vadd.f32 v46, v40  }
0x279: {  	v40 =	vor.u32 $0xB, v36;
	v42 =	vmul.f32 v49, v6;
	v46 =	vld.idx.msk [tilespmem:v52+s20+$0x0], $0xffff  }
0x27a: {  	v37 =	vadd.f32 v37, v55;
	v44 =	vmul.f32 v44, v26;
	v47 =	vld.idx.msk [tilespmem:v47+s20+$0x0], $0xffff;
	v39 =	vadd.f32 v51, v39;
	v34 =	vpop (erf)  }
0x27b: {  	v49 =	vor.u32 $0xC, v36;
	v48 =	vmul.f32 v48, v7;
	v51 =	vld.idx.msk [tilespmem:v53+s20+$0x0], $0xffff;
	v34 =	vmul.f32 v34, v43  }
0x27c: {  	v43 =	vadd.f32 v44, v37;
	v44 =	vmul.f32 v50, v25;
	v45 =	vld.idx.msk [tilespmem:v45+s20+$0x0], $0xffff;
	v39 =	vadd.f32 v42, v39  }
0x27d: {  	v42 =	vor.u32 $0xD, v36;
	v41 =	vmul.f32 v41, v9;
	v50 =	vld.idx.msk [tilespmem:v54+s20+$0x0], $0xffff;
	v37 =	vmul.f32 v34, v34  }
0x27e: {  	v43 =	vadd.f32 v44, v43;
	v38 =	vmul.f32 v38, v24;
	v40 =	vld.idx.msk [tilespmem:v40+s20+$0x0], $0xffff;
	v39 =	vadd.f32 v48, v39  }
0x27f: {  	v44 =	vor.u32 $0xE, v36;
	v46 =	vmul.f32 v46, v10;
	v48 =	vmul.f32 $9.090909360e-02, v37  }
0x280: {  	v38 =	vadd.f32 v38, v43;
	v43 =	vmul.f32 v47, v23;
	v47 =	vld.idx.msk [tilespmem:v49+s20+$0x0], $0xffff;
	v39 =	vadd.f32 v41, v39  }
0x281: {  	v41 =	vor.u32 $0xF, v36;
	v49 =	vmul.f32 v51, v15;
	v48 =	vadd.f32 $1.111111120e-01, v48  }
0x282: {  	v38 =	vadd.f32 v43, v38;
	v43 =	vmul.f32 v45, v22;
	v42 =	vld.idx.msk [tilespmem:v42+s20+$0x0], $0xffff;
	v39 =	vadd.f32 v46, v39  }
0x283: {  	v45 =	vor.u32 $0x10, v36;
	v46 =	vmul.f32 v50, v17;
	v48 =	vmul.f32 v48, v37  }
0x284: {  	v38 =	vadd.f32 v43, v38;
	v40 =	vmul.f32 v40, v21;
	v43 =	vld.idx.msk [tilespmem:v44+s20+$0x0], $0xffff;
	v39 =	vadd.f32 v49, v39  }
0x285: {  	v51 =	vor.u32 $0x11, v36;
	v44 =	vor.u32 s10, v33;
	v49 =	vadd.f32 $1.428571490e-01, v48  }
0x286: {  	v40 =	vadd.f32 v40, v38;
	v47 =	vmul.f32 v47, v20;
	v48 =	vld.idx.msk [tilespmem:v41+s20+$0x0], $0xffff;
	v38 =	vadd.f32 v46, v39  }
.Ltmp1:
0x287: {  	v39 =	vshll.u32 v44, $0x5;
	v46 =	vor.u32 $0x12, v36;
	v41 =	vmul.f32 v49, v37;
	(pc) =	sbr.rel @p0 .LBB2_5-.Ltmp1, $4  }
0x288: {  	v40 =	vadd.f32 v47, v40;
	v42 =	vmul.f32 v42, v19;
	v47 =	vld.idx.msk [tilespmem:v45+s20+$0x0], $0xffff;
	v45 =	vand.u32 $0x7FFFFFFF, v38  }
0x289: {  	v44 =	vor.u32 $0x13, v36;
	v52 =	vsub.f32 $0.0e+00, v45;
	v53 =	vadd.f32 $2.000000030e-01, v41  }
0x28a: {  	v49 =	vadd.f32 v42, v40;
	v50 =	vmul.f32 v43, v18;
	v41 =	vor.u32 $0x1C, v36;
	v43 =	vld.idx.msk [tilespmem:v51+s20+$0x0], $0xffff  }
0x28b: {  	s10 =	sadd.s32 $0x80, s10;
	v45 =	vor.u32 $0x14, v36;
	v42 =	vmul.f32 $1.442695020e+00, v52;
	v40 =	vmul.f32 v53, v37  }
0x28c: {  	v33 =	vor.u32 $0x1, v39;
	_ =	sdelay $0x1  }
0x28d: {  	v51 =	vor.u32 $0x2, v39;
	_ =	sdelay $0x1  }
0x28e: {  	v52 =	vld.idx.msk [tilespmem:v39+s20+$0x0], $0xffff;
	v53 =	vor.u32 $0x3, v39  }
0x28f: {  	v33 =	vld.idx.msk [tilespmem:v33+s20+$0x0], $0xffff  }
0x290: {  	v54 =	vor.u32 $0x4, v39  }
0x291: {  	v51 =	vld.idx.msk [tilespmem:v51+s20+$0x0], $0xffff  }
0x292: {  	v55 =	vor.u32 $0x5, v39  }
0x293: {  	v53 =	vld.idx.msk [tilespmem:v53+s20+$0x0], $0xffff  }
0x294: {  	v59 =	vor.u32 $0x6, v39;
	v31 =	vmul.f32 v52, v31;
	v32 =	vmul.f32 v33, v32  }
0x295: {  	v60 =	vld.idx.msk [tilespmem:v54+s20+$0x0], $0xffff  }
0x296: {  	v61 =	vor.u32 $0x7, v39;
	v30 =	vmul.f32 v51, v30;
	v31 =	vadd.f32 v32, v31  }
0x297: {  	v62 =	vld.idx.msk [tilespmem:v55+s20+$0x0], $0xffff  }
0x298: {  	v63 =	vor.u32 $0x8, v39;
	v29 =	vmul.f32 v53, v29;
	v30 =	vadd.f32 v30, v31  }
0x299: {  	v57 =	vld.idx.msk [tilespmem:v59+s20+$0x0], $0xffff  }
0x29a: {  	v58 =	vor.u32 $0x9, v39;
	v28 =	vmul.f32 v60, v28;
	v29 =	vadd.f32 v29, v30  }
0x29b: {  	v59 =	vld.idx.msk [tilespmem:v61+s20+$0x0], $0xffff  }
0x29c: {  	v60 =	vor.u32 $0xA, v39;
	v27 =	vmul.f32 v62, v27;
	v28 =	vadd.f32 v28, v29  }
0x29d: {  	v61 =	vld.idx.msk [tilespmem:v63+s20+$0x0], $0xffff  }
0x29e: {  	v62 =	vor.u32 $0xB, v39;
	v26 =	vmul.f32 v57, v26;
	v27 =	vadd.f32 v27, v28  }
0x29f: {  	v63 =	vld.idx.msk [tilespmem:v58+s20+$0x0], $0xffff  }
0x2a0: {  	v52 =	vor.u32 $0xC, v39;
	v25 =	vmul.f32 v59, v25;
	v26 =	vadd.f32 v26, v27  }
0x2a1: {  	v53 =	vld.idx.msk [tilespmem:v60+s20+$0x0], $0xffff  }
0x2a2: {  	v54 =	vor.u32 $0xD, v39;
	v24 =	vmul.f32 v61, v24;
	v25 =	vadd.f32 v25, v26  }
0x2a3: {  	v56 =	vmul.f32 v48, v16;
	v55 =	vadd.f32 v50, v49;
	v57 =	vld.idx.msk [tilespmem:v62+s20+$0x0], $0xffff  }
0x2a4: {  	v58 =	vld.idx.msk [tilespmem:v46+s20+$0x0], $0xffff;
	v59 =	vor.u32 $0xE, v39;
	v23 =	vmul.f32 v63, v23;
	v24 =	vadd.f32 v24, v25  }
0x2a5: {  	v61 =	vmul.f32 v47, v14;
	v60 =	vor.u32 $0x15, v36;
	v62 =	vld.idx.msk [tilespmem:v52+s20+$0x0], $0xffff;
	v26 =	vadd.f32 v56, v55  }
0x2a6: {  	v48 =	vor.u32 $0xF, v39;
	v63 =	vld.idx.msk [tilespmem:v44+s20+$0x0], $0xffff;
	v22 =	vmul.f32 v53, v22;
	v23 =	vadd.f32 v23, v24  }
0x2a7: {  	v49 =	vor.u32 $0x16, v36;
	v50 =	vmul.f32 v43, v13;
	v51 =	vld.idx.msk [tilespmem:v54+s20+$0x0], $0xffff;
	v26 =	vadd.f32 v61, v26  }
0x2a8: {  	v52 =	vld.idx.msk [tilespmem:v45+s20+$0x0], $0xffff;
	v53 =	vor.u32 $0x10, v39;
	v21 =	vmul.f32 v57, v21;
	v22 =	vadd.f32 v22, v23  }
0x2a9: {  	v54 =	vor.u32 $0x17, v36;
	v55 =	vmul.f32 v58, v12;
	v56 =	vld.idx.msk [tilespmem:v59+s20+$0x0], $0xffff;
	v26 =	vadd.f32 v50, v26  }
0x2aa: {  	v57 =	vor.u32 $0x11, v39;
	v20 =	vmul.f32 v62, v20;
	v25 =	vld.idx.msk [tilespmem:v60+s20+$0x0], $0xffff;
	v21 =	vadd.f32 v21, v22  }
0x2ab: {  	v58 =	vor.u32 $0x18, v36;
	v59 =	vmul.f32 v63, v11;
	v60 =	vld.idx.msk [tilespmem:v48+s20+$0x0], $0xffff;
	v26 =	vadd.f32 v55, v26  }
0x2ac: {  	v19 =	vmul.f32 v51, v19;
	v61 =	vor.u32 $0x12, v39;
	v24 =	vld.idx.msk [tilespmem:v49+s20+$0x0], $0xffff;
	v20 =	vadd.f32 v20, v21  }
0x2ad: {  	v62 =	vor.u32 $0x19, v36;
	v63 =	vmul.f32 v52, v8;
	v44 =	vld.idx.msk [tilespmem:v53+s20+$0x0], $0xffff;
	v26 =	vadd.f32 v59, v26  }
0x2ae: {  	v45 =	vor.u32 $0x13, v39;
	v18 =	vmul.f32 v56, v18;
	v23 =	vld.idx.msk [tilespmem:v54+s20+$0x0], $0xffff;
	v19 =	vadd.f32 v19, v20  }
0x2af: {  	v46 =	vor.u32 $0x1A, v36;
	v47 =	vld.idx.msk [tilespmem:v57+s20+$0x0], $0xffff;
	v25 =	vmul.f32 v25, v4;
	v26 =	vadd.f32 v63, v26  }
0x2b0: {  	v48 =	vor.u32 $0x14, v39;
	v49 =	vmul.f32 v60, v16;
	v22 =	vld.idx.msk [tilespmem:v58+s20+$0x0], $0xffff;
	v18 =	vadd.f32 v18, v19  }
0x2b1: {  	v50 =	vor.u32 $0x1B, v36;
	v51 =	vld.idx.msk [tilespmem:v61+s20+$0x0], $0xffff;
	v24 =	vmul.f32 v24, v5;
	v25 =	vadd.f32 v25, v26  }
0x2b2: {  	v52 =	vor.u32 $0x15, v39;
	v53 =	vmul.f32 v44, v14;
	v21 =	vld.idx.msk [tilespmem:v62+s20+$0x0], $0xffff;
	v16 =	vadd.f32 v49, v18  }
0x2b3: {  	v56 =	vld.idx.msk [tilespmem:v45+s20+$0x0], $0xffff;
	v54 =	vmul.f32 v23, v1;
	v55 =	vadd.f32 v24, v25  }
0x2b4: {  	v57 =	vor.u32 $0x16, v39;
	v58 =	vmul.f32 v47, v13;
	v20 =	vld.idx.msk [tilespmem:v46+s20+$0x0], $0xffff;
	v14 =	vadd.f32 v53, v16  }
0x2b5: {  	v60 =	vld.idx.msk [tilespmem:v48+s20+$0x0], $0xffff;
	v59 =	vor.u32 $0x1D, v36;
	v22 =	vmul.f32 v22, v2;
	v18 =	vadd.f32 v54, v55  }
0x2b6: {  	v61 =	vor.u32 $0x17, v39;
	v62 =	vmul.f32 v51, v12;
	v19 =	vld.idx.msk [tilespmem:v50+s20+$0x0], $0xffff;
	v13 =	vadd.f32 v58, v14  }
0x2b7: {  	v32 =	vld.idx.msk [tilespmem:v52+s20+$0x0], $0xffff;
	v63 =	vor.u32 $0x1E, v36;
	v21 =	vmul.f32 v21, v3;
	v18 =	vadd.f32 v22, v18  }
0x2b8: {  	v33 =	vld.idx.msk [tilespmem:v41+s20+$0x0], $0xffff;
	v41 =	vor.u32 $0x18, v39;
	v43 =	vmul.f32 v56, v11;
	v12 =	vadd.f32 v62, v13  }
0x2b9: {  	v44 =	vor.u32 $0x1F, v36;
	v45 =	vld.idx.msk [tilespmem:v57+s20+$0x0], $0xffff;
	v20 =	vmul.f32 v20, v6;
	v18 =	vadd.f32 v21, v18  }
0x2ba: {  	v46 =	vor.u32 $0x19, v39;
	v47 =	vmul.f32 v60, v8;
	v16 =	vld.idx.msk [tilespmem:v59+s20+$0x0], $0xffff;
	v11 =	vadd.f32 v43, v12  }
0x2bb: {  	v49 =	vld.idx.msk [tilespmem:v61+s20+$0x0], $0xffff;
	v48 =	vmul.f32 v19, v7;
	v18 =	vadd.f32 v20, v18  }
0x2bc: {  	v51 =	vmul.f32 v32, v4;
	v50 =	vor.u32 $0x1A, v39;
	v14 =	vld.idx.msk [tilespmem:v63+s20+$0x0], $0xffff;
	v8 =	vadd.f32 v47, v11  }
0x2bd: {  	v52 =	vmul.f32 v33, v9;
	v53 =	vld.idx.msk [tilespmem:v41+s20+$0x0], $0xffff;
	v12 =	vadd.f32 v48, v18  }
0x2be: {  	v54 =	vor.u32 $0x1B, v39;
	v55 =	vmul.f32 v45, v5;
	v13 =	vld.idx.msk [tilespmem:v44+s20+$0x0], $0xffff;
	v4 =	vadd.f32 v51, v8  }
0x2bf: {  	(erf) = vpow2.f32 v42;
	v57 =	vld.idx.msk [tilespmem:v46+s20+$0x0], $0xffff;
	v56 =	vmul.f32 v16, v10;
	v11 =	vadd.f32 v52, v12  }
0x2c0: {  	v58 =	vor.u32 $0x1C, v39;
	v59 =	vmul.f32 v49, v1;
	v4 =	vadd.f32 v55, v4  }
0x2c1: {  	v61 =	vld.idx.msk [tilespmem:v50+s20+$0x0], $0xffff;
	v60 =	vmul.f32 v14, v15;
	v8 =	vadd.f32 v56, v11  }
0x2c2: {  	v62 =	vor.u32 $0x1D, v39;
	v63 =	vmul.f32 v53, v2;
	v1 =	vadd.f32 v59, v4  }
0x2c3: {  	v19 =	vld.idx.msk [tilespmem:v54+s20+$0x0], $0xffff;
	v18 =	vmul.f32 v13, v17;
	v5 =	vadd.f32 v60, v8  }
0x2c4: {  	v20 =	vor.u32 $0x1E, v39;
	v21 =	vmul.f32 v57, v3;
	v1 =	vadd.f32 v63, v1  }
0x2c5: {  	v23 =	vld.idx.msk [tilespmem:v58+s20+$0x0], $0xffff;
	v22 =	vadd.f32 v18, v5  }
0x2c6: {  	v24 =	vor.u32 $0x1F, v39;
	v25 =	vmul.f32 v61, v6;
	v1 =	vadd.f32 v21, v1  }
0x2c7: {  	v27 =	vld.idx.msk [tilespmem:v62+s20+$0x0], $0xffff;
	v26 =	vand.u32 $0x7FFFFFFF, v22  }
0x2c8: {  	v28 =	vpop (erf);
	v29 =	vmul.f32 v19, v7;
	v3 =	vsub.f32 $0.0e+00, v26;
	v1 =	vadd.f32 v25, v1  }
0x2c9: {  	v30 =	vadd.f32 $2.000000000e+00, v28;
	v31 =	vld.idx.msk [tilespmem:v20+s20+$0x0], $0xffff  }
0x2ca: {  	v4 =	vmul.f32 v23, v9;
	v3 =	vmul.f32 $1.442695020e+00, v3;
	v1 =	vadd.f32 v29, v1  }
0x2cb: {  	(erf) = vrcp.f32 v30;
	v5 =	vld.idx.msk [tilespmem:v24+s20+$0x0], $0xffff  }
0x2cc: {  	v32 =	vmul.f32 v27, v10;
	(erf) = vpow2.f32 v3;
	v1 =	vadd.f32 v4, v1;
	_ =	sdelay $0x1  }
0x2cd: {  	v33 =	vmul.f32 v31, v15;
	v1 =	vadd.f32 v32, v1;
	_ =	sdelay $0x1  }
0x2ce: {  	v36 =	vmul.f32 v5, v17;
	v1 =	vadd.f32 v33, v1;
	_ =	sdelay $0x1  }
0x2cf: {  	v1 =	vadd.f32 v36, v1;
	_ =	sdelay $0x1  }
0x2d0: {  	v39 =	vpop (erf);
	v41 =	vand.u32 $0x7FFFFFFF, v1  }
0x2d1: {  	v42 =	vpop (erf);
	v4 =	vsub.f32 $0.0e+00, v41  }
0x2d2: {  	v43 =	vadd.f32 $2.000000000e+00, v42  }
0x2d3: {  	v4 =	vmul.f32 $1.442695020e+00, v4  }
0x2d4: {  	(erf) = vrcp.f32 v43  }
0x2d5: {  	(erf) = vpow2.f32 v4;
	_ =	sdelay $0x7  }
0x2d6: {  	v44 =	vpop (erf)  }
0x2d7: {  	v45 =	vpop (erf)  }
0x2d8: {  	v46 =	vadd.f32 $2.000000000e+00, v45;
	_ =	sdelay $0x1  }
0x2d9: {  	(erf) = vrcp.f32 v46;
	_ =	sdelay $0x4  }
0x2da: {  	v3 =	vmul.f32 v39, v28;
	_ =	sdelay $0x1  }
0x2db: {  	v47 =	vmul.f32 v3, v3  }
0x2dc: {  	v4 =	vmul.f32 v44, v42  }
0x2dd: {  	v48 =	vmul.f32 $9.090909360e-02, v47;
	v49 =	vpop (erf)  }
0x2de: {  	v50 =	vmul.f32 v4, v4;
	v6 =	vmul.f32 v49, v45  }
0x2df: {  	v5 =	vadd.f32 $1.111111120e-01, v48  }
0x2e0: {  	v51 =	vmul.f32 $9.090909360e-02, v50;
	v52 =	vmul.f32 v6, v6  }
0x2e1: {  	v5 =	vmul.f32 v5, v47  }
0x2e2: {  	v8 =	vadd.f32 $1.111111120e-01, v51;
	v53 =	vmul.f32 $9.090909360e-02, v52  }
0x2e3: {  	v5 =	vadd.f32 $1.428571490e-01, v5  }
0x2e4: {  	v8 =	vmul.f32 v8, v50;
	v11 =	vadd.f32 $1.111111120e-01, v53  }
0x2e5: {  	v5 =	vmul.f32 v5, v47  }
0x2e6: {  	v8 =	vadd.f32 $1.428571490e-01, v8;
	v11 =	vmul.f32 v11, v52  }
0x2e7: {  	v5 =	vadd.f32 $2.000000030e-01, v5  }
0x2e8: {  	v8 =	vmul.f32 v8, v50;
	v11 =	vadd.f32 $1.428571490e-01, v11  }
0x2e9: {  	v54 =	vadd.f32 $3.333333430e-01, v40;
	v5 =	vmul.f32 v5, v47  }
0x2ea: {  	v8 =	vadd.f32 $2.000000030e-01, v8;
	v11 =	vmul.f32 v11, v52  }
0x2eb: {  	v12 =	vmul.f32 v54, v37;
	v5 =	vadd.f32 $3.333333430e-01, v5  }
0x2ec: {  	v8 =	vmul.f32 v8, v50;
	v11 =	vadd.f32 $2.000000030e-01, v11  }
0x2ed: {  	v12 =	vadd.f32 $1.000000000e+00, v12;
	v55 =	vadd.f32 v34, v34;
	v5 =	vmul.f32 v5, v47  }
0x2ee: {  	v56 =	vadd.f32 $3.333333430e-01, v8;
	v57 =	vmul.f32 v11, v52  }
0x2ef: {  	v58 =	vmul.f32 v12, v55;
	v3 =	vadd.f32 v3, v3;
	v5 =	vadd.f32 $1.000000000e+00, v5  }
0x2f0: {  	v59 =	vmax.f32 v35, $0.0e+00;
	v7 =	vmul.f32 v56, v50;
	v8 =	vadd.f32 $3.333333430e-01, v57  }
0x2f1: {  	v61 =	vmax.f32 v38, $0.0e+00;
	v60 =	vadd.f32 v58, v59;
	v3 =	vmul.f32 v5, v3  }
0x2f2: {  	v4 =	vadd.f32 v4, v4;
	v7 =	vadd.f32 $1.000000000e+00, v7;
	v8 =	vmul.f32 v8, v52  }
0x2f3: {  	v0 =	vadd.f32 v60, v0;
	v3 =	vadd.f32 v3, v61  }
0x2f4: {  	v6 =	vadd.f32 v6, v6;
	v4 =	vmul.f32 v7, v4;
	v62 =	vadd.f32 $1.000000000e+00, v8  }
0x2f5: {  	v2 =	vmax.f32 v22, $0.0e+00  }
0x2f6: {  	s14 =	sadd.s32 $0x1, s14;
	v0 =	vadd.f32 v3, v0;
	v2 =	vadd.f32 v4, v2;
	v63 =	vmul.f32 v62, v6  }
0x2f7: {  	p0 =	sne.s32 s14, $0x8;
	v1 =	vmax.f32 v1, $0.0e+00  }
.Ltmp2:
0x2f8: {  	v0 =	vadd.f32 v2, v0;
	v1 =	vadd.f32 v63, v1;
	(pc) =	sbr.rel @p0 .LBB2_2-.Ltmp2, $3  }
0x2f9: {  	_ = 	snop  }
0x2fa: {  	v0 =	vadd.f32 v1, v0;
	_ =	sdelay $0x1  }
0x2fb: {  	[tilespmem:s22+$0x1AD00] =	vst v0  }
0x2fc: {  	s10 =	rddreg [dreg:$0x16];
	s1 =	simm.s32 $0x0;
	s0 =	simm.s32 $0x1AD00  }
0x2fd: {  	[hbm4b:s10+s1] =	stream.linear.scatter [tilespmem:s0], [sflag:$0x2], $0x80, $0x38;
	[tilespmem:$0x1AD80] =	vst v63  }
0x2fe: {  	_ =	swait.ge [sflag:s3], $0x80  }
0x2ff: {  	s22 =	sld [smem:$0x7FC];
	_ =	sdelay $0x2  }
0x300: {  	s8 =	rddreg [dreg:$0x18];
	s0 =	sadd.s32 $0x1, s22  }
0x301: {  	p0 =	sne.s32 s0, s8  }
.Ltmp3:
0x302: {  	_ = 	snop;
	(pc) =	sbr.rel @p0 .LBB2_1-.Ltmp3, $3  }
0x303: {  	_ =	sdelay $0x1  }
0x304: {  	[sflag:s3] =	ssyncset.done $0x0  }
0x305: {  	[sflag:s3] =	ssyncadd.s32 $0xFFFFFF80  }
0x306: {  	_ =	sfence.sel $0x180000  }
0x307: {  	[bflag:$0x0] =	sbarrier.arrive $0xFFFF  }
0x308: {  	_ =	strace $0x90000047  }
0x309: {  	s0 =	stileid.u32;
	[bflag:$0x2] =	sbarrier.arrive $0xFFFF  }
0x30a: {  	p0 =	sne.s32 s0, $0x0;
	s0 =	rddreg [dreg:$0x3]  }
0x30b: {  	s0 =	sadd.s32 @!p0 $0x100000, s0  }
0x30c: {  	[sflag:s0] =	ssyncadd.tile.s32 @!p0 $0x1;
	_ =	shalt  }
.Lfunc_end2:
_tile_overlayer_lowered:
.L_overlay_start_2:
0x30d: {  	(tag) =	ssettag $0x2  }
0x30e: {  	s0 =	rddreg [dreg:$0x0];
	s2 =	stileid.u32  }
0x30f: {  	s1 =	rddreg [dreg:$0x1];
	p0 =	sne.s32 s2, $0x0  }
0x310: {  	s3 =	rddreg [dreg:$0x2];
	[bflag:$0x3] =	sbarrier.arrive $0xFFFF;
	s2 =	simm.s32 @!p0 $0x1C02  }
0x311: {  	[timem:s3], [sflag:s2] =	dma.local @!p0 [hbm:s0], s1  }
0x312: {  	s0 =	simm.s32 @!p0 $0x2  }
0x313: {  	_ =	swait.ge @!p0 [sflag:s0], s1  }
0x314: {  	s1 =	ssub.s32 @!p0 $0x0, s1;
	[sflag:s0] =	ssyncset.done @!p0 $0x0  }
0x315: {  	[sflag:s0] =	ssyncadd.s32 @!p0 s1  }
0x316: {  	[bflag:$0x3] =	sbarrier.arrive $0xFFFF  }
0x317: {  	_ =	shalt  }

</sc_bundles>
